<compile_context>
chip_gen: v7x
topology: tpu7x:2x2x1
jax: 0.10.2.dev20260603
libtpu: 0.0.44.dev20260713+nightly
codegen_flags: <defaults>
</compile_context>

<pallas_src>
import functools

import jax
import jax.numpy as jnp
from jax import lax
from jax.experimental import pallas as pl
from jax.experimental.pallas import tpu as pltpu
from jax.experimental.pallas import tpu_sc as plsc

N = 10000
E = 320000
DF = 128
DE = 16
TD = 16
MD = 128
NC = 2
NS = 16
NW = NC * NS
EPT = E // NW
CHUNK = 40
NCHUNK = EPT // CHUNK
NSLOT = 10240


_INV2PI = 0.15915494309189535
_P2HI = 6.2831854820251465
_P2LO = -1.7484556000744883e-07
_COSC = (9.999999979337e-01, -4.999999989937e-01, 4.166666653509e-02,
         -1.388888828899e-03, 2.480156072051e-05, -2.755661835836e-07,
         2.086501806819e-09, -1.135289707997e-11, 4.128381892481e-14)


def _fast_cos(y):
    k = jnp.round(y * _INV2PI)
    r = y - k * _P2HI
    r = r - k * _P2LO
    r2 = r * r
    acc = jnp.full_like(r2, _COSC[8])
    for i in range(7, -1, -1):
        acc = acc * r2 + _COSC[i]
    return acc


def _q_body(twt_ref, ea_ref, wea_ref, wte_ref, b1_ref, o_ref):
    tet = _fast_cos(twt_ref[...])
    q = jnp.dot(ea_ref[...], wea_ref[...], preferred_element_type=jnp.float32)
    q += lax.dot_general(tet, wte_ref[...], (((0,), (0,)), ((), ())),
                         preferred_element_type=jnp.float32)
    o_ref[...] = q + b1_ref[...]


def _compute_q(twt, ea, wea_t, wte_t, b1r, e0, ne):
    BE = 3200
    g0 = e0 // BE
    grid = ne // BE
    return pl.pallas_call(
        _q_body,
        grid=(grid,),
        in_specs=[
            pl.BlockSpec((TD, BE), lambda i: (0, g0 + i)),
            pl.BlockSpec((BE, DE), lambda i: (g0 + i, 0)),
            pl.BlockSpec((DE, MD), lambda i: (0, 0)),
            pl.BlockSpec((TD, MD), lambda i: (0, 0)),
            pl.BlockSpec((1, MD), lambda i: (0, 0)),
        ],
        out_specs=pl.BlockSpec((BE, MD), lambda i: (i, 0)),
        out_shape=jax.ShapeDtypeStruct((ne, MD), jnp.float32),
    )(twt, ea, wea_t, wte_t, b1r)


def _p_body(x_ref, w_ref, o_ref):
    o_ref[...] = jnp.dot(x_ref[...], w_ref[...],
                         preferred_element_type=jnp.float32)


def _compute_p(x, w1x_t):
    BN = 2000
    return pl.pallas_call(
        _p_body,
        grid=(N // BN,),
        in_specs=[
            pl.BlockSpec((BN, DF), lambda i: (i, 0)),
            pl.BlockSpec((DF, MD), lambda i: (0, 0)),
        ],
        out_specs=pl.BlockSpec((BN, MD), lambda i: (i, 0)),
        out_shape=jax.ShapeDtypeStruct((N, MD), jnp.float32),
    )(x, w1x_t)


def _sc_edge_kernel(EPT, NCHUNK,
                    p_hbm, q_hbm, src_hbm, dst_hbm, z_hbm, out_hbm, cnt_hbm,
                    src0, src1, dst0, dst1, sdst0, sdst1,
                    rows0, rows1, q0, q1, h0, h1, cloc_v, acc_sh,
                    si0, si1, sg0, sg1, sq0, sq1, ss0, ss1):
    src_v = (src0, src1)
    dst_v = (dst0, dst1)
    sdst_v = (sdst0, sdst1)
    rows_v = (rows0, rows1)
    q_v = (q0, q1)
    h_v = (h0, h1)
    sem_i = (si0, si1)
    sem_g = (sg0, sg1)
    sem_q = (sq0, sq1)
    sem_s = (ss0, ss1)
    cid = lax.axis_index("c")
    sid = lax.axis_index("s")
    wid = sid * NC + cid
    base = wid * EPT

    NSL = N // 10

    @pl.loop(0, NSLOT // 16)
    def _zcnt(i):
        cloc_v[pl.ds(i * 16, 16)] = jnp.zeros((16,), jnp.float32)

    @pl.when(sid < 10)
    def _zcp():
        pltpu.sync_copy(z_hbm.at[pl.ds(sid * NSL, NSL)],
                        acc_sh.at[pl.ds(sid * NSL, NSL)])

    plsc.subcore_barrier()

    ones = jnp.full((16,), 1.0, jnp.float32)
    lane = lax.iota(jnp.int32, 16)
    tailmask = lane >= 8

    def _idx_copies(j, s):
        off = base + j * CHUNK
        return (pltpu.make_async_copy(src_hbm.at[pl.ds(off, CHUNK)], src_v[s],
                                      sem_i[s]),
                pltpu.make_async_copy(dst_hbm.at[pl.ds(off, CHUNK)], dst_v[s],
                                      sem_i[s]))

    def _gather_copy(s):
        return pltpu.make_async_copy(p_hbm.at[src_v[s]], rows_v[s], sem_g[s])

    def _qload_copy(j, s):
        off = base + j * CHUNK
        return pltpu.make_async_copy(q_hbm.at[pl.ds(off, CHUNK)], q_v[s],
                                     sem_q[s])

    def _chunk_body(jj, j, s, first, more1, more2):
        @pl.when(~first)
        def _w0():
            pltpu.make_async_copy(h_v[s], acc_sh.at[sdst_v[s]],
                                  sem_s[s]).wait()
        _gather_copy(s).wait()
        _qload_copy(j, s).wait()
        @pl.when(more1)
        def _l1():
            for c in _idx_copies(j + 1, 1 - s):
                c.wait()
            _gather_copy(1 - s).start()
            _qload_copy(j + 1, 1 - s).start()
        @pl.loop(0, CHUNK)
        def _row(r):
            for v in range(MD // 16):
                a = rows_v[s][r, pl.ds(v * 16, 16)]
                b = q_v[s][r, pl.ds(v * 16, 16)]
                h_v[s][r, pl.ds(v * 16, 16)] = jnp.maximum(a + b, 0.0)
        plsc.addupdate_scatter(cloc_v, [dst_v[s][pl.ds(0, 16)]], ones)
        plsc.addupdate_scatter(cloc_v, [dst_v[s][pl.ds(16, 16)]], ones)
        plsc.addupdate_scatter(cloc_v, [dst_v[s][pl.ds(24, 16)]], ones,
                               mask=tailmask)
        sdst_v[s][pl.ds(0, 16)] = dst_v[s][pl.ds(0, 16)]
        sdst_v[s][pl.ds(16, 16)] = dst_v[s][pl.ds(16, 16)]
        sdst_v[s][pl.ds(24, 16)] = dst_v[s][pl.ds(24, 16)]
        pltpu.async_copy(h_v[s], acc_sh.at[sdst_v[s]], sem_s[s], add=True)
        @pl.when(more2)
        def _l2():
            for c in _idx_copies(j + 2, s):
                c.start()

    for c in _idx_copies(0, 0):
        c.start()
    for c in _idx_copies(1, 1):
        c.start()
    for c in _idx_copies(0, 0):
        c.wait()
    _gather_copy(0).start()
    _qload_copy(0, 0).start()

    @pl.loop(0, NCHUNK // 2)
    def _step(jj):
        j0 = jj * 2
        _chunk_body(jj, j0, 0, jj == 0, j0 + 1 < NCHUNK, j0 + 2 < NCHUNK)
        _chunk_body(jj, j0 + 1, 1, jj == 0, j0 + 2 < NCHUNK, j0 + 3 < NCHUNK)

    if NCHUNK % 2:
        _chunk_body(0, NCHUNK - 1, 0, NCHUNK == 1, False, False)

    pltpu.make_async_copy(h_v[1 - NCHUNK % 2],
                          acc_sh.at[sdst_v[1 - NCHUNK % 2]],
                          sem_s[1 - NCHUNK % 2]).wait()
    pltpu.make_async_copy(h_v[NCHUNK % 2], acc_sh.at[sdst_v[NCHUNK % 2]],
                          sem_s[NCHUNK % 2]).wait()

    pltpu.sync_copy(cloc_v, cnt_hbm.at[pl.ds(wid * NSLOT, NSLOT)])
    plsc.subcore_barrier()

    @pl.when(sid < 10)
    def _dump():
        pltpu.sync_copy(acc_sh.at[pl.ds(sid * NSL, NSL)],
                        out_hbm.at[cid, pl.ds(sid * NSL, NSL)])


def _sc_edge(p, q, src, dst, z):
    ept = q.shape[0] // NW
    nchunk = ept // CHUNK
    mesh = plsc.VectorSubcoreMesh(core_axis_name="c", subcore_axis_name="s")
    kfn = pl.kernel(
        functools.partial(_sc_edge_kernel, ept, nchunk),
        mesh=mesh,
        compiler_params=pltpu.CompilerParams(use_tc_tiling_on_sc=False,
                                             needs_layout_passes=False),
        out_type=(jax.ShapeDtypeStruct((NC, N, MD), jnp.float32),
                  jax.ShapeDtypeStruct((NW * NSLOT,), jnp.float32)),
        scratch_types=[
            pltpu.VMEM((CHUNK,), jnp.int32),
            pltpu.VMEM((CHUNK,), jnp.int32),
            pltpu.VMEM((CHUNK,), jnp.int32),
            pltpu.VMEM((CHUNK,), jnp.int32),
            pltpu.VMEM((CHUNK,), jnp.int32),
            pltpu.VMEM((CHUNK,), jnp.int32),
            pltpu.VMEM((CHUNK, MD), jnp.float32),
            pltpu.VMEM((CHUNK, MD), jnp.float32),
            pltpu.VMEM((CHUNK, MD), jnp.float32),
            pltpu.VMEM((CHUNK, MD), jnp.float32),
            pltpu.VMEM((CHUNK, MD), jnp.float32),
            pltpu.VMEM((CHUNK, MD), jnp.float32),
            pltpu.VMEM((NSLOT,), jnp.float32),
            pltpu.VMEM_SHARED((N, MD), jnp.float32),
            pltpu.SemaphoreType.DMA,
            pltpu.SemaphoreType.DMA,
            pltpu.SemaphoreType.DMA,
            pltpu.SemaphoreType.DMA,
            pltpu.SemaphoreType.DMA,
            pltpu.SemaphoreType.DMA,
            pltpu.SemaphoreType.DMA,
            pltpu.SemaphoreType.DMA,
        ],
    )
    return kfn(p, q, src, dst, z)


def _csum_body(c0_ref, c1_ref, o_ref):
    s = c0_ref[0]
    for i in range(1, NW):
        s = s + c0_ref[i]
    for i in range(NW):
        s = s + c1_ref[i]
    o_ref[...] = s


def _count_reduce(cnt0, cnt1):
    return pl.pallas_call(
        _csum_body,
        grid=(1,),
        in_specs=[pl.BlockSpec((NW, NSLOT // 128, 128), lambda i: (0, 0, 0)),
                  pl.BlockSpec((NW, NSLOT // 128, 128), lambda i: (0, 0, 0))],
        out_specs=pl.BlockSpec((NSLOT // 128, 128), lambda i: (0, 0)),
        out_shape=jax.ShapeDtypeStruct((NSLOT // 128, 128), jnp.float32),
    )(cnt0, cnt1)


def _node_body(sv_ref, sw_ref, cw_ref, w2_ref, b2_ref, wih_ref, bih_ref,
               bhh_ref, wout_ref, bout_ref, o_ref):
    s = (sv_ref[0] + sv_ref[1]) + (sw_ref[0] + sw_ref[1])
    cnt = cw_ref[...]
    has = (cnt > 0.0).astype(jnp.float32)
    agg = jnp.dot(s / jnp.maximum(cnt, 1.0), w2_ref[...],
                  preferred_element_type=jnp.float32)
    agg += b2_ref[...] * has
    gi = jnp.dot(agg, wih_ref[...], preferred_element_type=jnp.float32)
    gi += bih_ref[...]
    bhh = bhh_ref[...]
    r = jax.nn.sigmoid(gi[:, 0:MD] + bhh[:, 0:MD])
    z = jax.nn.sigmoid(gi[:, MD:2 * MD] + bhh[:, MD:2 * MD])
    n = jnp.tanh(gi[:, 2 * MD:3 * MD] + r * bhh[:, 2 * MD:3 * MD])
    mem = (1.0 - z) * n
    o_ref[...] = jnp.dot(mem, wout_ref[...],
                         preferred_element_type=jnp.float32) + bout_ref[...]


def _node_final(sv, sw, cw, w2_t, b2r, wih_t, bihr, bhhr, wout_t, boutr):
    BN = 2000
    return pl.pallas_call(
        _node_body,
        grid=(N // BN,),
        in_specs=[
            pl.BlockSpec((NC, BN, MD), lambda i: (0, i, 0)),
            pl.BlockSpec((NC, BN, MD), lambda i: (0, i, 0)),
            pl.BlockSpec((BN, 1), lambda i: (i, 0)),
            pl.BlockSpec((MD, MD), lambda i: (0, 0)),
            pl.BlockSpec((1, MD), lambda i: (0, 0)),
            pl.BlockSpec((MD, 3 * MD), lambda i: (0, 0)),
            pl.BlockSpec((1, 3 * MD), lambda i: (0, 0)),
            pl.BlockSpec((1, 3 * MD), lambda i: (0, 0)),
            pl.BlockSpec((MD, DF), lambda i: (0, 0)),
            pl.BlockSpec((1, DF), lambda i: (0, 0)),
        ],
        out_specs=pl.BlockSpec((BN, DF), lambda i: (i, 0)),
        out_shape=jax.ShapeDtypeStruct((N, DF), jnp.float32),
    )(sv, sw, cw, w2_t, b2r, wih_t, bihr, bhhr, wout_t, boutr)


def kernel(x, edge_index, edge_attr, t, w_time, b_time, W1, b1, W2, b2,
           W_ih, b_ih, W_hh, b_hh, W_out, b_out):
    src = edge_index[0]
    dst = edge_index[1]
    w1x_t = W1[:, :DF].T
    wea_t = W1[:, DF:DF + DE].T
    wte_t = W1[:, DF + DE:].T
    b1r = b1.reshape(1, MD)

    twt = w_time.reshape(TD, 1) * t[None, :] + b_time.reshape(TD, 1)
    E2 = 115200
    p = _compute_p(x, w1x_t)
    q0 = _compute_q(twt, edge_attr, wea_t, wte_t, b1r, 0, E2)
    q1 = _compute_q(twt, edge_attr, wea_t, wte_t, b1r, E2, E - E2)
    z = jnp.zeros((N, MD), jnp.float32)
    acc0, cnt0 = _sc_edge(p, q0, src[:E2], dst[:E2], z)
    acc1, cnt1 = _sc_edge(p, q1, src[E2:], dst[E2:], z)

    csum = _count_reduce(cnt0.reshape(NW, NSLOT // 128, 128),
                         cnt1.reshape(NW, NSLOT // 128, 128))
    cw = csum.reshape(NSLOT)[:N].reshape(N, 1)
    return _node_final(acc0, acc1, cw, W2.T, b2.reshape(1, MD), W_ih.T,
                       b_ih.reshape(1, 3 * MD), b_hh.reshape(1, 3 * MD),
                       W_out.T, b_out.reshape(1, DF))

# --- scband reference (transcript-rebuilt; emitter-appended) ---
"""Pipeline reference for scband-temporal-graph-network-28604482191751 (READ-ONLY COPY).

The authoritative reference and input builder live on the scoring server;
editing this copy changes nothing except your own understanding.
"""

import jax, jax.numpy as jnp
import numpy as np

N = 10000
E = 320000
DF = 128
DE = 16
TD = 16
MD = 128
MSG = 128


def setup_inputs(seed: int = 0) -> dict:
    key = jax.random.key(seed)
    ks = [jax.random.fold_in(key, i) for i in range(20)]
    x = jax.random.normal(ks[0], (N, DF), dtype=jnp.float32)
    edge_index = jax.random.randint(ks[1], (2, E), 0, N, dtype=jnp.int32)
    edge_attr = jax.random.normal(ks[2], (E, DE), dtype=jnp.float32)
    t = jax.random.uniform(ks[3], (E,), dtype=jnp.float32)
    # TimeEncoder params (xavier-ish w, zero b)
    w_time = jax.random.normal(ks[4], (1, TD), dtype=jnp.float32) * 0.34
    b_time = jnp.zeros((1, TD), dtype=jnp.float32)
    # message MLP: Linear(DF+DE+TD, MSG) -> ReLU -> Linear(MSG, MD)
    W1 = jax.random.normal(ks[5], (MSG, DF + DE + TD), dtype=jnp.float32) * 0.05
    b1 = jnp.zeros((MSG,), dtype=jnp.float32)
    W2 = jax.random.normal(ks[6], (MD, MSG), dtype=jnp.float32) * 0.05
    b2 = jnp.zeros((MD,), dtype=jnp.float32)
    # GRU params (single layer): weight_ih [3H, H], weight_hh [3H, H]
    W_ih = jax.random.normal(ks[7], (3 * MD, MD), dtype=jnp.float32) * 0.05
    b_ih = jnp.zeros((3 * MD,), dtype=jnp.float32)
    W_hh = jax.random.normal(ks[8], (3 * MD, MD), dtype=jnp.float32) * 0.05
    b_hh = jnp.zeros((3 * MD,), dtype=jnp.float32)
    # output projection Linear(MD, DF)
    W_out = jax.random.normal(ks[9], (DF, MD), dtype=jnp.float32) * 0.05
    b_out = jnp.zeros((DF,), dtype=jnp.float32)
    return {
        "x": x, "edge_index": edge_index, "edge_attr": edge_attr, "t": t,
        "w_time": w_time, "b_time": b_time,
        "W1": W1, "b1": b1, "W2": W2, "b2": b2,
        "W_ih": W_ih, "b_ih": b_ih, "W_hh": W_hh, "b_hh": b_hh,
        "W_out": W_out, "b_out": b_out,
    }


def reference(x, edge_index, edge_attr, t, w_time, b_time, W1, b1, W2, b2,
              W_ih, b_ih, W_hh, b_hh, W_out, b_out):
    n_nodes = x.shape[0]
    # time encoding: cos(w * t + b)
    te = jnp.cos(t[:, None] * w_time + b_time)  # [E, TD]
    src = edge_index[0]
    dst = edge_index[1]
    source_features = x[src]  # gather [E, DF]
    message_inputs = jnp.concatenate([source_features, edge_attr, te], axis=1)
    hidden = jnp.maximum(message_inputs @ W1.T + b1, 0.0)
    messages = hidden @ W2.T + b2  # [E, MD]
    # mean aggregation via scatter-add
    agg = jnp.zeros((n_nodes, MD), dtype=jnp.float32).at[dst].add(messages)
    cnt = jnp.zeros((n_nodes, 1), dtype=jnp.float32).at[dst].add(1.0)
    cnt = jnp.clip(cnt, 1.0, None)
    agg = agg / cnt
    # GRU update with zero initial memory
    h = jnp.zeros((n_nodes, MD), dtype=jnp.float32)
    gi = agg @ W_ih.T + b_ih
    gh = h @ W_hh.T + b_hh
    i_r, i_z, i_n = jnp.split(gi, 3, axis=1)
    h_r, h_z, h_n = jnp.split(gh, 3, axis=1)
    r = jax.nn.sigmoid(i_r + h_r)
    z = jax.nn.sigmoid(i_z + h_z)
    n = jnp.tanh(i_n + r * h_n)
    memory = (1.0 - z) * n + z * h
    out = memory @ W_out.T + b_out  # [N, DF]
    return out

if __name__ == "__main__":
    import jax
    _d = setup_inputs()
    print(jax.jit(kernel)(*tuple(_d.values())))

</pallas_src>

<mosaic_0001>
#map = affine_map<(d0, d1) -> (0, 0)>
#map1 = affine_map<(d0, d1) -> (0)>
#map2 = affine_map<(d0, d1) -> (0, 0, 0)>
module attributes {stable_mosaic.version = 14 : i64} {
  func.func @_sc_edge_kernel(%arg0: i32, %arg1: i32, %arg2: memref<10000x128xf32, #tpu.memory_space<hbm>>, %arg3: memref<204800x128xf32, #tpu.memory_space<hbm>>, %arg4: memref<204800xi32, #tpu.memory_space<hbm>>, %arg5: memref<204800xi32, #tpu.memory_space<hbm>>, %arg6: memref<10000x128xf32, #tpu.memory_space<hbm>>, %arg7: memref<2x10000x128xf32, #tpu.memory_space<hbm>>, %arg8: memref<327680xf32, #tpu.memory_space<hbm>>, %arg9: memref<40xi32, #tpu.memory_space<vmem>>, %arg10: memref<40xi32, #tpu.memory_space<vmem>>, %arg11: memref<40xi32, #tpu.memory_space<vmem>>, %arg12: memref<40xi32, #tpu.memory_space<vmem>>, %arg13: memref<40xi32, #tpu.memory_space<vmem>>, %arg14: memref<40xi32, #tpu.memory_space<vmem>>, %arg15: memref<40x128xf32, #tpu.memory_space<vmem>>, %arg16: memref<40x128xf32, #tpu.memory_space<vmem>>, %arg17: memref<40x128xf32, #tpu.memory_space<vmem>>, %arg18: memref<40x128xf32, #tpu.memory_space<vmem>>, %arg19: memref<40x128xf32, #tpu.memory_space<vmem>>, %arg20: memref<40x128xf32, #tpu.memory_space<vmem>>, %arg21: memref<10240xf32, #tpu.memory_space<vmem>>, %arg22: memref<10000x128xf32, #tpu.memory_space<vmem_shared>>, %arg23: memref<!tpu.dma_semaphore, #tpu.memory_space<semaphore_mem>>, %arg24: memref<!tpu.dma_semaphore, #tpu.memory_space<semaphore_mem>>, %arg25: memref<!tpu.dma_semaphore, #tpu.memory_space<semaphore_mem>>, %arg26: memref<!tpu.dma_semaphore, #tpu.memory_space<semaphore_mem>>, %arg27: memref<!tpu.dma_semaphore, #tpu.memory_space<semaphore_mem>>, %arg28: memref<!tpu.dma_semaphore, #tpu.memory_space<semaphore_mem>>, %arg29: memref<!tpu.dma_semaphore, #tpu.memory_space<semaphore_mem>>, %arg30: memref<!tpu.dma_semaphore, #tpu.memory_space<semaphore_mem>>) attributes {dimension_semantics = [#tpu.dimension_semantics<core_parallel>, #tpu.dimension_semantics<subcore_parallel>], iteration_bounds = array<i64: 2, 16>, scalar_prefetch = 0 : i64, scratch_operands = 22 : i64, tpu.core_type = #tpu.core_type<sc_vector_subcore>, window_params = [{transform_indices = #map}, {transform_indices = #map}, {transform_indices = #map1}, {transform_indices = #map1}, {transform_indices = #map}, {transform_indices = #map2}, {transform_indices = #map1}]} {
    %mul3A = arith.constant 2 : i32
    %mul3A_0 = arith.muli %arg1, %mul3A : i32
    %add3A = arith.addi %mul3A_0, %arg0 : i32
    %mul3A_1 = arith.constant 6400 : i32
    %mul3A_2 = arith.muli %add3A, %mul3A_1 : i32
    %scan3A = arith.constant 0 : i32
    %scan3A_3 = arith.constant 640 : i32
    %scan3A_4 = arith.addi %scan3A, %scan3A_3 : i32
    %scan3A_5 = arith.constant 1 : i32
    scf.for %scan3A_56 = %scan3A to %scan3A_4 step %scan3A_5  : i32 {
      %mul3A_57 = arith.constant 1 : i32
      %mul3A_58 = arith.muli %scan3A_56, %mul3A_57 : i32
      %add3A_59 = arith.constant 0 : i32
      %add3A_60 = arith.addi %add3A_59, %mul3A_58 : i32
      %broadcast_in_dim3A_61 = arith.constant 0.000000e+00 : f32
      %broadcast_in_dim3A_62 = vector.broadcast %broadcast_in_dim3A_61 : f32 to vector<16xf32>
      %mul3A_63 = arith.constant 16 : i32
      %mul3A_64 = arith.muli %add3A_60, %mul3A_63 : i32
      %swap3A = arith.index_cast %mul3A_64 : i32 to index
      %swap3A_65 = tpu.vector_load %arg21[%swap3A] {strides = array<i32>} : memref<10240xf32, #tpu.memory_space<vmem>>, vector<16xf32>,
      tpu.vector_store %arg21[%swap3A], %broadcast_in_dim3A_62 {strides = array<i32>} : memref<10240xf32, #tpu.memory_space<vmem>>, vector<16xf32>,
    }
    %scan3A_6 = arith.constant 640 : i32
    %lt3A = arith.constant 10 : i32
    %lt3A_7 = arith.cmpi slt, %arg1, %lt3A : i32
    %convert_element_type3A = arith.extui %lt3A_7 : i1 to i32
    %cond3A = arith.constant 0 : i32
    %cond3A_8 = arith.cmpi ne, %convert_element_type3A, %cond3A : i32
    scf.if %cond3A_8 {
      %mul3A_56 = arith.constant 1000 : i32
      %mul3A_57 = arith.muli %arg1, %mul3A_56 : i32
      %mul3A_58 = arith.constant 1000 : i32
      %mul3A_59 = arith.muli %arg1, %mul3A_58 : i32
      "tpu.region"() ({
        %run_scoped3A = tpu.sem_alloc : memref<!tpu.dma_semaphore, #tpu.memory_space<semaphore_mem>>
        %dma_start3A_60 = arith.constant 0 : i32
        %dma_start3A_61 = tpu.memref_slice %arg22[%mul3A_59, %dma_start3A_60] : memref<10000x128xf32, #tpu.memory_space<vmem_shared>> -> memref<1000x128xf32, #tpu.memory_space<vmem_shared>>
        %dma_start3A_62 = arith.constant 0 : i32
        %dma_start3A_63 = tpu.memref_slice %arg6[%mul3A_57, %dma_start3A_62] : memref<10000x128xf32, #tpu.memory_space<hbm>> -> memref<1000x128xf32, #tpu.memory_space<hbm>>
        tpu.enqueue_dma source(%dma_start3A_63 : memref<1000x128xf32, #tpu.memory_space<hbm>>) target(%dma_start3A_61 : memref<1000x128xf32, #tpu.memory_space<vmem_shared>>) target_semaphore(%run_scoped3A : memref<!tpu.dma_semaphore, #tpu.memory_space<semaphore_mem>>)
        %dma_wait3A_64 = arith.constant 0 : i32
        %dma_wait3A_65 = tpu.memref_slice %arg22[%mul3A_59, %dma_wait3A_64] : memref<10000x128xf32, #tpu.memory_space<vmem_shared>> -> memref<1000x128xf32, #tpu.memory_space<vmem_shared>>
        %dma_wait3A_66 = arith.constant 0 : i32
        %dma_wait3A_67 = tpu.memref_slice %arg6[%mul3A_57, %dma_wait3A_66] : memref<10000x128xf32, #tpu.memory_space<hbm>> -> memref<1000x128xf32, #tpu.memory_space<hbm>>
        tpu.wait_dma2 semaphore(%run_scoped3A : memref<!tpu.dma_semaphore, #tpu.memory_space<semaphore_mem>>) src(%dma_wait3A_67 : memref<1000x128xf32, #tpu.memory_space<hbm>>) dst(%dma_wait3A_65 : memref<1000x128xf32, #tpu.memory_space<vmem_shared>>)
        tpu.yield
      }) : () -> ()
    } else {
    }
    %barrier3A = arith.constant 0 : index
    tpu.barrier barrier_id(%barrier3A)
    %broadcast_in_dim3A = arith.constant 1.000000e+00 : f32
    %broadcast_in_dim3A_9 = vector.broadcast %broadcast_in_dim3A : f32 to vector<16xf32>
    %iota3A = tpu.iota {dimensions = array<i32: 0>} : vector<16xi32>
    %ge3A = arith.constant 8 : i32
    %ge3A_10 = vector.broadcast %ge3A : i32 to vector<16xi32>
    %ge3A_11 = arith.cmpi sge, %iota3A, %ge3A_10 : vector<16xi32>
    %add3A_12 = arith.constant 0 : i32
    %add3A_13 = arith.addi %mul3A_2, %add3A_12 : i32
    %dma_start3A = tpu.memref_slice %arg4[%add3A_13] : memref<204800xi32, #tpu.memory_space<hbm>> -> memref<40xi32, #tpu.memory_space<hbm>>
    %dma_start3A_14 = tpu.memref_slice %arg4[%add3A_13] : memref<204800xi32, #tpu.memory_space<hbm>> -> memref<40xi32, #tpu.memory_space<hbm>>
    tpu.enqueue_dma source(%dma_start3A_14 : memref<40xi32, #tpu.memory_space<hbm>>) target(%arg9 : memref<40xi32, #tpu.memory_space<vmem>>) target_semaphore(%arg23 : memref<!tpu.dma_semaphore, #tpu.memory_space<semaphore_mem>>)
    %dma_start3A_15 = tpu.memref_slice %arg5[%add3A_13] : memref<204800xi32, #tpu.memory_space<hbm>> -> memref<40xi32, #tpu.memory_space<hbm>>
    %dma_start3A_16 = tpu.memref_slice %arg5[%add3A_13] : memref<204800xi32, #tpu.memory_space<hbm>> -> memref<40xi32, #tpu.memory_space<hbm>>
    tpu.enqueue_dma source(%dma_start3A_16 : memref<40xi32, #tpu.memory_space<hbm>>) target(%arg11 : memref<40xi32, #tpu.memory_space<vmem>>) target_semaphore(%arg23 : memref<!tpu.dma_semaphore, #tpu.memory_space<semaphore_mem>>)
    %add3A_17 = arith.constant 40 : i32
    %add3A_18 = arith.addi %mul3A_2, %add3A_17 : i32
    %dma_start3A_19 = tpu.memref_slice %arg4[%add3A_18] : memref<204800xi32, #tpu.memory_space<hbm>> -> memref<40xi32, #tpu.memory_space<hbm>>
    %dma_start3A_20 = tpu.memref_slice %arg4[%add3A_18] : memref<204800xi32, #tpu.memory_space<hbm>> -> memref<40xi32, #tpu.memory_space<hbm>>
    tpu.enqueue_dma source(%dma_start3A_20 : memref<40xi32, #tpu.memory_space<hbm>>) target(%arg10 : memref<40xi32, #tpu.memory_space<vmem>>) target_semaphore(%arg24 : memref<!tpu.dma_semaphore, #tpu.memory_space<semaphore_mem>>)
    %dma_start3A_21 = tpu.memref_slice %arg5[%add3A_18] : memref<204800xi32, #tpu.memory_space<hbm>> -> memref<40xi32, #tpu.memory_space<hbm>>
    %dma_start3A_22 = tpu.memref_slice %arg5[%add3A_18] : memref<204800xi32, #tpu.memory_space<hbm>> -> memref<40xi32, #tpu.memory_space<hbm>>
    tpu.enqueue_dma source(%dma_start3A_22 : memref<40xi32, #tpu.memory_space<hbm>>) target(%arg12 : memref<40xi32, #tpu.memory_space<vmem>>) target_semaphore(%arg24 : memref<!tpu.dma_semaphore, #tpu.memory_space<semaphore_mem>>)
    %add3A_23 = arith.constant 0 : i32
    %add3A_24 = arith.addi %mul3A_2, %add3A_23 : i32
    %dma_wait3A = tpu.memref_slice %arg4[%add3A_24] : memref<204800xi32, #tpu.memory_space<hbm>> -> memref<40xi32, #tpu.memory_space<hbm>>
    %dma_wait3A_25 = tpu.memref_slice %arg4[%add3A_24] : memref<204800xi32, #tpu.memory_space<hbm>> -> memref<40xi32, #tpu.memory_space<hbm>>
    tpu.wait_dma2 semaphore(%arg23 : memref<!tpu.dma_semaphore, #tpu.memory_space<semaphore_mem>>) src(%dma_wait3A_25 : memref<40xi32, #tpu.memory_space<hbm>>) dst(%arg9 : memref<40xi32, #tpu.memory_space<vmem>>)
    %dma_wait3A_26 = tpu.memref_slice %arg5[%add3A_24] : memref<204800xi32, #tpu.memory_space<hbm>> -> memref<40xi32, #tpu.memory_space<hbm>>
    %dma_wait3A_27 = tpu.memref_slice %arg5[%add3A_24] : memref<204800xi32, #tpu.memory_space<hbm>> -> memref<40xi32, #tpu.memory_space<hbm>>
    tpu.wait_dma2 semaphore(%arg23 : memref<!tpu.dma_semaphore, #tpu.memory_space<semaphore_mem>>) src(%dma_wait3A_27 : memref<40xi32, #tpu.memory_space<hbm>>) dst(%arg11 : memref<40xi32, #tpu.memory_space<vmem>>)
    %dma_start3A_28 = arith.constant 0 : i32
    %dma_start3A_29 = arith.constant 0 : i32
    %dma_start3A_30 = tpu.memref_slice %arg2[%dma_start3A_28, %dma_start3A_29] : memref<10000x128xf32, #tpu.memory_space<hbm>> -> memref<10000x128xf32, #tpu.memory_space<hbm>>
    tpu.enqueue_indirect_dma source(%dma_start3A_30 : memref<10000x128xf32, #tpu.memory_space<hbm>>) target(%arg15 : memref<40x128xf32, #tpu.memory_space<vmem>>) offsets(%arg9 : memref<40xi32, #tpu.memory_space<vmem>>) semaphore(%arg25 : memref<!tpu.dma_semaphore, #tpu.memory_space<semaphore_mem>>)
    %add3A_31 = arith.constant 0 : i32
    %add3A_32 = arith.addi %mul3A_2, %add3A_31 : i32
    %dma_start3A_33 = arith.constant 0 : i32
    %dma_start3A_34 = tpu.memref_slice %arg3[%add3A_32, %dma_start3A_33] : memref<204800x128xf32, #tpu.memory_space<hbm>> -> memref<40x128xf32, #tpu.memory_space<hbm>>
    %dma_start3A_35 = arith.constant 0 : i32
    %dma_start3A_36 = tpu.memref_slice %arg3[%add3A_32, %dma_start3A_35] : memref<204800x128xf32, #tpu.memory_space<hbm>> -> memref<40x128xf32, #tpu.memory_space<hbm>>
    tpu.enqueue_dma source(%dma_start3A_36 : memref<40x128xf32, #tpu.memory_space<hbm>>) target(%arg17 : memref<40x128xf32, #tpu.memory_space<vmem>>) target_semaphore(%arg27 : memref<!tpu.dma_semaphore, #tpu.memory_space<semaphore_mem>>)
    %scan3A_37 = arith.constant 0 : i32
    %scan3A_38 = arith.constant 80 : i32
    %scan3A_39 = arith.addi %scan3A_37, %scan3A_38 : i32
    %scan3A_40 = arith.constant 1 : i32
    scf.for %scan3A_56 = %scan3A_37 to %scan3A_39 step %scan3A_40  : i32 {
      %mul3A_57 = arith.constant 1 : i32
      %mul3A_58 = arith.muli %scan3A_56, %mul3A_57 : i32
      %add3A_59 = arith.constant 0 : i32
      %add3A_60 = arith.addi %add3A_59, %mul3A_58 : i32
      %mul3A_61 = arith.constant 2 : i32
      %mul3A_62 = arith.muli %add3A_60, %mul3A_61 : i32
      %eq3A = arith.constant 0 : i32
      %eq3A_63 = arith.cmpi eq, %add3A_60, %eq3A : i32
      %add3A_64 = arith.constant 1 : i32
      %add3A_65 = arith.addi %mul3A_62, %add3A_64 : i32
      %lt3A_66 = arith.constant 160 : i32
      %lt3A_67 = arith.cmpi slt, %add3A_65, %lt3A_66 : i32
      %add3A_68 = arith.constant 2 : i32
      %add3A_69 = arith.addi %mul3A_62, %add3A_68 : i32
      %lt3A_70 = arith.constant 160 : i32
      %lt3A_71 = arith.cmpi slt, %add3A_69, %lt3A_70 : i32
      %not3A = arith.constant true
      %not3A_72 = arith.xori %eq3A_63, %not3A : i1
      %convert_element_type3A_73 = arith.extui %not3A_72 : i1 to i32
      %cond3A_74 = arith.constant 0 : i32
      %cond3A_75 = arith.cmpi ne, %convert_element_type3A_73, %cond3A_74 : i32
      scf.if %cond3A_75 {
        %dma_wait3A_175 = arith.constant 0 : i32
        %dma_wait3A_176 = arith.constant 0 : i32
        %dma_wait3A_177 = tpu.memref_slice %arg22[%dma_wait3A_175, %dma_wait3A_176] : memref<10000x128xf32, #tpu.memory_space<vmem_shared>> -> memref<10000x128xf32, #tpu.memory_space<vmem_shared>>
        tpu.wait_indirect_dma semaphore(%arg29 : memref<!tpu.dma_semaphore, #tpu.memory_space<semaphore_mem>>) src(%arg19 : memref<40x128xf32, #tpu.memory_space<vmem>>) dst(%dma_wait3A_177 : memref<10000x128xf32, #tpu.memory_space<vmem_shared>>)
      } else {
      }
      %dma_wait3A_76 = arith.constant 0 : i32
      %dma_wait3A_77 = arith.constant 0 : i32
      %dma_wait3A_78 = tpu.memref_slice %arg2[%dma_wait3A_76, %dma_wait3A_77] : memref<10000x128xf32, #tpu.memory_space<hbm>> -> memref<10000x128xf32, #tpu.memory_space<hbm>>
      tpu.wait_indirect_dma semaphore(%arg25 : memref<!tpu.dma_semaphore, #tpu.memory_space<semaphore_mem>>) src(%dma_wait3A_78 : memref<10000x128xf32, #tpu.memory_space<hbm>>) dst(%arg15 : memref<40x128xf32, #tpu.memory_space<vmem>>)
      %mul3A_79 = arith.constant 40 : i32
      %mul3A_80 = arith.muli %mul3A_62, %mul3A_79 : i32
      %add3A_81 = arith.addi %mul3A_2, %mul3A_80 : i32
      %dma_wait3A_82 = arith.constant 0 : i32
      %dma_wait3A_83 = tpu.memref_slice %arg3[%add3A_81, %dma_wait3A_82] : memref<204800x128xf32, #tpu.memory_space<hbm>> -> memref<40x128xf32, #tpu.memory_space<hbm>>
      %dma_wait3A_84 = arith.constant 0 : i32
      %dma_wait3A_85 = tpu.memref_slice %arg3[%add3A_81, %dma_wait3A_84] : memref<204800x128xf32, #tpu.memory_space<hbm>> -> memref<40x128xf32, #tpu.memory_space<hbm>>
      tpu.wait_dma2 semaphore(%arg27 : memref<!tpu.dma_semaphore, #tpu.memory_space<semaphore_mem>>) src(%dma_wait3A_85 : memref<40x128xf32, #tpu.memory_space<hbm>>) dst(%arg17 : memref<40x128xf32, #tpu.memory_space<vmem>>)
      %convert_element_type3A_86 = arith.extui %lt3A_67 : i1 to i32
      %cond3A_87 = arith.constant 0 : i32
      %cond3A_88 = arith.cmpi ne, %convert_element_type3A_86, %cond3A_87 : i32
      scf.if %cond3A_88 {
        %add3A_175 = arith.constant 1 : i32
        %add3A_176 = arith.addi %mul3A_62, %add3A_175 : i32
        %mul3A_177 = arith.constant 40 : i32
        %mul3A_178 = arith.muli %add3A_176, %mul3A_177 : i32
        %add3A_179 = arith.addi %mul3A_2, %mul3A_178 : i32
        %dma_wait3A_180 = tpu.memref_slice %arg4[%add3A_179] : memref<204800xi32, #tpu.memory_space<hbm>> -> memref<40xi32, #tpu.memory_space<hbm>>
        %dma_wait3A_181 = tpu.memref_slice %arg4[%add3A_179] : memref<204800xi32, #tpu.memory_space<hbm>> -> memref<40xi32, #tpu.memory_space<hbm>>
        tpu.wait_dma2 semaphore(%arg24 : memref<!tpu.dma_semaphore, #tpu.memory_space<semaphore_mem>>) src(%dma_wait3A_181 : memref<40xi32, #tpu.memory_space<hbm>>) dst(%arg10 : memref<40xi32, #tpu.memory_space<vmem>>)
        %dma_wait3A_182 = tpu.memref_slice %arg5[%add3A_179] : memref<204800xi32, #tpu.memory_space<hbm>> -> memref<40xi32, #tpu.memory_space<hbm>>
        %dma_wait3A_183 = tpu.memref_slice %arg5[%add3A_179] : memref<204800xi32, #tpu.memory_space<hbm>> -> memref<40xi32, #tpu.memory_space<hbm>>
        tpu.wait_dma2 semaphore(%arg24 : memref<!tpu.dma_semaphore, #tpu.memory_space<semaphore_mem>>) src(%dma_wait3A_183 : memref<40xi32, #tpu.memory_space<hbm>>) dst(%arg12 : memref<40xi32, #tpu.memory_space<vmem>>)
        %dma_start3A_184 = arith.constant 0 : i32
        %dma_start3A_185 = arith.constant 0 : i32
        %dma_start3A_186 = tpu.memref_slice %arg2[%dma_start3A_184, %dma_start3A_185] : memref<10000x128xf32, #tpu.memory_space<hbm>> -> memref<10000x128xf32, #tpu.memory_space<hbm>>
        tpu.enqueue_indirect_dma source(%dma_start3A_186 : memref<10000x128xf32, #tpu.memory_space<hbm>>) target(%arg16 : memref<40x128xf32, #tpu.memory_space<vmem>>) offsets(%arg10 : memref<40xi32, #tpu.memory_space<vmem>>) semaphore(%arg26 : memref<!tpu.dma_semaphore, #tpu.memory_space<semaphore_mem>>)
        %add3A_187 = arith.constant 1 : i32
        %add3A_188 = arith.addi %mul3A_62, %add3A_187 : i32
        %mul3A_189 = arith.constant 40 : i32
        %mul3A_190 = arith.muli %add3A_188, %mul3A_189 : i32
        %add3A_191 = arith.addi %mul3A_2, %mul3A_190 : i32
        %dma_start3A_192 = arith.constant 0 : i32
        %dma_start3A_193 = tpu.memref_slice %arg3[%add3A_191, %dma_start3A_192] : memref<204800x128xf32, #tpu.memory_space<hbm>> -> memref<40x128xf32, #tpu.memory_space<hbm>>
        %dma_start3A_194 = arith.constant 0 : i32
        %dma_start3A_195 = tpu.memref_slice %arg3[%add3A_191, %dma_start3A_194] : memref<204800x128xf32, #tpu.memory_space<hbm>> -> memref<40x128xf32, #tpu.memory_space<hbm>>
        tpu.enqueue_dma source(%dma_start3A_195 : memref<40x128xf32, #tpu.memory_space<hbm>>) target(%arg18 : memref<40x128xf32, #tpu.memory_space<vmem>>) target_semaphore(%arg28 : memref<!tpu.dma_semaphore, #tpu.memory_space<semaphore_mem>>)
      } else {
      }
      %scan3A_89 = arith.constant 0 : i32
      %scan3A_90 = arith.constant 40 : i32
      %scan3A_91 = arith.addi %scan3A_89, %scan3A_90 : i32
      %scan3A_92 = arith.constant 1 : i32
      scf.for %scan3A_175 = %scan3A_89 to %scan3A_91 step %scan3A_92  : i32 {
        %mul3A_176 = arith.constant 1 : i32
        %mul3A_177 = arith.muli %scan3A_175, %mul3A_176 : i32
        %add3A_178 = arith.constant 0 : i32
        %add3A_179 = arith.addi %add3A_178, %mul3A_177 : i32
        %get3A_180 = arith.index_cast %add3A_179 : i32 to index
        %get3A_181 = arith.constant 0 : index
        %get3A_182 = tpu.vector_load %arg15[%get3A_180, %get3A_181] {strides = array<i32>} : memref<40x128xf32, #tpu.memory_space<vmem>>, vector<16xf32>,
        %get3A_183 = arith.index_cast %add3A_179 : i32 to index
        %get3A_184 = arith.constant 0 : index
        %get3A_185 = tpu.vector_load %arg17[%get3A_183, %get3A_184] {strides = array<i32>} : memref<40x128xf32, #tpu.memory_space<vmem>>, vector<16xf32>,
        %add3A_186 = arith.addf %get3A_182, %get3A_185 : vector<16xf32>
        %max3A = arith.constant 0.000000e+00 : f32
        %max3A_187 = vector.broadcast %max3A : f32 to vector<16xf32>
        %max3A_188 = arith.maximumf %add3A_186, %max3A_187 : vector<16xf32>
        %swap3A_189 = arith.index_cast %add3A_179 : i32 to index
        %swap3A_190 = arith.constant 0 : index
        %swap3A_191 = tpu.vector_load %arg19[%swap3A_189, %swap3A_190] {strides = array<i32>} : memref<40x128xf32, #tpu.memory_space<vmem>>, vector<16xf32>,
        tpu.vector_store %arg19[%swap3A_189, %swap3A_190], %max3A_188 {strides = array<i32>} : memref<40x128xf32, #tpu.memory_space<vmem>>, vector<16xf32>,
        %get3A_192 = arith.index_cast %add3A_179 : i32 to index
        %get3A_193 = arith.constant 16 : index
        %get3A_194 = tpu.vector_load %arg15[%get3A_192, %get3A_193] {strides = array<i32>} : memref<40x128xf32, #tpu.memory_space<vmem>>, vector<16xf32>,
        %get3A_195 = arith.index_cast %add3A_179 : i32 to index
        %get3A_196 = arith.constant 16 : index
        %get3A_197 = tpu.vector_load %arg17[%get3A_195, %get3A_196] {strides = array<i32>} : memref<40x128xf32, #tpu.memory_space<vmem>>, vector<16xf32>,
        %add3A_198 = arith.addf %get3A_194, %get3A_197 : vector<16xf32>
        %max3A_199 = arith.constant 0.000000e+00 : f32
        %max3A_200 = vector.broadcast %max3A_199 : f32 to vector<16xf32>
        %max3A_201 = arith.maximumf %add3A_198, %max3A_200 : vector<16xf32>
        %swap3A_202 = arith.index_cast %add3A_179 : i32 to index
        %swap3A_203 = arith.constant 16 : index
        %swap3A_204 = tpu.vector_load %arg19[%swap3A_202, %swap3A_203] {strides = array<i32>} : memref<40x128xf32, #tpu.memory_space<vmem>>, vector<16xf32>,
        tpu.vector_store %arg19[%swap3A_202, %swap3A_203], %max3A_201 {strides = array<i32>} : memref<40x128xf32, #tpu.memory_space<vmem>>, vector<16xf32>,
        %get3A_205 = arith.index_cast %add3A_179 : i32 to index
        %get3A_206 = arith.constant 32 : index
        %get3A_207 = tpu.vector_load %arg15[%get3A_205, %get3A_206] {strides = array<i32>} : memref<40x128xf32, #tpu.memory_space<vmem>>, vector<16xf32>,
        %get3A_208 = arith.index_cast %add3A_179 : i32 to index
        %get3A_209 = arith.constant 32 : index
        %get3A_210 = tpu.vector_load %arg17[%get3A_208, %get3A_209] {strides = array<i32>} : memref<40x128xf32, #tpu.memory_space<vmem>>, vector<16xf32>,
        %add3A_211 = arith.addf %get3A_207, %get3A_210 : vector<16xf32>
        %max3A_212 = arith.constant 0.000000e+00 : f32
        %max3A_213 = vector.broadcast %max3A_212 : f32 to vector<16xf32>
        %max3A_214 = arith.maximumf %add3A_211, %max3A_213 : vector<16xf32>
        %swap3A_215 = arith.index_cast %add3A_179 : i32 to index
        %swap3A_216 = arith.constant 32 : index
        %swap3A_217 = tpu.vector_load %arg19[%swap3A_215, %swap3A_216] {strides = array<i32>} : memref<40x128xf32, #tpu.memory_space<vmem>>, vector<16xf32>,
        tpu.vector_store %arg19[%swap3A_215, %swap3A_216], %max3A_214 {strides = array<i32>} : memref<40x128xf32, #tpu.memory_space<vmem>>, vector<16xf32>,
        %get3A_218 = arith.index_cast %add3A_179 : i32 to index
        %get3A_219 = arith.constant 48 : index
        %get3A_220 = tpu.vector_load %arg15[%get3A_218, %get3A_219] {strides = array<i32>} : memref<40x128xf32, #tpu.memory_space<vmem>>, vector<16xf32>,
        %get3A_221 = arith.index_cast %add3A_179 : i32 to index
        %get3A_222 = arith.constant 48 : index
        %get3A_223 = tpu.vector_load %arg17[%get3A_221, %get3A_222] {strides = array<i32>} : memref<40x128xf32, #tpu.memory_space<vmem>>, vector<16xf32>,
        %add3A_224 = arith.addf %get3A_220, %get3A_223 : vector<16xf32>
        %max3A_225 = arith.constant 0.000000e+00 : f32
        %max3A_226 = vector.broadcast %max3A_225 : f32 to vector<16xf32>
        %max3A_227 = arith.maximumf %add3A_224, %max3A_226 : vector<16xf32>
        %swap3A_228 = arith.index_cast %add3A_179 : i32 to index
        %swap3A_229 = arith.constant 48 : index
        %swap3A_230 = tpu.vector_load %arg19[%swap3A_228, %swap3A_229] {strides = array<i32>} : memref<40x128xf32, #tpu.memory_space<vmem>>, vector<16xf32>,
        tpu.vector_store %arg19[%swap3A_228, %swap3A_229], %max3A_227 {strides = array<i32>} : memref<40x128xf32, #tpu.memory_space<vmem>>, vector<16xf32>,
        %get3A_231 = arith.index_cast %add3A_179 : i32 to index
        %get3A_232 = arith.constant 64 : index
        %get3A_233 = tpu.vector_load %arg15[%get3A_231, %get3A_232] {strides = array<i32>} : memref<40x128xf32, #tpu.memory_space<vmem>>, vector<16xf32>,
        %get3A_234 = arith.index_cast %add3A_179 : i32 to index
        %get3A_235 = arith.constant 64 : index
        %get3A_236 = tpu.vector_load %arg17[%get3A_234, %get3A_235] {strides = array<i32>} : memref<40x128xf32, #tpu.memory_space<vmem>>, vector<16xf32>,
        %add3A_237 = arith.addf %get3A_233, %get3A_236 : vector<16xf32>
        %max3A_238 = arith.constant 0.000000e+00 : f32
        %max3A_239 = vector.broadcast %max3A_238 : f32 to vector<16xf32>
        %max3A_240 = arith.maximumf %add3A_237, %max3A_239 : vector<16xf32>
        %swap3A_241 = arith.index_cast %add3A_179 : i32 to index
        %swap3A_242 = arith.constant 64 : index
        %swap3A_243 = tpu.vector_load %arg19[%swap3A_241, %swap3A_242] {strides = array<i32>} : memref<40x128xf32, #tpu.memory_space<vmem>>, vector<16xf32>,
        tpu.vector_store %arg19[%swap3A_241, %swap3A_242], %max3A_240 {strides = array<i32>} : memref<40x128xf32, #tpu.memory_space<vmem>>, vector<16xf32>,
        %get3A_244 = arith.index_cast %add3A_179 : i32 to index
        %get3A_245 = arith.constant 80 : index
        %get3A_246 = tpu.vector_load %arg15[%get3A_244, %get3A_245] {strides = array<i32>} : memref<40x128xf32, #tpu.memory_space<vmem>>, vector<16xf32>,
        %get3A_247 = arith.index_cast %add3A_179 : i32 to index
        %get3A_248 = arith.constant 80 : index
        %get3A_249 = tpu.vector_load %arg17[%get3A_247, %get3A_248] {strides = array<i32>} : memref<40x128xf32, #tpu.memory_space<vmem>>, vector<16xf32>,
        %add3A_250 = arith.addf %get3A_246, %get3A_249 : vector<16xf32>
        %max3A_251 = arith.constant 0.000000e+00 : f32
        %max3A_252 = vector.broadcast %max3A_251 : f32 to vector<16xf32>
        %max3A_253 = arith.maximumf %add3A_250, %max3A_252 : vector<16xf32>
        %swap3A_254 = arith.index_cast %add3A_179 : i32 to index
        %swap3A_255 = arith.constant 80 : index
        %swap3A_256 = tpu.vector_load %arg19[%swap3A_254, %swap3A_255] {strides = array<i32>} : memref<40x128xf32, #tpu.memory_space<vmem>>, vector<16xf32>,
        tpu.vector_store %arg19[%swap3A_254, %swap3A_255], %max3A_253 {strides = array<i32>} : memref<40x128xf32, #tpu.memory_space<vmem>>, vector<16xf32>,
        %get3A_257 = arith.index_cast %add3A_179 : i32 to index
        %get3A_258 = arith.constant 96 : index
        %get3A_259 = tpu.vector_load %arg15[%get3A_257, %get3A_258] {strides = array<i32>} : memref<40x128xf32, #tpu.memory_space<vmem>>, vector<16xf32>,
        %get3A_260 = arith.index_cast %add3A_179 : i32 to index
        %get3A_261 = arith.constant 96 : index
        %get3A_262 = tpu.vector_load %arg17[%get3A_260, %get3A_261] {strides = array<i32>} : memref<40x128xf32, #tpu.memory_space<vmem>>, vector<16xf32>,
        %add3A_263 = arith.addf %get3A_259, %get3A_262 : vector<16xf32>
        %max3A_264 = arith.constant 0.000000e+00 : f32
        %max3A_265 = vector.broadcast %max3A_264 : f32 to vector<16xf32>
        %max3A_266 = arith.maximumf %add3A_263, %max3A_265 : vector<16xf32>
        %swap3A_267 = arith.index_cast %add3A_179 : i32 to index
        %swap3A_268 = arith.constant 96 : index
        %swap3A_269 = tpu.vector_load %arg19[%swap3A_267, %swap3A_268] {strides = array<i32>} : memref<40x128xf32, #tpu.memory_space<vmem>>, vector<16xf32>,
        tpu.vector_store %arg19[%swap3A_267, %swap3A_268], %max3A_266 {strides = array<i32>} : memref<40x128xf32, #tpu.memory_space<vmem>>, vector<16xf32>,
        %get3A_270 = arith.index_cast %add3A_179 : i32 to index
        %get3A_271 = arith.constant 112 : index
        %get3A_272 = tpu.vector_load %arg15[%get3A_270, %get3A_271] {strides = array<i32>} : memref<40x128xf32, #tpu.memory_space<vmem>>, vector<16xf32>,
        %get3A_273 = arith.index_cast %add3A_179 : i32 to index
        %get3A_274 = arith.constant 112 : index
        %get3A_275 = tpu.vector_load %arg17[%get3A_273, %get3A_274] {strides = array<i32>} : memref<40x128xf32, #tpu.memory_space<vmem>>, vector<16xf32>,
        %add3A_276 = arith.addf %get3A_272, %get3A_275 : vector<16xf32>
        %max3A_277 = arith.constant 0.000000e+00 : f32
        %max3A_278 = vector.broadcast %max3A_277 : f32 to vector<16xf32>
        %max3A_279 = arith.maximumf %add3A_276, %max3A_278 : vector<16xf32>
        %swap3A_280 = arith.index_cast %add3A_179 : i32 to index
        %swap3A_281 = arith.constant 112 : index
        %swap3A_282 = tpu.vector_load %arg19[%swap3A_280, %swap3A_281] {strides = array<i32>} : memref<40x128xf32, #tpu.memory_space<vmem>>, vector<16xf32>,
        tpu.vector_store %arg19[%swap3A_280, %swap3A_281], %max3A_279 {strides = array<i32>} : memref<40x128xf32, #tpu.memory_space<vmem>>, vector<16xf32>,
      }
      %scan3A_93 = arith.constant 40 : i32
      %get3A = arith.constant 0 : index
      %get3A_94 = tpu.vector_load %arg11[%get3A] {strides = array<i32>} : memref<40xi32, #tpu.memory_space<vmem>>, vector<16xi32>,
      tpu.vector_store_idx %arg21[%get3A_94], %broadcast_in_dim3A_9 {add = true} : memref<10240xf32, #tpu.memory_space<vmem>>[vector<16xi32>], vector<16xf32>,
      %get3A_95 = arith.constant 16 : index
      %get3A_96 = tpu.vector_load %arg11[%get3A_95] {strides = array<i32>} : memref<40xi32, #tpu.memory_space<vmem>>, vector<16xi32>,
      tpu.vector_store_idx %arg21[%get3A_96], %broadcast_in_dim3A_9 {add = true} : memref<10240xf32, #tpu.memory_space<vmem>>[vector<16xi32>], vector<16xf32>,
      %get3A_97 = arith.constant 24 : index
      %get3A_98 = tpu.vector_load %arg11[%get3A_97] {strides = array<i32>} : memref<40xi32, #tpu.memory_space<vmem>>, vector<16xi32>,
      tpu.vector_store_idx %arg21[%get3A_98], %broadcast_in_dim3A_9 masked %ge3A_11 {add = true} : memref<10240xf32, #tpu.memory_space<vmem>>[vector<16xi32>], vector<16xf32>, vector<16xi1>
      %get3A_99 = arith.constant 0 : index
      %get3A_100 = tpu.vector_load %arg11[%get3A_99] {strides = array<i32>} : memref<40xi32, #tpu.memory_space<vmem>>, vector<16xi32>,
      %swap3A = arith.constant 0 : index
      %swap3A_101 = tpu.vector_load %arg13[%swap3A] {strides = array<i32>} : memref<40xi32, #tpu.memory_space<vmem>>, vector<16xi32>,
      tpu.vector_store %arg13[%swap3A], %get3A_100 {strides = array<i32>} : memref<40xi32, #tpu.memory_space<vmem>>, vector<16xi32>,
      %get3A_102 = arith.constant 16 : index
      %get3A_103 = tpu.vector_load %arg11[%get3A_102] {strides = array<i32>} : memref<40xi32, #tpu.memory_space<vmem>>, vector<16xi32>,
      %swap3A_104 = arith.constant 16 : index
      %swap3A_105 = tpu.vector_load %arg13[%swap3A_104] {strides = array<i32>} : memref<40xi32, #tpu.memory_space<vmem>>, vector<16xi32>,
      tpu.vector_store %arg13[%swap3A_104], %get3A_103 {strides = array<i32>} : memref<40xi32, #tpu.memory_space<vmem>>, vector<16xi32>,
      %get3A_106 = arith.constant 24 : index
      %get3A_107 = tpu.vector_load %arg11[%get3A_106] {strides = array<i32>} : memref<40xi32, #tpu.memory_space<vmem>>, vector<16xi32>,
      %swap3A_108 = arith.constant 24 : index
      %swap3A_109 = tpu.vector_load %arg13[%swap3A_108] {strides = array<i32>} : memref<40xi32, #tpu.memory_space<vmem>>, vector<16xi32>,
      tpu.vector_store %arg13[%swap3A_108], %get3A_107 {strides = array<i32>} : memref<40xi32, #tpu.memory_space<vmem>>, vector<16xi32>,
      %dma_start3A_110 = arith.constant 0 : i32
      %dma_start3A_111 = arith.constant 0 : i32
      %dma_start3A_112 = tpu.memref_slice %arg22[%dma_start3A_110, %dma_start3A_111] : memref<10000x128xf32, #tpu.memory_space<vmem_shared>> -> memref<10000x128xf32, #tpu.memory_space<vmem_shared>>
      tpu.enqueue_indirect_dma source(%arg19 : memref<40x128xf32, #tpu.memory_space<vmem>>) target(%dma_start3A_112 : memref<10000x128xf32, #tpu.memory_space<vmem_shared>>) offsets(%arg13 : memref<40xi32, #tpu.memory_space<vmem>>) semaphore(%arg29 : memref<!tpu.dma_semaphore, #tpu.memory_space<semaphore_mem>>) {add = true}
      %convert_element_type3A_113 = arith.extui %lt3A_71 : i1 to i32
      %cond3A_114 = arith.constant 0 : i32
      %cond3A_115 = arith.cmpi ne, %convert_element_type3A_113, %cond3A_114 : i32
      scf.if %cond3A_115 {
        %add3A_175 = arith.constant 2 : i32
        %add3A_176 = arith.addi %mul3A_62, %add3A_175 : i32
        %mul3A_177 = arith.constant 40 : i32
        %mul3A_178 = arith.muli %add3A_176, %mul3A_177 : i32
        %add3A_179 = arith.addi %mul3A_2, %mul3A_178 : i32
        %dma_start3A_180 = tpu.memref_slice %arg4[%add3A_179] : memref<204800xi32, #tpu.memory_space<hbm>> -> memref<40xi32, #tpu.memory_space<hbm>>
        %dma_start3A_181 = tpu.memref_slice %arg4[%add3A_179] : memref<204800xi32, #tpu.memory_space<hbm>> -> memref<40xi32, #tpu.memory_space<hbm>>
        tpu.enqueue_dma source(%dma_start3A_181 : memref<40xi32, #tpu.memory_space<hbm>>) target(%arg9 : memref<40xi32, #tpu.memory_space<vmem>>) target_semaphore(%arg23 : memref<!tpu.dma_semaphore, #tpu.memory_space<semaphore_mem>>)
        %dma_start3A_182 = tpu.memref_slice %arg5[%add3A_179] : memref<204800xi32, #tpu.memory_space<hbm>> -> memref<40xi32, #tpu.memory_space<hbm>>
        %dma_start3A_183 = tpu.memref_slice %arg5[%add3A_179] : memref<204800xi32, #tpu.memory_space<hbm>> -> memref<40xi32, #tpu.memory_space<hbm>>
        tpu.enqueue_dma source(%dma_start3A_183 : memref<40xi32, #tpu.memory_space<hbm>>) target(%arg11 : memref<40xi32, #tpu.memory_space<vmem>>) target_semaphore(%arg23 : memref<!tpu.dma_semaphore, #tpu.memory_space<semaphore_mem>>)
      } else {
      }
      %add3A_116 = arith.constant 1 : i32
      %add3A_117 = arith.addi %mul3A_62, %add3A_116 : i32
      %eq3A_118 = arith.constant 0 : i32
      %eq3A_119 = arith.cmpi eq, %add3A_60, %eq3A_118 : i32
      %add3A_120 = arith.constant 2 : i32
      %add3A_121 = arith.addi %mul3A_62, %add3A_120 : i32
      %lt3A_122 = arith.constant 160 : i32
      %lt3A_123 = arith.cmpi slt, %add3A_121, %lt3A_122 : i32
      %add3A_124 = arith.constant 3 : i32
      %add3A_125 = arith.addi %mul3A_62, %add3A_124 : i32
      %lt3A_126 = arith.constant 160 : i32
      %lt3A_127 = arith.cmpi slt, %add3A_125, %lt3A_126 : i32
      %not3A_128 = arith.constant true
      %not3A_129 = arith.xori %eq3A_119, %not3A_128 : i1
      %convert_element_type3A_130 = arith.extui %not3A_129 : i1 to i32
      %cond3A_131 = arith.constant 0 : i32
      %cond3A_132 = arith.cmpi ne, %convert_element_type3A_130, %cond3A_131 : i32
      scf.if %cond3A_132 {
        %dma_wait3A_175 = arith.constant 0 : i32
        %dma_wait3A_176 = arith.constant 0 : i32
        %dma_wait3A_177 = tpu.memref_slice %arg22[%dma_wait3A_175, %dma_wait3A_176] : memref<10000x128xf32, #tpu.memory_space<vmem_shared>> -> memref<10000x128xf32, #tpu.memory_space<vmem_shared>>
        tpu.wait_indirect_dma semaphore(%arg30 : memref<!tpu.dma_semaphore, #tpu.memory_space<semaphore_mem>>) src(%arg20 : memref<40x128xf32, #tpu.memory_space<vmem>>) dst(%dma_wait3A_177 : memref<10000x128xf32, #tpu.memory_space<vmem_shared>>)
      } else {
      }
      %dma_wait3A_133 = arith.constant 0 : i32
      %dma_wait3A_134 = arith.constant 0 : i32
      %dma_wait3A_135 = tpu.memref_slice %arg2[%dma_wait3A_133, %dma_wait3A_134] : memref<10000x128xf32, #tpu.memory_space<hbm>> -> memref<10000x128xf32, #tpu.memory_space<hbm>>
      tpu.wait_indirect_dma semaphore(%arg26 : memref<!tpu.dma_semaphore, #tpu.memory_space<semaphore_mem>>) src(%dma_wait3A_135 : memref<10000x128xf32, #tpu.memory_space<hbm>>) dst(%arg16 : memref<40x128xf32, #tpu.memory_space<vmem>>)
      %mul3A_136 = arith.constant 40 : i32
      %mul3A_137 = arith.muli %add3A_117, %mul3A_136 : i32
      %add3A_138 = arith.addi %mul3A_2, %mul3A_137 : i32
      %dma_wait3A_139 = arith.constant 0 : i32
      %dma_wait3A_140 = tpu.memref_slice %arg3[%add3A_138, %dma_wait3A_139] : memref<204800x128xf32, #tpu.memory_space<hbm>> -> memref<40x128xf32, #tpu.memory_space<hbm>>
      %dma_wait3A_141 = arith.constant 0 : i32
      %dma_wait3A_142 = tpu.memref_slice %arg3[%add3A_138, %dma_wait3A_141] : memref<204800x128xf32, #tpu.memory_space<hbm>> -> memref<40x128xf32, #tpu.memory_space<hbm>>
      tpu.wait_dma2 semaphore(%arg28 : memref<!tpu.dma_semaphore, #tpu.memory_space<semaphore_mem>>) src(%dma_wait3A_142 : memref<40x128xf32, #tpu.memory_space<hbm>>) dst(%arg18 : memref<40x128xf32, #tpu.memory_space<vmem>>)
      %convert_element_type3A_143 = arith.extui %lt3A_123 : i1 to i32
      %cond3A_144 = arith.constant 0 : i32
      %cond3A_145 = arith.cmpi ne, %convert_element_type3A_143, %cond3A_144 : i32
      scf.if %cond3A_145 {
        %add3A_175 = arith.constant 1 : i32
        %add3A_176 = arith.addi %add3A_117, %add3A_175 : i32
        %mul3A_177 = arith.constant 40 : i32
        %mul3A_178 = arith.muli %add3A_176, %mul3A_177 : i32
        %add3A_179 = arith.addi %mul3A_2, %mul3A_178 : i32
        %dma_wait3A_180 = tpu.memref_slice %arg4[%add3A_179] : memref<204800xi32, #tpu.memory_space<hbm>> -> memref<40xi32, #tpu.memory_space<hbm>>
        %dma_wait3A_181 = tpu.memref_slice %arg4[%add3A_179] : memref<204800xi32, #tpu.memory_space<hbm>> -> memref<40xi32, #tpu.memory_space<hbm>>
        tpu.wait_dma2 semaphore(%arg23 : memref<!tpu.dma_semaphore, #tpu.memory_space<semaphore_mem>>) src(%dma_wait3A_181 : memref<40xi32, #tpu.memory_space<hbm>>) dst(%arg9 : memref<40xi32, #tpu.memory_space<vmem>>)
        %dma_wait3A_182 = tpu.memref_slice %arg5[%add3A_179] : memref<204800xi32, #tpu.memory_space<hbm>> -> memref<40xi32, #tpu.memory_space<hbm>>
        %dma_wait3A_183 = tpu.memref_slice %arg5[%add3A_179] : memref<204800xi32, #tpu.memory_space<hbm>> -> memref<40xi32, #tpu.memory_space<hbm>>
        tpu.wait_dma2 semaphore(%arg23 : memref<!tpu.dma_semaphore, #tpu.memory_space<semaphore_mem>>) src(%dma_wait3A_183 : memref<40xi32, #tpu.memory_space<hbm>>) dst(%arg11 : memref<40xi32, #tpu.memory_space<vmem>>)
        %dma_start3A_184 = arith.constant 0 : i32
        %dma_start3A_185 = arith.constant 0 : i32
        %dma_start3A_186 = tpu.memref_slice %arg2[%dma_start3A_184, %dma_start3A_185] : memref<10000x128xf32, #tpu.memory_space<hbm>> -> memref<10000x128xf32, #tpu.memory_space<hbm>>
        tpu.enqueue_indirect_dma source(%dma_start3A_186 : memref<10000x128xf32, #tpu.memory_space<hbm>>) target(%arg15 : memref<40x128xf32, #tpu.memory_space<vmem>>) offsets(%arg9 : memref<40xi32, #tpu.memory_space<vmem>>) semaphore(%arg25 : memref<!tpu.dma_semaphore, #tpu.memory_space<semaphore_mem>>)
        %add3A_187 = arith.constant 1 : i32
        %add3A_188 = arith.addi %add3A_117, %add3A_187 : i32
        %mul3A_189 = arith.constant 40 : i32
        %mul3A_190 = arith.muli %add3A_188, %mul3A_189 : i32
        %add3A_191 = arith.addi %mul3A_2, %mul3A_190 : i32
        %dma_start3A_192 = arith.constant 0 : i32
        %dma_start3A_193 = tpu.memref_slice %arg3[%add3A_191, %dma_start3A_192] : memref<204800x128xf32, #tpu.memory_space<hbm>> -> memref<40x128xf32, #tpu.memory_space<hbm>>
        %dma_start3A_194 = arith.constant 0 : i32
        %dma_start3A_195 = tpu.memref_slice %arg3[%add3A_191, %dma_start3A_194] : memref<204800x128xf32, #tpu.memory_space<hbm>> -> memref<40x128xf32, #tpu.memory_space<hbm>>
        tpu.enqueue_dma source(%dma_start3A_195 : memref<40x128xf32, #tpu.memory_space<hbm>>) target(%arg17 : memref<40x128xf32, #tpu.memory_space<vmem>>) target_semaphore(%arg27 : memref<!tpu.dma_semaphore, #tpu.memory_space<semaphore_mem>>)
      } else {
      }
      %scan3A_146 = arith.constant 0 : i32
      %scan3A_147 = arith.constant 40 : i32
      %scan3A_148 = arith.addi %scan3A_146, %scan3A_147 : i32
      %scan3A_149 = arith.constant 1 : i32
      scf.for %scan3A_175 = %scan3A_146 to %scan3A_148 step %scan3A_149  : i32 {
        %mul3A_176 = arith.constant 1 : i32
        %mul3A_177 = arith.muli %scan3A_175, %mul3A_176 : i32
        %add3A_178 = arith.constant 0 : i32
        %add3A_179 = arith.addi %add3A_178, %mul3A_177 : i32
        %get3A_180 = arith.index_cast %add3A_179 : i32 to index
        %get3A_181 = arith.constant 0 : index
        %get3A_182 = tpu.vector_load %arg16[%get3A_180, %get3A_181] {strides = array<i32>} : memref<40x128xf32, #tpu.memory_space<vmem>>, vector<16xf32>,
        %get3A_183 = arith.index_cast %add3A_179 : i32 to index
        %get3A_184 = arith.constant 0 : index
        %get3A_185 = tpu.vector_load %arg18[%get3A_183, %get3A_184] {strides = array<i32>} : memref<40x128xf32, #tpu.memory_space<vmem>>, vector<16xf32>,
        %add3A_186 = arith.addf %get3A_182, %get3A_185 : vector<16xf32>
        %max3A = arith.constant 0.000000e+00 : f32
        %max3A_187 = vector.broadcast %max3A : f32 to vector<16xf32>
        %max3A_188 = arith.maximumf %add3A_186, %max3A_187 : vector<16xf32>
        %swap3A_189 = arith.index_cast %add3A_179 : i32 to index
        %swap3A_190 = arith.constant 0 : index
        %swap3A_191 = tpu.vector_load %arg20[%swap3A_189, %swap3A_190] {strides = array<i32>} : memref<40x128xf32, #tpu.memory_space<vmem>>, vector<16xf32>,
        tpu.vector_store %arg20[%swap3A_189, %swap3A_190], %max3A_188 {strides = array<i32>} : memref<40x128xf32, #tpu.memory_space<vmem>>, vector<16xf32>,
        %get3A_192 = arith.index_cast %add3A_179 : i32 to index
        %get3A_193 = arith.constant 16 : index
        %get3A_194 = tpu.vector_load %arg16[%get3A_192, %get3A_193] {strides = array<i32>} : memref<40x128xf32, #tpu.memory_space<vmem>>, vector<16xf32>,
        %get3A_195 = arith.index_cast %add3A_179 : i32 to index
        %get3A_196 = arith.constant 16 : index
        %get3A_197 = tpu.vector_load %arg18[%get3A_195, %get3A_196] {strides = array<i32>} : memref<40x128xf32, #tpu.memory_space<vmem>>, vector<16xf32>,
        %add3A_198 = arith.addf %get3A_194, %get3A_197 : vector<16xf32>
        %max3A_199 = arith.constant 0.000000e+00 : f32
        %max3A_200 = vector.broadcast %max3A_199 : f32 to vector<16xf32>
        %max3A_201 = arith.maximumf %add3A_198, %max3A_200 : vector<16xf32>
        %swap3A_202 = arith.index_cast %add3A_179 : i32 to index
        %swap3A_203 = arith.constant 16 : index
        %swap3A_204 = tpu.vector_load %arg20[%swap3A_202, %swap3A_203] {strides = array<i32>} : memref<40x128xf32, #tpu.memory_space<vmem>>, vector<16xf32>,
        tpu.vector_store %arg20[%swap3A_202, %swap3A_203], %max3A_201 {strides = array<i32>} : memref<40x128xf32, #tpu.memory_space<vmem>>, vector<16xf32>,
        %get3A_205 = arith.index_cast %add3A_179 : i32 to index
        %get3A_206 = arith.constant 32 : index
        %get3A_207 = tpu.vector_load %arg16[%get3A_205, %get3A_206] {strides = array<i32>} : memref<40x128xf32, #tpu.memory_space<vmem>>, vector<16xf32>,
        %get3A_208 = arith.index_cast %add3A_179 : i32 to index
        %get3A_209 = arith.constant 32 : index
        %get3A_210 = tpu.vector_load %arg18[%get3A_208, %get3A_209] {strides = array<i32>} : memref<40x128xf32, #tpu.memory_space<vmem>>, vector<16xf32>,
        %add3A_211 = arith.addf %get3A_207, %get3A_210 : vector<16xf32>
        %max3A_212 = arith.constant 0.000000e+00 : f32
        %max3A_213 = vector.broadcast %max3A_212 : f32 to vector<16xf32>
        %max3A_214 = arith.maximumf %add3A_211, %max3A_213 : vector<16xf32>
        %swap3A_215 = arith.index_cast %add3A_179 : i32 to index
        %swap3A_216 = arith.constant 32 : index
        %swap3A_217 = tpu.vector_load %arg20[%swap3A_215, %swap3A_216] {strides = array<i32>} : memref<40x128xf32, #tpu.memory_space<vmem>>, vector<16xf32>,
        tpu.vector_store %arg20[%swap3A_215, %swap3A_216], %max3A_214 {strides = array<i32>} : memref<40x128xf32, #tpu.memory_space<vmem>>, vector<16xf32>,
        %get3A_218 = arith.index_cast %add3A_179 : i32 to index
        %get3A_219 = arith.constant 48 : index
        %get3A_220 = tpu.vector_load %arg16[%get3A_218, %get3A_219] {strides = array<i32>} : memref<40x128xf32, #tpu.memory_space<vmem>>, vector<16xf32>,
        %get3A_221 = arith.index_cast %add3A_179 : i32 to index
        %get3A_222 = arith.constant 48 : index
        %get3A_223 = tpu.vector_load %arg18[%get3A_221, %get3A_222] {strides = array<i32>} : memref<40x128xf32, #tpu.memory_space<vmem>>, vector<16xf32>,
        %add3A_224 = arith.addf %get3A_220, %get3A_223 : vector<16xf32>
        %max3A_225 = arith.constant 0.000000e+00 : f32
        %max3A_226 = vector.broadcast %max3A_225 : f32 to vector<16xf32>
        %max3A_227 = arith.maximumf %add3A_224, %max3A_226 : vector<16xf32>
        %swap3A_228 = arith.index_cast %add3A_179 : i32 to index
        %swap3A_229 = arith.constant 48 : index
        %swap3A_230 = tpu.vector_load %arg20[%swap3A_228, %swap3A_229] {strides = array<i32>} : memref<40x128xf32, #tpu.memory_space<vmem>>, vector<16xf32>,
        tpu.vector_store %arg20[%swap3A_228, %swap3A_229], %max3A_227 {strides = array<i32>} : memref<40x128xf32, #tpu.memory_space<vmem>>, vector<16xf32>,
        %get3A_231 = arith.index_cast %add3A_179 : i32 to index
        %get3A_232 = arith.constant 64 : index
        %get3A_233 = tpu.vector_load %arg16[%get3A_231, %get3A_232] {strides = array<i32>} : memref<40x128xf32, #tpu.memory_space<vmem>>, vector<16xf32>,
        %get3A_234 = arith.index_cast %add3A_179 : i32 to index
        %get3A_235 = arith.constant 64 : index
        %get3A_236 = tpu.vector_load %arg18[%get3A_234, %get3A_235] {strides = array<i32>} : memref<40x128xf32, #tpu.memory_space<vmem>>, vector<16xf32>,
        %add3A_237 = arith.addf %get3A_233, %get3A_236 : vector<16xf32>
        %max3A_238 = arith.constant 0.000000e+00 : f32
        %max3A_239 = vector.broadcast %max3A_238 : f32 to vector<16xf32>
        %max3A_240 = arith.maximumf %add3A_237, %max3A_239 : vector<16xf32>
        %swap3A_241 = arith.index_cast %add3A_179 : i32 to index
        %swap3A_242 = arith.constant 64 : index
        %swap3A_243 = tpu.vector_load %arg20[%swap3A_241, %swap3A_242] {strides = array<i32>} : memref<40x128xf32, #tpu.memory_space<vmem>>, vector<16xf32>,
        tpu.vector_store %arg20[%swap3A_241, %swap3A_242], %max3A_240 {strides = array<i32>} : memref<40x128xf32, #tpu.memory_space<vmem>>, vector<16xf32>,
        %get3A_244 = arith.index_cast %add3A_179 : i32 to index
        %get3A_245 = arith.constant 80 : index
        %get3A_246 = tpu.vector_load %arg16[%get3A_244, %get3A_245] {strides = array<i32>} : memref<40x128xf32, #tpu.memory_space<vmem>>, vector<16xf32>,
        %get3A_247 = arith.index_cast %add3A_179 : i32 to index
        %get3A_248 = arith.constant 80 : index
        %get3A_249 = tpu.vector_load %arg18[%get3A_247, %get3A_248] {strides = array<i32>} : memref<40x128xf32, #tpu.memory_space<vmem>>, vector<16xf32>,
        %add3A_250 = arith.addf %get3A_246, %get3A_249 : vector<16xf32>
        %max3A_251 = arith.constant 0.000000e+00 : f32
        %max3A_252 = vector.broadcast %max3A_251 : f32 to vector<16xf32>
        %max3A_253 = arith.maximumf %add3A_250, %max3A_252 : vector<16xf32>
        %swap3A_254 = arith.index_cast %add3A_179 : i32 to index
        %swap3A_255 = arith.constant 80 : index
        %swap3A_256 = tpu.vector_load %arg20[%swap3A_254, %swap3A_255] {strides = array<i32>} : memref<40x128xf32, #tpu.memory_space<vmem>>, vector<16xf32>,
        tpu.vector_store %arg20[%swap3A_254, %swap3A_255], %max3A_253 {strides = array<i32>} : memref<40x128xf32, #tpu.memory_space<vmem>>, vector<16xf32>,
        %get3A_257 = arith.index_cast %add3A_179 : i32 to index
        %get3A_258 = arith.constant 96 : index
        %get3A_259 = tpu.vector_load %arg16[%get3A_257, %get3A_258] {strides = array<i32>} : memref<40x128xf32, #tpu.memory_space<vmem>>, vector<16xf32>,
        %get3A_260 = arith.index_cast %add3A_179 : i32 to index
        %get3A_261 = arith.constant 96 : index
        %get3A_262 = tpu.vector_load %arg18[%get3A_260, %get3A_261] {strides = array<i32>} : memref<40x128xf32, #tpu.memory_space<vmem>>, vector<16xf32>,
        %add3A_263 = arith.addf %get3A_259, %get3A_262 : vector<16xf32>
        %max3A_264 = arith.constant 0.000000e+00 : f32
        %max3A_265 = vector.broadcast %max3A_264 : f32 to vector<16xf32>
        %max3A_266 = arith.maximumf %add3A_263, %max3A_265 : vector<16xf32>
        %swap3A_267 = arith.index_cast %add3A_179 : i32 to index
        %swap3A_268 = arith.constant 96 : index
        %swap3A_269 = tpu.vector_load %arg20[%swap3A_267, %swap3A_268] {strides = array<i32>} : memref<40x128xf32, #tpu.memory_space<vmem>>, vector<16xf32>,
        tpu.vector_store %arg20[%swap3A_267, %swap3A_268], %max3A_266 {strides = array<i32>} : memref<40x128xf32, #tpu.memory_space<vmem>>, vector<16xf32>,
        %get3A_270 = arith.index_cast %add3A_179 : i32 to index
        %get3A_271 = arith.constant 112 : index
        %get3A_272 = tpu.vector_load %arg16[%get3A_270, %get3A_271] {strides = array<i32>} : memref<40x128xf32, #tpu.memory_space<vmem>>, vector<16xf32>,
        %get3A_273 = arith.index_cast %add3A_179 : i32 to index
        %get3A_274 = arith.constant 112 : index
        %get3A_275 = tpu.vector_load %arg18[%get3A_273, %get3A_274] {strides = array<i32>} : memref<40x128xf32, #tpu.memory_space<vmem>>, vector<16xf32>,
        %add3A_276 = arith.addf %get3A_272, %get3A_275 : vector<16xf32>
        %max3A_277 = arith.constant 0.000000e+00 : f32
        %max3A_278 = vector.broadcast %max3A_277 : f32 to vector<16xf32>
        %max3A_279 = arith.maximumf %add3A_276, %max3A_278 : vector<16xf32>
        %swap3A_280 = arith.index_cast %add3A_179 : i32 to index
        %swap3A_281 = arith.constant 112 : index
        %swap3A_282 = tpu.vector_load %arg20[%swap3A_280, %swap3A_281] {strides = array<i32>} : memref<40x128xf32, #tpu.memory_space<vmem>>, vector<16xf32>,
        tpu.vector_store %arg20[%swap3A_280, %swap3A_281], %max3A_279 {strides = array<i32>} : memref<40x128xf32, #tpu.memory_space<vmem>>, vector<16xf32>,
      }
      %scan3A_150 = arith.constant 40 : i32
      %get3A_151 = arith.constant 0 : index
      %get3A_152 = tpu.vector_load %arg12[%get3A_151] {strides = array<i32>} : memref<40xi32, #tpu.memory_space<vmem>>, vector<16xi32>,
      tpu.vector_store_idx %arg21[%get3A_152], %broadcast_in_dim3A_9 {add = true} : memref<10240xf32, #tpu.memory_space<vmem>>[vector<16xi32>], vector<16xf32>,
      %get3A_153 = arith.constant 16 : index
      %get3A_154 = tpu.vector_load %arg12[%get3A_153] {strides = array<i32>} : memref<40xi32, #tpu.memory_space<vmem>>, vector<16xi32>,
      tpu.vector_store_idx %arg21[%get3A_154], %broadcast_in_dim3A_9 {add = true} : memref<10240xf32, #tpu.memory_space<vmem>>[vector<16xi32>], vector<16xf32>,
      %get3A_155 = arith.constant 24 : index
      %get3A_156 = tpu.vector_load %arg12[%get3A_155] {strides = array<i32>} : memref<40xi32, #tpu.memory_space<vmem>>, vector<16xi32>,
      tpu.vector_store_idx %arg21[%get3A_156], %broadcast_in_dim3A_9 masked %ge3A_11 {add = true} : memref<10240xf32, #tpu.memory_space<vmem>>[vector<16xi32>], vector<16xf32>, vector<16xi1>
      %get3A_157 = arith.constant 0 : index
      %get3A_158 = tpu.vector_load %arg12[%get3A_157] {strides = array<i32>} : memref<40xi32, #tpu.memory_space<vmem>>, vector<16xi32>,
      %swap3A_159 = arith.constant 0 : index
      %swap3A_160 = tpu.vector_load %arg14[%swap3A_159] {strides = array<i32>} : memref<40xi32, #tpu.memory_space<vmem>>, vector<16xi32>,
      tpu.vector_store %arg14[%swap3A_159], %get3A_158 {strides = array<i32>} : memref<40xi32, #tpu.memory_space<vmem>>, vector<16xi32>,
      %get3A_161 = arith.constant 16 : index
      %get3A_162 = tpu.vector_load %arg12[%get3A_161] {strides = array<i32>} : memref<40xi32, #tpu.memory_space<vmem>>, vector<16xi32>,
      %swap3A_163 = arith.constant 16 : index
      %swap3A_164 = tpu.vector_load %arg14[%swap3A_163] {strides = array<i32>} : memref<40xi32, #tpu.memory_space<vmem>>, vector<16xi32>,
      tpu.vector_store %arg14[%swap3A_163], %get3A_162 {strides = array<i32>} : memref<40xi32, #tpu.memory_space<vmem>>, vector<16xi32>,
      %get3A_165 = arith.constant 24 : index
      %get3A_166 = tpu.vector_load %arg12[%get3A_165] {strides = array<i32>} : memref<40xi32, #tpu.memory_space<vmem>>, vector<16xi32>,
      %swap3A_167 = arith.constant 24 : index
      %swap3A_168 = tpu.vector_load %arg14[%swap3A_167] {strides = array<i32>} : memref<40xi32, #tpu.memory_space<vmem>>, vector<16xi32>,
      tpu.vector_store %arg14[%swap3A_167], %get3A_166 {strides = array<i32>} : memref<40xi32, #tpu.memory_space<vmem>>, vector<16xi32>,
      %dma_start3A_169 = arith.constant 0 : i32
      %dma_start3A_170 = arith.constant 0 : i32
      %dma_start3A_171 = tpu.memref_slice %arg22[%dma_start3A_169, %dma_start3A_170] : memref<10000x128xf32, #tpu.memory_space<vmem_shared>> -> memref<10000x128xf32, #tpu.memory_space<vmem_shared>>
      tpu.enqueue_indirect_dma source(%arg20 : memref<40x128xf32, #tpu.memory_space<vmem>>) target(%dma_start3A_171 : memref<10000x128xf32, #tpu.memory_space<vmem_shared>>) offsets(%arg14 : memref<40xi32, #tpu.memory_space<vmem>>) semaphore(%arg30 : memref<!tpu.dma_semaphore, #tpu.memory_space<semaphore_mem>>) {add = true}
      %convert_element_type3A_172 = arith.extui %lt3A_127 : i1 to i32
      %cond3A_173 = arith.constant 0 : i32
      %cond3A_174 = arith.cmpi ne, %convert_element_type3A_172, %cond3A_173 : i32
      scf.if %cond3A_174 {
        %add3A_175 = arith.constant 2 : i32
        %add3A_176 = arith.addi %add3A_117, %add3A_175 : i32
        %mul3A_177 = arith.constant 40 : i32
        %mul3A_178 = arith.muli %add3A_176, %mul3A_177 : i32
        %add3A_179 = arith.addi %mul3A_2, %mul3A_178 : i32
        %dma_start3A_180 = tpu.memref_slice %arg4[%add3A_179] : memref<204800xi32, #tpu.memory_space<hbm>> -> memref<40xi32, #tpu.memory_space<hbm>>
        %dma_start3A_181 = tpu.memref_slice %arg4[%add3A_179] : memref<204800xi32, #tpu.memory_space<hbm>> -> memref<40xi32, #tpu.memory_space<hbm>>
        tpu.enqueue_dma source(%dma_start3A_181 : memref<40xi32, #tpu.memory_space<hbm>>) target(%arg10 : memref<40xi32, #tpu.memory_space<vmem>>) target_semaphore(%arg24 : memref<!tpu.dma_semaphore, #tpu.memory_space<semaphore_mem>>)
        %dma_start3A_182 = tpu.memref_slice %arg5[%add3A_179] : memref<204800xi32, #tpu.memory_space<hbm>> -> memref<40xi32, #tpu.memory_space<hbm>>
        %dma_start3A_183 = tpu.memref_slice %arg5[%add3A_179] : memref<204800xi32, #tpu.memory_space<hbm>> -> memref<40xi32, #tpu.memory_space<hbm>>
        tpu.enqueue_dma source(%dma_start3A_183 : memref<40xi32, #tpu.memory_space<hbm>>) target(%arg12 : memref<40xi32, #tpu.memory_space<vmem>>) target_semaphore(%arg24 : memref<!tpu.dma_semaphore, #tpu.memory_space<semaphore_mem>>)
      } else {
      }
    }
    %scan3A_41 = arith.constant 80 : i32
    %dma_wait3A_42 = arith.constant 0 : i32
    %dma_wait3A_43 = arith.constant 0 : i32
    %dma_wait3A_44 = tpu.memref_slice %arg22[%dma_wait3A_42, %dma_wait3A_43] : memref<10000x128xf32, #tpu.memory_space<vmem_shared>> -> memref<10000x128xf32, #tpu.memory_space<vmem_shared>>
    tpu.wait_indirect_dma semaphore(%arg30 : memref<!tpu.dma_semaphore, #tpu.memory_space<semaphore_mem>>) src(%arg20 : memref<40x128xf32, #tpu.memory_space<vmem>>) dst(%dma_wait3A_44 : memref<10000x128xf32, #tpu.memory_space<vmem_shared>>)
    %dma_wait3A_45 = arith.constant 0 : i32
    %dma_wait3A_46 = arith.constant 0 : i32
    %dma_wait3A_47 = tpu.memref_slice %arg22[%dma_wait3A_45, %dma_wait3A_46] : memref<10000x128xf32, #tpu.memory_space<vmem_shared>> -> memref<10000x128xf32, #tpu.memory_space<vmem_shared>>
    tpu.wait_indirect_dma semaphore(%arg29 : memref<!tpu.dma_semaphore, #tpu.memory_space<semaphore_mem>>) src(%arg19 : memref<40x128xf32, #tpu.memory_space<vmem>>) dst(%dma_wait3A_47 : memref<10000x128xf32, #tpu.memory_space<vmem_shared>>)
    %mul3A_48 = arith.constant 10240 : i32
    %mul3A_49 = arith.muli %add3A, %mul3A_48 : i32
    "tpu.region"() ({
      %run_scoped3A = tpu.sem_alloc : memref<!tpu.dma_semaphore, #tpu.memory_space<semaphore_mem>>
      %dma_start3A_56 = tpu.memref_slice %arg8[%mul3A_49] : memref<327680xf32, #tpu.memory_space<hbm>> -> memref<10240xf32, #tpu.memory_space<hbm>>
      %dma_start3A_57 = tpu.memref_slice %arg8[%mul3A_49] : memref<327680xf32, #tpu.memory_space<hbm>> -> memref<10240xf32, #tpu.memory_space<hbm>>
      tpu.enqueue_dma source(%arg21 : memref<10240xf32, #tpu.memory_space<vmem>>) target(%dma_start3A_57 : memref<10240xf32, #tpu.memory_space<hbm>>) target_semaphore(%run_scoped3A : memref<!tpu.dma_semaphore, #tpu.memory_space<semaphore_mem>>)
      %dma_wait3A_58 = tpu.memref_slice %arg8[%mul3A_49] : memref<327680xf32, #tpu.memory_space<hbm>> -> memref<10240xf32, #tpu.memory_space<hbm>>
      %dma_wait3A_59 = tpu.memref_slice %arg8[%mul3A_49] : memref<327680xf32, #tpu.memory_space<hbm>> -> memref<10240xf32, #tpu.memory_space<hbm>>
      tpu.wait_dma2 semaphore(%run_scoped3A : memref<!tpu.dma_semaphore, #tpu.memory_space<semaphore_mem>>) src(%arg21 : memref<10240xf32, #tpu.memory_space<vmem>>) dst(%dma_wait3A_59 : memref<10240xf32, #tpu.memory_space<hbm>>)
      tpu.yield
    }) : () -> ()
    %barrier3A_50 = arith.constant 0 : index
    tpu.barrier barrier_id(%barrier3A_50)
    %lt3A_51 = arith.constant 10 : i32
    %lt3A_52 = arith.cmpi slt, %arg1, %lt3A_51 : i32
    %convert_element_type3A_53 = arith.extui %lt3A_52 : i1 to i32
    %cond3A_54 = arith.constant 0 : i32
    %cond3A_55 = arith.cmpi ne, %convert_element_type3A_53, %cond3A_54 : i32
    scf.if %cond3A_55 {
      %mul3A_56 = arith.constant 1000 : i32
      %mul3A_57 = arith.muli %arg1, %mul3A_56 : i32
      %mul3A_58 = arith.constant 1000 : i32
      %mul3A_59 = arith.muli %arg1, %mul3A_58 : i32
      "tpu.region"() ({
        %run_scoped3A = tpu.sem_alloc : memref<!tpu.dma_semaphore, #tpu.memory_space<semaphore_mem>>
        %dma_start3A_60 = arith.constant 0 : i32
        %dma_start3A_61 = tpu.memref_slice %arg7[%arg0, %mul3A_59, %dma_start3A_60] : memref<2x10000x128xf32, #tpu.memory_space<hbm>> -> memref<1x1000x128xf32, #tpu.memory_space<hbm>>
        %dma_start3A_62 = tpu.memref_squeeze %dma_start3A_61 : memref<1x1000x128xf32, #tpu.memory_space<hbm>> -> memref<1000x128xf32, #tpu.memory_space<hbm>>
        %dma_start3A_63 = arith.constant 0 : i32
        %dma_start3A_64 = tpu.memref_slice %arg22[%mul3A_57, %dma_start3A_63] : memref<10000x128xf32, #tpu.memory_space<vmem_shared>> -> memref<1000x128xf32, #tpu.memory_space<vmem_shared>>
        tpu.enqueue_dma source(%dma_start3A_64 : memref<1000x128xf32, #tpu.memory_space<vmem_shared>>) target(%dma_start3A_62 : memref<1000x128xf32, #tpu.memory_space<hbm>>) target_semaphore(%run_scoped3A : memref<!tpu.dma_semaphore, #tpu.memory_space<semaphore_mem>>)
        %dma_wait3A_65 = arith.constant 0 : i32
        %dma_wait3A_66 = tpu.memref_slice %arg7[%arg0, %mul3A_59, %dma_wait3A_65] : memref<2x10000x128xf32, #tpu.memory_space<hbm>> -> memref<1x1000x128xf32, #tpu.memory_space<hbm>>
        %dma_wait3A_67 = tpu.memref_squeeze %dma_wait3A_66 : memref<1x1000x128xf32, #tpu.memory_space<hbm>> -> memref<1000x128xf32, #tpu.memory_space<hbm>>
        %dma_wait3A_68 = arith.constant 0 : i32
        %dma_wait3A_69 = tpu.memref_slice %arg22[%mul3A_57, %dma_wait3A_68] : memref<10000x128xf32, #tpu.memory_space<vmem_shared>> -> memref<1000x128xf32, #tpu.memory_space<vmem_shared>>
        tpu.wait_dma2 semaphore(%run_scoped3A : memref<!tpu.dma_semaphore, #tpu.memory_space<semaphore_mem>>) src(%dma_wait3A_69 : memref<1000x128xf32, #tpu.memory_space<vmem_shared>>) dst(%dma_wait3A_67 : memref<1000x128xf32, #tpu.memory_space<hbm>>)
        tpu.yield
      }) : () -> ()
    } else {
    }
    return
  }
}

#map = affine_map<(d0, d1) -> (0, 0)>
#map1 = affine_map<(d0, d1) -> (0)>
#map2 = affine_map<(d0, d1) -> (0, 0, 0)>
module attributes {stable_mosaic.version = 14 : i64} {
  func.func @_sc_edge_kernel(%arg0: i32, %arg1: i32, %arg2: memref<10000x128xf32, #tpu.memory_space<hbm>>, %arg3: memref<115200x128xf32, #tpu.memory_space<hbm>>, %arg4: memref<115200xi32, #tpu.memory_space<hbm>>, %arg5: memref<115200xi32, #tpu.memory_space<hbm>>, %arg6: memref<10000x128xf32, #tpu.memory_space<hbm>>, %arg7: memref<2x10000x128xf32, #tpu.memory_space<hbm>>, %arg8: memref<327680xf32, #tpu.memory_space<hbm>>, %arg9: memref<40xi32, #tpu.memory_space<vmem>>, %arg10: memref<40xi32, #tpu.memory_space<vmem>>, %arg11: memref<40xi32, #tpu.memory_space<vmem>>, %arg12: memref<40xi32, #tpu.memory_space<vmem>>, %arg13: memref<40xi32, #tpu.memory_space<vmem>>, %arg14: memref<40xi32, #tpu.memory_space<vmem>>, %arg15: memref<40x128xf32, #tpu.memory_space<vmem>>, %arg16: memref<40x128xf32, #tpu.memory_space<vmem>>, %arg17: memref<40x128xf32, #tpu.memory_space<vmem>>, %arg18: memref<40x128xf32, #tpu.memory_space<vmem>>, %arg19: memref<40x128xf32, #tpu.memory_space<vmem>>, %arg20: memref<40x128xf32, #tpu.memory_space<vmem>>, %arg21: memref<10240xf32, #tpu.memory_space<vmem>>, %arg22: memref<10000x128xf32, #tpu.memory_space<vmem_shared>>, %arg23: memref<!tpu.dma_semaphore, #tpu.memory_space<semaphore_mem>>, %arg24: memref<!tpu.dma_semaphore, #tpu.memory_space<semaphore_mem>>, %arg25: memref<!tpu.dma_semaphore, #tpu.memory_space<semaphore_mem>>, %arg26: memref<!tpu.dma_semaphore, #tpu.memory_space<semaphore_mem>>, %arg27: memref<!tpu.dma_semaphore, #tpu.memory_space<semaphore_mem>>, %arg28: memref<!tpu.dma_semaphore, #tpu.memory_space<semaphore_mem>>, %arg29: memref<!tpu.dma_semaphore, #tpu.memory_space<semaphore_mem>>, %arg30: memref<!tpu.dma_semaphore, #tpu.memory_space<semaphore_mem>>) attributes {dimension_semantics = [#tpu.dimension_semantics<core_parallel>, #tpu.dimension_semantics<subcore_parallel>], iteration_bounds = array<i64: 2, 16>, scalar_prefetch = 0 : i64, scratch_operands = 22 : i64, tpu.core_type = #tpu.core_type<sc_vector_subcore>, window_params = [{transform_indices = #map}, {transform_indices = #map}, {transform_indices = #map1}, {transform_indices = #map1}, {transform_indices = #map}, {transform_indices = #map2}, {transform_indices = #map1}]} {
    %mul3A = arith.constant 2 : i32
    %mul3A_0 = arith.muli %arg1, %mul3A : i32
    %add3A = arith.addi %mul3A_0, %arg0 : i32
    %mul3A_1 = arith.constant 3600 : i32
    %mul3A_2 = arith.muli %add3A, %mul3A_1 : i32
    %scan3A = arith.constant 0 : i32
    %scan3A_3 = arith.constant 640 : i32
    %scan3A_4 = arith.addi %scan3A, %scan3A_3 : i32
    %scan3A_5 = arith.constant 1 : i32
    scf.for %scan3A_56 = %scan3A to %scan3A_4 step %scan3A_5  : i32 {
      %mul3A_57 = arith.constant 1 : i32
      %mul3A_58 = arith.muli %scan3A_56, %mul3A_57 : i32
      %add3A_59 = arith.constant 0 : i32
      %add3A_60 = arith.addi %add3A_59, %mul3A_58 : i32
      %broadcast_in_dim3A_61 = arith.constant 0.000000e+00 : f32
      %broadcast_in_dim3A_62 = vector.broadcast %broadcast_in_dim3A_61 : f32 to vector<16xf32>
      %mul3A_63 = arith.constant 16 : i32
      %mul3A_64 = arith.muli %add3A_60, %mul3A_63 : i32
      %swap3A = arith.index_cast %mul3A_64 : i32 to index
      %swap3A_65 = tpu.vector_load %arg21[%swap3A] {strides = array<i32>} : memref<10240xf32, #tpu.memory_space<vmem>>, vector<16xf32>,
      tpu.vector_store %arg21[%swap3A], %broadcast_in_dim3A_62 {strides = array<i32>} : memref<10240xf32, #tpu.memory_space<vmem>>, vector<16xf32>,
    }
    %scan3A_6 = arith.constant 640 : i32
    %lt3A = arith.constant 10 : i32
    %lt3A_7 = arith.cmpi slt, %arg1, %lt3A : i32
    %convert_element_type3A = arith.extui %lt3A_7 : i1 to i32
    %cond3A = arith.constant 0 : i32
    %cond3A_8 = arith.cmpi ne, %convert_element_type3A, %cond3A : i32
    scf.if %cond3A_8 {
      %mul3A_56 = arith.constant 1000 : i32
      %mul3A_57 = arith.muli %arg1, %mul3A_56 : i32
      %mul3A_58 = arith.constant 1000 : i32
      %mul3A_59 = arith.muli %arg1, %mul3A_58 : i32
      "tpu.region"() ({
        %run_scoped3A = tpu.sem_alloc : memref<!tpu.dma_semaphore, #tpu.memory_space<semaphore_mem>>
        %dma_start3A_60 = arith.constant 0 : i32
        %dma_start3A_61 = tpu.memref_slice %arg22[%mul3A_59, %dma_start3A_60] : memref<10000x128xf32, #tpu.memory_space<vmem_shared>> -> memref<1000x128xf32, #tpu.memory_space<vmem_shared>>
        %dma_start3A_62 = arith.constant 0 : i32
        %dma_start3A_63 = tpu.memref_slice %arg6[%mul3A_57, %dma_start3A_62] : memref<10000x128xf32, #tpu.memory_space<hbm>> -> memref<1000x128xf32, #tpu.memory_space<hbm>>
        tpu.enqueue_dma source(%dma_start3A_63 : memref<1000x128xf32, #tpu.memory_space<hbm>>) target(%dma_start3A_61 : memref<1000x128xf32, #tpu.memory_space<vmem_shared>>) target_semaphore(%run_scoped3A : memref<!tpu.dma_semaphore, #tpu.memory_space<semaphore_mem>>)
        %dma_wait3A_64 = arith.constant 0 : i32
        %dma_wait3A_65 = tpu.memref_slice %arg22[%mul3A_59, %dma_wait3A_64] : memref<10000x128xf32, #tpu.memory_space<vmem_shared>> -> memref<1000x128xf32, #tpu.memory_space<vmem_shared>>
        %dma_wait3A_66 = arith.constant 0 : i32
        %dma_wait3A_67 = tpu.memref_slice %arg6[%mul3A_57, %dma_wait3A_66] : memref<10000x128xf32, #tpu.memory_space<hbm>> -> memref<1000x128xf32, #tpu.memory_space<hbm>>
        tpu.wait_dma2 semaphore(%run_scoped3A : memref<!tpu.dma_semaphore, #tpu.memory_space<semaphore_mem>>) src(%dma_wait3A_67 : memref<1000x128xf32, #tpu.memory_space<hbm>>) dst(%dma_wait3A_65 : memref<1000x128xf32, #tpu.memory_space<vmem_shared>>)
        tpu.yield
      }) : () -> ()
    } else {
    }
    %barrier3A = arith.constant 0 : index
    tpu.barrier barrier_id(%barrier3A)
    %broadcast_in_dim3A = arith.constant 1.000000e+00 : f32
    %broadcast_in_dim3A_9 = vector.broadcast %broadcast_in_dim3A : f32 to vector<16xf32>
    %iota3A = tpu.iota {dimensions = array<i32: 0>} : vector<16xi32>
    %ge3A = arith.constant 8 : i32
    %ge3A_10 = vector.broadcast %ge3A : i32 to vector<16xi32>
    %ge3A_11 = arith.cmpi sge, %iota3A, %ge3A_10 : vector<16xi32>
    %add3A_12 = arith.constant 0 : i32
    %add3A_13 = arith.addi %mul3A_2, %add3A_12 : i32
    %dma_start3A = tpu.memref_slice %arg4[%add3A_13] : memref<115200xi32, #tpu.memory_space<hbm>> -> memref<40xi32, #tpu.memory_space<hbm>>
    %dma_start3A_14 = tpu.memref_slice %arg4[%add3A_13] : memref<115200xi32, #tpu.memory_space<hbm>> -> memref<40xi32, #tpu.memory_space<hbm>>
    tpu.enqueue_dma source(%dma_start3A_14 : memref<40xi32, #tpu.memory_space<hbm>>) target(%arg9 : memref<40xi32, #tpu.memory_space<vmem>>) target_semaphore(%arg23 : memref<!tpu.dma_semaphore, #tpu.memory_space<semaphore_mem>>)
    %dma_start3A_15 = tpu.memref_slice %arg5[%add3A_13] : memref<115200xi32, #tpu.memory_space<hbm>> -> memref<40xi32, #tpu.memory_space<hbm>>
    %dma_start3A_16 = tpu.memref_slice %arg5[%add3A_13] : memref<115200xi32, #tpu.memory_space<hbm>> -> memref<40xi32, #tpu.memory_space<hbm>>
    tpu.enqueue_dma source(%dma_start3A_16 : memref<40xi32, #tpu.memory_space<hbm>>) target(%arg11 : memref<40xi32, #tpu.memory_space<vmem>>) target_semaphore(%arg23 : memref<!tpu.dma_semaphore, #tpu.memory_space<semaphore_mem>>)
    %add3A_17 = arith.constant 40 : i32
    %add3A_18 = arith.addi %mul3A_2, %add3A_17 : i32
    %dma_start3A_19 = tpu.memref_slice %arg4[%add3A_18] : memref<115200xi32, #tpu.memory_space<hbm>> -> memref<40xi32, #tpu.memory_space<hbm>>
    %dma_start3A_20 = tpu.memref_slice %arg4[%add3A_18] : memref<115200xi32, #tpu.memory_space<hbm>> -> memref<40xi32, #tpu.memory_space<hbm>>
    tpu.enqueue_dma source(%dma_start3A_20 : memref<40xi32, #tpu.memory_space<hbm>>) target(%arg10 : memref<40xi32, #tpu.memory_space<vmem>>) target_semaphore(%arg24 : memref<!tpu.dma_semaphore, #tpu.memory_space<semaphore_mem>>)
    %dma_start3A_21 = tpu.memref_slice %arg5[%add3A_18] : memref<115200xi32, #tpu.memory_space<hbm>> -> memref<40xi32, #tpu.memory_space<hbm>>
    %dma_start3A_22 = tpu.memref_slice %arg5[%add3A_18] : memref<115200xi32, #tpu.memory_space<hbm>> -> memref<40xi32, #tpu.memory_space<hbm>>
    tpu.enqueue_dma source(%dma_start3A_22 : memref<40xi32, #tpu.memory_space<hbm>>) target(%arg12 : memref<40xi32, #tpu.memory_space<vmem>>) target_semaphore(%arg24 : memref<!tpu.dma_semaphore, #tpu.memory_space<semaphore_mem>>)
    %add3A_23 = arith.constant 0 : i32
    %add3A_24 = arith.addi %mul3A_2, %add3A_23 : i32
    %dma_wait3A = tpu.memref_slice %arg4[%add3A_24] : memref<115200xi32, #tpu.memory_space<hbm>> -> memref<40xi32, #tpu.memory_space<hbm>>
    %dma_wait3A_25 = tpu.memref_slice %arg4[%add3A_24] : memref<115200xi32, #tpu.memory_space<hbm>> -> memref<40xi32, #tpu.memory_space<hbm>>
    tpu.wait_dma2 semaphore(%arg23 : memref<!tpu.dma_semaphore, #tpu.memory_space<semaphore_mem>>) src(%dma_wait3A_25 : memref<40xi32, #tpu.memory_space<hbm>>) dst(%arg9 : memref<40xi32, #tpu.memory_space<vmem>>)
    %dma_wait3A_26 = tpu.memref_slice %arg5[%add3A_24] : memref<115200xi32, #tpu.memory_space<hbm>> -> memref<40xi32, #tpu.memory_space<hbm>>
    %dma_wait3A_27 = tpu.memref_slice %arg5[%add3A_24] : memref<115200xi32, #tpu.memory_space<hbm>> -> memref<40xi32, #tpu.memory_space<hbm>>
    tpu.wait_dma2 semaphore(%arg23 : memref<!tpu.dma_semaphore, #tpu.memory_space<semaphore_mem>>) src(%dma_wait3A_27 : memref<40xi32, #tpu.memory_space<hbm>>) dst(%arg11 : memref<40xi32, #tpu.memory_space<vmem>>)
    %dma_start3A_28 = arith.constant 0 : i32
    %dma_start3A_29 = arith.constant 0 : i32
    %dma_start3A_30 = tpu.memref_slice %arg2[%dma_start3A_28, %dma_start3A_29] : memref<10000x128xf32, #tpu.memory_space<hbm>> -> memref<10000x128xf32, #tpu.memory_space<hbm>>
    tpu.enqueue_indirect_dma source(%dma_start3A_30 : memref<10000x128xf32, #tpu.memory_space<hbm>>) target(%arg15 : memref<40x128xf32, #tpu.memory_space<vmem>>) offsets(%arg9 : memref<40xi32, #tpu.memory_space<vmem>>) semaphore(%arg25 : memref<!tpu.dma_semaphore, #tpu.memory_space<semaphore_mem>>)
    %add3A_31 = arith.constant 0 : i32
    %add3A_32 = arith.addi %mul3A_2, %add3A_31 : i32
    %dma_start3A_33 = arith.constant 0 : i32
    %dma_start3A_34 = tpu.memref_slice %arg3[%add3A_32, %dma_start3A_33] : memref<115200x128xf32, #tpu.memory_space<hbm>> -> memref<40x128xf32, #tpu.memory_space<hbm>>
    %dma_start3A_35 = arith.constant 0 : i32
    %dma_start3A_36 = tpu.memref_slice %arg3[%add3A_32, %dma_start3A_35] : memref<115200x128xf32, #tpu.memory_space<hbm>> -> memref<40x128xf32, #tpu.memory_space<hbm>>
    tpu.enqueue_dma source(%dma_start3A_36 : memref<40x128xf32, #tpu.memory_space<hbm>>) target(%arg17 : memref<40x128xf32, #tpu.memory_space<vmem>>) target_semaphore(%arg27 : memref<!tpu.dma_semaphore, #tpu.memory_space<semaphore_mem>>)
    %scan3A_37 = arith.constant 0 : i32
    %scan3A_38 = arith.constant 45 : i32
    %scan3A_39 = arith.addi %scan3A_37, %scan3A_38 : i32
    %scan3A_40 = arith.constant 1 : i32
    scf.for %scan3A_56 = %scan3A_37 to %scan3A_39 step %scan3A_40  : i32 {
      %mul3A_57 = arith.constant 1 : i32
      %mul3A_58 = arith.muli %scan3A_56, %mul3A_57 : i32
      %add3A_59 = arith.constant 0 : i32
      %add3A_60 = arith.addi %add3A_59, %mul3A_58 : i32
      %mul3A_61 = arith.constant 2 : i32
      %mul3A_62 = arith.muli %add3A_60, %mul3A_61 : i32
      %eq3A = arith.constant 0 : i32
      %eq3A_63 = arith.cmpi eq, %add3A_60, %eq3A : i32
      %add3A_64 = arith.constant 1 : i32
      %add3A_65 = arith.addi %mul3A_62, %add3A_64 : i32
      %lt3A_66 = arith.constant 90 : i32
      %lt3A_67 = arith.cmpi slt, %add3A_65, %lt3A_66 : i32
      %add3A_68 = arith.constant 2 : i32
      %add3A_69 = arith.addi %mul3A_62, %add3A_68 : i32
      %lt3A_70 = arith.constant 90 : i32
      %lt3A_71 = arith.cmpi slt, %add3A_69, %lt3A_70 : i32
      %not3A = arith.constant true
      %not3A_72 = arith.xori %eq3A_63, %not3A : i1
      %convert_element_type3A_73 = arith.extui %not3A_72 : i1 to i32
      %cond3A_74 = arith.constant 0 : i32
      %cond3A_75 = arith.cmpi ne, %convert_element_type3A_73, %cond3A_74 : i32
      scf.if %cond3A_75 {
        %dma_wait3A_175 = arith.constant 0 : i32
        %dma_wait3A_176 = arith.constant 0 : i32
        %dma_wait3A_177 = tpu.memref_slice %arg22[%dma_wait3A_175, %dma_wait3A_176] : memref<10000x128xf32, #tpu.memory_space<vmem_shared>> -> memref<10000x128xf32, #tpu.memory_space<vmem_shared>>
        tpu.wait_indirect_dma semaphore(%arg29 : memref<!tpu.dma_semaphore, #tpu.memory_space<semaphore_mem>>) src(%arg19 : memref<40x128xf32, #tpu.memory_space<vmem>>) dst(%dma_wait3A_177 : memref<10000x128xf32, #tpu.memory_space<vmem_shared>>)
      } else {
      }
      %dma_wait3A_76 = arith.constant 0 : i32
      %dma_wait3A_77 = arith.constant 0 : i32
      %dma_wait3A_78 = tpu.memref_slice %arg2[%dma_wait3A_76, %dma_wait3A_77] : memref<10000x128xf32, #tpu.memory_space<hbm>> -> memref<10000x128xf32, #tpu.memory_space<hbm>>
      tpu.wait_indirect_dma semaphore(%arg25 : memref<!tpu.dma_semaphore, #tpu.memory_space<semaphore_mem>>) src(%dma_wait3A_78 : memref<10000x128xf32, #tpu.memory_space<hbm>>) dst(%arg15 : memref<40x128xf32, #tpu.memory_space<vmem>>)
      %mul3A_79 = arith.constant 40 : i32
      %mul3A_80 = arith.muli %mul3A_62, %mul3A_79 : i32
      %add3A_81 = arith.addi %mul3A_2, %mul3A_80 : i32
      %dma_wait3A_82 = arith.constant 0 : i32
      %dma_wait3A_83 = tpu.memref_slice %arg3[%add3A_81, %dma_wait3A_82] : memref<115200x128xf32, #tpu.memory_space<hbm>> -> memref<40x128xf32, #tpu.memory_space<hbm>>
      %dma_wait3A_84 = arith.constant 0 : i32
      %dma_wait3A_85 = tpu.memref_slice %arg3[%add3A_81, %dma_wait3A_84] : memref<115200x128xf32, #tpu.memory_space<hbm>> -> memref<40x128xf32, #tpu.memory_space<hbm>>
      tpu.wait_dma2 semaphore(%arg27 : memref<!tpu.dma_semaphore, #tpu.memory_space<semaphore_mem>>) src(%dma_wait3A_85 : memref<40x128xf32, #tpu.memory_space<hbm>>) dst(%arg17 : memref<40x128xf32, #tpu.memory_space<vmem>>)
      %convert_element_type3A_86 = arith.extui %lt3A_67 : i1 to i32
      %cond3A_87 = arith.constant 0 : i32
      %cond3A_88 = arith.cmpi ne, %convert_element_type3A_86, %cond3A_87 : i32
      scf.if %cond3A_88 {
        %add3A_175 = arith.constant 1 : i32
        %add3A_176 = arith.addi %mul3A_62, %add3A_175 : i32
        %mul3A_177 = arith.constant 40 : i32
        %mul3A_178 = arith.muli %add3A_176, %mul3A_177 : i32
        %add3A_179 = arith.addi %mul3A_2, %mul3A_178 : i32
        %dma_wait3A_180 = tpu.memref_slice %arg4[%add3A_179] : memref<115200xi32, #tpu.memory_space<hbm>> -> memref<40xi32, #tpu.memory_space<hbm>>
        %dma_wait3A_181 = tpu.memref_slice %arg4[%add3A_179] : memref<115200xi32, #tpu.memory_space<hbm>> -> memref<40xi32, #tpu.memory_space<hbm>>
        tpu.wait_dma2 semaphore(%arg24 : memref<!tpu.dma_semaphore, #tpu.memory_space<semaphore_mem>>) src(%dma_wait3A_181 : memref<40xi32, #tpu.memory_space<hbm>>) dst(%arg10 : memref<40xi32, #tpu.memory_space<vmem>>)
        %dma_wait3A_182 = tpu.memref_slice %arg5[%add3A_179] : memref<115200xi32, #tpu.memory_space<hbm>> -> memref<40xi32, #tpu.memory_space<hbm>>
        %dma_wait3A_183 = tpu.memref_slice %arg5[%add3A_179] : memref<115200xi32, #tpu.memory_space<hbm>> -> memref<40xi32, #tpu.memory_space<hbm>>
        tpu.wait_dma2 semaphore(%arg24 : memref<!tpu.dma_semaphore, #tpu.memory_space<semaphore_mem>>) src(%dma_wait3A_183 : memref<40xi32, #tpu.memory_space<hbm>>) dst(%arg12 : memref<40xi32, #tpu.memory_space<vmem>>)
        %dma_start3A_184 = arith.constant 0 : i32
        %dma_start3A_185 = arith.constant 0 : i32
        %dma_start3A_186 = tpu.memref_slice %arg2[%dma_start3A_184, %dma_start3A_185] : memref<10000x128xf32, #tpu.memory_space<hbm>> -> memref<10000x128xf32, #tpu.memory_space<hbm>>
        tpu.enqueue_indirect_dma source(%dma_start3A_186 : memref<10000x128xf32, #tpu.memory_space<hbm>>) target(%arg16 : memref<40x128xf32, #tpu.memory_space<vmem>>) offsets(%arg10 : memref<40xi32, #tpu.memory_space<vmem>>) semaphore(%arg26 : memref<!tpu.dma_semaphore, #tpu.memory_space<semaphore_mem>>)
        %add3A_187 = arith.constant 1 : i32
        %add3A_188 = arith.addi %mul3A_62, %add3A_187 : i32
        %mul3A_189 = arith.constant 40 : i32
        %mul3A_190 = arith.muli %add3A_188, %mul3A_189 : i32
        %add3A_191 = arith.addi %mul3A_2, %mul3A_190 : i32
        %dma_start3A_192 = arith.constant 0 : i32
        %dma_start3A_193 = tpu.memref_slice %arg3[%add3A_191, %dma_start3A_192] : memref<115200x128xf32, #tpu.memory_space<hbm>> -> memref<40x128xf32, #tpu.memory_space<hbm>>
        %dma_start3A_194 = arith.constant 0 : i32
        %dma_start3A_195 = tpu.memref_slice %arg3[%add3A_191, %dma_start3A_194] : memref<115200x128xf32, #tpu.memory_space<hbm>> -> memref<40x128xf32, #tpu.memory_space<hbm>>
        tpu.enqueue_dma source(%dma_start3A_195 : memref<40x128xf32, #tpu.memory_space<hbm>>) target(%arg18 : memref<40x128xf32, #tpu.memory_space<vmem>>) target_semaphore(%arg28 : memref<!tpu.dma_semaphore, #tpu.memory_space<semaphore_mem>>)
      } else {
      }
      %scan3A_89 = arith.constant 0 : i32
      %scan3A_90 = arith.constant 40 : i32
      %scan3A_91 = arith.addi %scan3A_89, %scan3A_90 : i32
      %scan3A_92 = arith.constant 1 : i32
      scf.for %scan3A_175 = %scan3A_89 to %scan3A_91 step %scan3A_92  : i32 {
        %mul3A_176 = arith.constant 1 : i32
        %mul3A_177 = arith.muli %scan3A_175, %mul3A_176 : i32
        %add3A_178 = arith.constant 0 : i32
        %add3A_179 = arith.addi %add3A_178, %mul3A_177 : i32
        %get3A_180 = arith.index_cast %add3A_179 : i32 to index
        %get3A_181 = arith.constant 0 : index
        %get3A_182 = tpu.vector_load %arg15[%get3A_180, %get3A_181] {strides = array<i32>} : memref<40x128xf32, #tpu.memory_space<vmem>>, vector<16xf32>,
        %get3A_183 = arith.index_cast %add3A_179 : i32 to index
        %get3A_184 = arith.constant 0 : index
        %get3A_185 = tpu.vector_load %arg17[%get3A_183, %get3A_184] {strides = array<i32>} : memref<40x128xf32, #tpu.memory_space<vmem>>, vector<16xf32>,
        %add3A_186 = arith.addf %get3A_182, %get3A_185 : vector<16xf32>
        %max3A = arith.constant 0.000000e+00 : f32
        %max3A_187 = vector.broadcast %max3A : f32 to vector<16xf32>
        %max3A_188 = arith.maximumf %add3A_186, %max3A_187 : vector<16xf32>
        %swap3A_189 = arith.index_cast %add3A_179 : i32 to index
        %swap3A_190 = arith.constant 0 : index
        %swap3A_191 = tpu.vector_load %arg19[%swap3A_189, %swap3A_190] {strides = array<i32>} : memref<40x128xf32, #tpu.memory_space<vmem>>, vector<16xf32>,
        tpu.vector_store %arg19[%swap3A_189, %swap3A_190], %max3A_188 {strides = array<i32>} : memref<40x128xf32, #tpu.memory_space<vmem>>, vector<16xf32>,
        %get3A_192 = arith.index_cast %add3A_179 : i32 to index
        %get3A_193 = arith.constant 16 : index
        %get3A_194 = tpu.vector_load %arg15[%get3A_192, %get3A_193] {strides = array<i32>} : memref<40x128xf32, #tpu.memory_space<vmem>>, vector<16xf32>,
        %get3A_195 = arith.index_cast %add3A_179 : i32 to index
        %get3A_196 = arith.constant 16 : index
        %get3A_197 = tpu.vector_load %arg17[%get3A_195, %get3A_196] {strides = array<i32>} : memref<40x128xf32, #tpu.memory_space<vmem>>, vector<16xf32>,
        %add3A_198 = arith.addf %get3A_194, %get3A_197 : vector<16xf32>
        %max3A_199 = arith.constant 0.000000e+00 : f32
        %max3A_200 = vector.broadcast %max3A_199 : f32 to vector<16xf32>
        %max3A_201 = arith.maximumf %add3A_198, %max3A_200 : vector<16xf32>
        %swap3A_202 = arith.index_cast %add3A_179 : i32 to index
        %swap3A_203 = arith.constant 16 : index
        %swap3A_204 = tpu.vector_load %arg19[%swap3A_202, %swap3A_203] {strides = array<i32>} : memref<40x128xf32, #tpu.memory_space<vmem>>, vector<16xf32>,
        tpu.vector_store %arg19[%swap3A_202, %swap3A_203], %max3A_201 {strides = array<i32>} : memref<40x128xf32, #tpu.memory_space<vmem>>, vector<16xf32>,
        %get3A_205 = arith.index_cast %add3A_179 : i32 to index
        %get3A_206 = arith.constant 32 : index
        %get3A_207 = tpu.vector_load %arg15[%get3A_205, %get3A_206] {strides = array<i32>} : memref<40x128xf32, #tpu.memory_space<vmem>>, vector<16xf32>,
        %get3A_208 = arith.index_cast %add3A_179 : i32 to index
        %get3A_209 = arith.constant 32 : index
        %get3A_210 = tpu.vector_load %arg17[%get3A_208, %get3A_209] {strides = array<i32>} : memref<40x128xf32, #tpu.memory_space<vmem>>, vector<16xf32>,
        %add3A_211 = arith.addf %get3A_207, %get3A_210 : vector<16xf32>
        %max3A_212 = arith.constant 0.000000e+00 : f32
        %max3A_213 = vector.broadcast %max3A_212 : f32 to vector<16xf32>
        %max3A_214 = arith.maximumf %add3A_211, %max3A_213 : vector<16xf32>
        %swap3A_215 = arith.index_cast %add3A_179 : i32 to index
        %swap3A_216 = arith.constant 32 : index
        %swap3A_217 = tpu.vector_load %arg19[%swap3A_215, %swap3A_216] {strides = array<i32>} : memref<40x128xf32, #tpu.memory_space<vmem>>, vector<16xf32>,
        tpu.vector_store %arg19[%swap3A_215, %swap3A_216], %max3A_214 {strides = array<i32>} : memref<40x128xf32, #tpu.memory_space<vmem>>, vector<16xf32>,
        %get3A_218 = arith.index_cast %add3A_179 : i32 to index
        %get3A_219 = arith.constant 48 : index
        %get3A_220 = tpu.vector_load %arg15[%get3A_218, %get3A_219] {strides = array<i32>} : memref<40x128xf32, #tpu.memory_space<vmem>>, vector<16xf32>,
        %get3A_221 = arith.index_cast %add3A_179 : i32 to index
        %get3A_222 = arith.constant 48 : index
        %get3A_223 = tpu.vector_load %arg17[%get3A_221, %get3A_222] {strides = array<i32>} : memref<40x128xf32, #tpu.memory_space<vmem>>, vector<16xf32>,
        %add3A_224 = arith.addf %get3A_220, %get3A_223 : vector<16xf32>
        %max3A_225 = arith.constant 0.000000e+00 : f32
        %max3A_226 = vector.broadcast %max3A_225 : f32 to vector<16xf32>
        %max3A_227 = arith.maximumf %add3A_224, %max3A_226 : vector<16xf32>
        %swap3A_228 = arith.index_cast %add3A_179 : i32 to index
        %swap3A_229 = arith.constant 48 : index
        %swap3A_230 = tpu.vector_load %arg19[%swap3A_228, %swap3A_229] {strides = array<i32>} : memref<40x128xf32, #tpu.memory_space<vmem>>, vector<16xf32>,
        tpu.vector_store %arg19[%swap3A_228, %swap3A_229], %max3A_227 {strides = array<i32>} : memref<40x128xf32, #tpu.memory_space<vmem>>, vector<16xf32>,
        %get3A_231 = arith.index_cast %add3A_179 : i32 to index
        %get3A_232 = arith.constant 64 : index
        %get3A_233 = tpu.vector_load %arg15[%get3A_231, %get3A_232] {strides = array<i32>} : memref<40x128xf32, #tpu.memory_space<vmem>>, vector<16xf32>,
        %get3A_234 = arith.index_cast %add3A_179 : i32 to index
        %get3A_235 = arith.constant 64 : index
        %get3A_236 = tpu.vector_load %arg17[%get3A_234, %get3A_235] {strides = array<i32>} : memref<40x128xf32, #tpu.memory_space<vmem>>, vector<16xf32>,
        %add3A_237 = arith.addf %get3A_233, %get3A_236 : vector<16xf32>
        %max3A_238 = arith.constant 0.000000e+00 : f32
        %max3A_239 = vector.broadcast %max3A_238 : f32 to vector<16xf32>
        %max3A_240 = arith.maximumf %add3A_237, %max3A_239 : vector<16xf32>
        %swap3A_241 = arith.index_cast %add3A_179 : i32 to index
        %swap3A_242 = arith.constant 64 : index
        %swap3A_243 = tpu.vector_load %arg19[%swap3A_241, %swap3A_242] {strides = array<i32>} : memref<40x128xf32, #tpu.memory_space<vmem>>, vector<16xf32>,
        tpu.vector_store %arg19[%swap3A_241, %swap3A_242], %max3A_240 {strides = array<i32>} : memref<40x128xf32, #tpu.memory_space<vmem>>, vector<16xf32>,
        %get3A_244 = arith.index_cast %add3A_179 : i32 to index
        %get3A_245 = arith.constant 80 : index
        %get3A_246 = tpu.vector_load %arg15[%get3A_244, %get3A_245] {strides = array<i32>} : memref<40x128xf32, #tpu.memory_space<vmem>>, vector<16xf32>,
        %get3A_247 = arith.index_cast %add3A_179 : i32 to index
        %get3A_248 = arith.constant 80 : index
        %get3A_249 = tpu.vector_load %arg17[%get3A_247, %get3A_248] {strides = array<i32>} : memref<40x128xf32, #tpu.memory_space<vmem>>, vector<16xf32>,
        %add3A_250 = arith.addf %get3A_246, %get3A_249 : vector<16xf32>
        %max3A_251 = arith.constant 0.000000e+00 : f32
        %max3A_252 = vector.broadcast %max3A_251 : f32 to vector<16xf32>
        %max3A_253 = arith.maximumf %add3A_250, %max3A_252 : vector<16xf32>
        %swap3A_254 = arith.index_cast %add3A_179 : i32 to index
        %swap3A_255 = arith.constant 80 : index
        %swap3A_256 = tpu.vector_load %arg19[%swap3A_254, %swap3A_255] {strides = array<i32>} : memref<40x128xf32, #tpu.memory_space<vmem>>, vector<16xf32>,
        tpu.vector_store %arg19[%swap3A_254, %swap3A_255], %max3A_253 {strides = array<i32>} : memref<40x128xf32, #tpu.memory_space<vmem>>, vector<16xf32>,
        %get3A_257 = arith.index_cast %add3A_179 : i32 to index
        %get3A_258 = arith.constant 96 : index
        %get3A_259 = tpu.vector_load %arg15[%get3A_257, %get3A_258] {strides = array<i32>} : memref<40x128xf32, #tpu.memory_space<vmem>>, vector<16xf32>,
        %get3A_260 = arith.index_cast %add3A_179 : i32 to index
        %get3A_261 = arith.constant 96 : index
        %get3A_262 = tpu.vector_load %arg17[%get3A_260, %get3A_261] {strides = array<i32>} : memref<40x128xf32, #tpu.memory_space<vmem>>, vector<16xf32>,
        %add3A_263 = arith.addf %get3A_259, %get3A_262 : vector<16xf32>
        %max3A_264 = arith.constant 0.000000e+00 : f32
        %max3A_265 = vector.broadcast %max3A_264 : f32 to vector<16xf32>
        %max3A_266 = arith.maximumf %add3A_263, %max3A_265 : vector<16xf32>
        %swap3A_267 = arith.index_cast %add3A_179 : i32 to index
        %swap3A_268 = arith.constant 96 : index
        %swap3A_269 = tpu.vector_load %arg19[%swap3A_267, %swap3A_268] {strides = array<i32>} : memref<40x128xf32, #tpu.memory_space<vmem>>, vector<16xf32>,
        tpu.vector_store %arg19[%swap3A_267, %swap3A_268], %max3A_266 {strides = array<i32>} : memref<40x128xf32, #tpu.memory_space<vmem>>, vector<16xf32>,
        %get3A_270 = arith.index_cast %add3A_179 : i32 to index
        %get3A_271 = arith.constant 112 : index
        %get3A_272 = tpu.vector_load %arg15[%get3A_270, %get3A_271] {strides = array<i32>} : memref<40x128xf32, #tpu.memory_space<vmem>>, vector<16xf32>,
        %get3A_273 = arith.index_cast %add3A_179 : i32 to index
        %get3A_274 = arith.constant 112 : index
        %get3A_275 = tpu.vector_load %arg17[%get3A_273, %get3A_274] {strides = array<i32>} : memref<40x128xf32, #tpu.memory_space<vmem>>, vector<16xf32>,
        %add3A_276 = arith.addf %get3A_272, %get3A_275 : vector<16xf32>
        %max3A_277 = arith.constant 0.000000e+00 : f32
        %max3A_278 = vector.broadcast %max3A_277 : f32 to vector<16xf32>
        %max3A_279 = arith.maximumf %add3A_276, %max3A_278 : vector<16xf32>
        %swap3A_280 = arith.index_cast %add3A_179 : i32 to index
        %swap3A_281 = arith.constant 112 : index
        %swap3A_282 = tpu.vector_load %arg19[%swap3A_280, %swap3A_281] {strides = array<i32>} : memref<40x128xf32, #tpu.memory_space<vmem>>, vector<16xf32>,
        tpu.vector_store %arg19[%swap3A_280, %swap3A_281], %max3A_279 {strides = array<i32>} : memref<40x128xf32, #tpu.memory_space<vmem>>, vector<16xf32>,
      }
      %scan3A_93 = arith.constant 40 : i32
      %get3A = arith.constant 0 : index
      %get3A_94 = tpu.vector_load %arg11[%get3A] {strides = array<i32>} : memref<40xi32, #tpu.memory_space<vmem>>, vector<16xi32>,
      tpu.vector_store_idx %arg21[%get3A_94], %broadcast_in_dim3A_9 {add = true} : memref<10240xf32, #tpu.memory_space<vmem>>[vector<16xi32>], vector<16xf32>,
      %get3A_95 = arith.constant 16 : index
      %get3A_96 = tpu.vector_load %arg11[%get3A_95] {strides = array<i32>} : memref<40xi32, #tpu.memory_space<vmem>>, vector<16xi32>,
      tpu.vector_store_idx %arg21[%get3A_96], %broadcast_in_dim3A_9 {add = true} : memref<10240xf32, #tpu.memory_space<vmem>>[vector<16xi32>], vector<16xf32>,
      %get3A_97 = arith.constant 24 : index
      %get3A_98 = tpu.vector_load %arg11[%get3A_97] {strides = array<i32>} : memref<40xi32, #tpu.memory_space<vmem>>, vector<16xi32>,
      tpu.vector_store_idx %arg21[%get3A_98], %broadcast_in_dim3A_9 masked %ge3A_11 {add = true} : memref<10240xf32, #tpu.memory_space<vmem>>[vector<16xi32>], vector<16xf32>, vector<16xi1>
      %get3A_99 = arith.constant 0 : index
      %get3A_100 = tpu.vector_load %arg11[%get3A_99] {strides = array<i32>} : memref<40xi32, #tpu.memory_space<vmem>>, vector<16xi32>,
      %swap3A = arith.constant 0 : index
      %swap3A_101 = tpu.vector_load %arg13[%swap3A] {strides = array<i32>} : memref<40xi32, #tpu.memory_space<vmem>>, vector<16xi32>,
      tpu.vector_store %arg13[%swap3A], %get3A_100 {strides = array<i32>} : memref<40xi32, #tpu.memory_space<vmem>>, vector<16xi32>,
      %get3A_102 = arith.constant 16 : index
      %get3A_103 = tpu.vector_load %arg11[%get3A_102] {strides = array<i32>} : memref<40xi32, #tpu.memory_space<vmem>>, vector<16xi32>,
      %swap3A_104 = arith.constant 16 : index
      %swap3A_105 = tpu.vector_load %arg13[%swap3A_104] {strides = array<i32>} : memref<40xi32, #tpu.memory_space<vmem>>, vector<16xi32>,
      tpu.vector_store %arg13[%swap3A_104], %get3A_103 {strides = array<i32>} : memref<40xi32, #tpu.memory_space<vmem>>, vector<16xi32>,
      %get3A_106 = arith.constant 24 : index
      %get3A_107 = tpu.vector_load %arg11[%get3A_106] {strides = array<i32>} : memref<40xi32, #tpu.memory_space<vmem>>, vector<16xi32>,
      %swap3A_108 = arith.constant 24 : index
      %swap3A_109 = tpu.vector_load %arg13[%swap3A_108] {strides = array<i32>} : memref<40xi32, #tpu.memory_space<vmem>>, vector<16xi32>,
      tpu.vector_store %arg13[%swap3A_108], %get3A_107 {strides = array<i32>} : memref<40xi32, #tpu.memory_space<vmem>>, vector<16xi32>,
      %dma_start3A_110 = arith.constant 0 : i32
      %dma_start3A_111 = arith.constant 0 : i32
      %dma_start3A_112 = tpu.memref_slice %arg22[%dma_start3A_110, %dma_start3A_111] : memref<10000x128xf32, #tpu.memory_space<vmem_shared>> -> memref<10000x128xf32, #tpu.memory_space<vmem_shared>>
      tpu.enqueue_indirect_dma source(%arg19 : memref<40x128xf32, #tpu.memory_space<vmem>>) target(%dma_start3A_112 : memref<10000x128xf32, #tpu.memory_space<vmem_shared>>) offsets(%arg13 : memref<40xi32, #tpu.memory_space<vmem>>) semaphore(%arg29 : memref<!tpu.dma_semaphore, #tpu.memory_space<semaphore_mem>>) {add = true}
      %convert_element_type3A_113 = arith.extui %lt3A_71 : i1 to i32
      %cond3A_114 = arith.constant 0 : i32
      %cond3A_115 = arith.cmpi ne, %convert_element_type3A_113, %cond3A_114 : i32
      scf.if %cond3A_115 {
        %add3A_175 = arith.constant 2 : i32
        %add3A_176 = arith.addi %mul3A_62, %add3A_175 : i32
        %mul3A_177 = arith.constant 40 : i32
        %mul3A_178 = arith.muli %add3A_176, %mul3A_177 : i32
        %add3A_179 = arith.addi %mul3A_2, %mul3A_178 : i32
        %dma_start3A_180 = tpu.memref_slice %arg4[%add3A_179] : memref<115200xi32, #tpu.memory_space<hbm>> -> memref<40xi32, #tpu.memory_space<hbm>>
        %dma_start3A_181 = tpu.memref_slice %arg4[%add3A_179] : memref<115200xi32, #tpu.memory_space<hbm>> -> memref<40xi32, #tpu.memory_space<hbm>>
        tpu.enqueue_dma source(%dma_start3A_181 : memref<40xi32, #tpu.memory_space<hbm>>) target(%arg9 : memref<40xi32, #tpu.memory_space<vmem>>) target_semaphore(%arg23 : memref<!tpu.dma_semaphore, #tpu.memory_space<semaphore_mem>>)
        %dma_start3A_182 = tpu.memref_slice %arg5[%add3A_179] : memref<115200xi32, #tpu.memory_space<hbm>> -> memref<40xi32, #tpu.memory_space<hbm>>
        %dma_start3A_183 = tpu.memref_slice %arg5[%add3A_179] : memref<115200xi32, #tpu.memory_space<hbm>> -> memref<40xi32, #tpu.memory_space<hbm>>
        tpu.enqueue_dma source(%dma_start3A_183 : memref<40xi32, #tpu.memory_space<hbm>>) target(%arg11 : memref<40xi32, #tpu.memory_space<vmem>>) target_semaphore(%arg23 : memref<!tpu.dma_semaphore, #tpu.memory_space<semaphore_mem>>)
      } else {
      }
      %add3A_116 = arith.constant 1 : i32
      %add3A_117 = arith.addi %mul3A_62, %add3A_116 : i32
      %eq3A_118 = arith.constant 0 : i32
      %eq3A_119 = arith.cmpi eq, %add3A_60, %eq3A_118 : i32
      %add3A_120 = arith.constant 2 : i32
      %add3A_121 = arith.addi %mul3A_62, %add3A_120 : i32
      %lt3A_122 = arith.constant 90 : i32
      %lt3A_123 = arith.cmpi slt, %add3A_121, %lt3A_122 : i32
      %add3A_124 = arith.constant 3 : i32
      %add3A_125 = arith.addi %mul3A_62, %add3A_124 : i32
      %lt3A_126 = arith.constant 90 : i32
      %lt3A_127 = arith.cmpi slt, %add3A_125, %lt3A_126 : i32
      %not3A_128 = arith.constant true
      %not3A_129 = arith.xori %eq3A_119, %not3A_128 : i1
      %convert_element_type3A_130 = arith.extui %not3A_129 : i1 to i32
      %cond3A_131 = arith.constant 0 : i32
      %cond3A_132 = arith.cmpi ne, %convert_element_type3A_130, %cond3A_131 : i32
      scf.if %cond3A_132 {
        %dma_wait3A_175 = arith.constant 0 : i32
        %dma_wait3A_176 = arith.constant 0 : i32
        %dma_wait3A_177 = tpu.memref_slice %arg22[%dma_wait3A_175, %dma_wait3A_176] : memref<10000x128xf32, #tpu.memory_space<vmem_shared>> -> memref<10000x128xf32, #tpu.memory_space<vmem_shared>>
        tpu.wait_indirect_dma semaphore(%arg30 : memref<!tpu.dma_semaphore, #tpu.memory_space<semaphore_mem>>) src(%arg20 : memref<40x128xf32, #tpu.memory_space<vmem>>) dst(%dma_wait3A_177 : memref<10000x128xf32, #tpu.memory_space<vmem_shared>>)
      } else {
      }
      %dma_wait3A_133 = arith.constant 0 : i32
      %dma_wait3A_134 = arith.constant 0 : i32
      %dma_wait3A_135 = tpu.memref_slice %arg2[%dma_wait3A_133, %dma_wait3A_134] : memref<10000x128xf32, #tpu.memory_space<hbm>> -> memref<10000x128xf32, #tpu.memory_space<hbm>>
      tpu.wait_indirect_dma semaphore(%arg26 : memref<!tpu.dma_semaphore, #tpu.memory_space<semaphore_mem>>) src(%dma_wait3A_135 : memref<10000x128xf32, #tpu.memory_space<hbm>>) dst(%arg16 : memref<40x128xf32, #tpu.memory_space<vmem>>)
      %mul3A_136 = arith.constant 40 : i32
      %mul3A_137 = arith.muli %add3A_117, %mul3A_136 : i32
      %add3A_138 = arith.addi %mul3A_2, %mul3A_137 : i32
      %dma_wait3A_139 = arith.constant 0 : i32
      %dma_wait3A_140 = tpu.memref_slice %arg3[%add3A_138, %dma_wait3A_139] : memref<115200x128xf32, #tpu.memory_space<hbm>> -> memref<40x128xf32, #tpu.memory_space<hbm>>
      %dma_wait3A_141 = arith.constant 0 : i32
      %dma_wait3A_142 = tpu.memref_slice %arg3[%add3A_138, %dma_wait3A_141] : memref<115200x128xf32, #tpu.memory_space<hbm>> -> memref<40x128xf32, #tpu.memory_space<hbm>>
      tpu.wait_dma2 semaphore(%arg28 : memref<!tpu.dma_semaphore, #tpu.memory_space<semaphore_mem>>) src(%dma_wait3A_142 : memref<40x128xf32, #tpu.memory_space<hbm>>) dst(%arg18 : memref<40x128xf32, #tpu.memory_space<vmem>>)
      %convert_element_type3A_143 = arith.extui %lt3A_123 : i1 to i32
      %cond3A_144 = arith.constant 0 : i32
      %cond3A_145 = arith.cmpi ne, %convert_element_type3A_143, %cond3A_144 : i32
      scf.if %cond3A_145 {
        %add3A_175 = arith.constant 1 : i32
        %add3A_176 = arith.addi %add3A_117, %add3A_175 : i32
        %mul3A_177 = arith.constant 40 : i32
        %mul3A_178 = arith.muli %add3A_176, %mul3A_177 : i32
        %add3A_179 = arith.addi %mul3A_2, %mul3A_178 : i32
        %dma_wait3A_180 = tpu.memref_slice %arg4[%add3A_179] : memref<115200xi32, #tpu.memory_space<hbm>> -> memref<40xi32, #tpu.memory_space<hbm>>
        %dma_wait3A_181 = tpu.memref_slice %arg4[%add3A_179] : memref<115200xi32, #tpu.memory_space<hbm>> -> memref<40xi32, #tpu.memory_space<hbm>>
        tpu.wait_dma2 semaphore(%arg23 : memref<!tpu.dma_semaphore, #tpu.memory_space<semaphore_mem>>) src(%dma_wait3A_181 : memref<40xi32, #tpu.memory_space<hbm>>) dst(%arg9 : memref<40xi32, #tpu.memory_space<vmem>>)
        %dma_wait3A_182 = tpu.memref_slice %arg5[%add3A_179] : memref<115200xi32, #tpu.memory_space<hbm>> -> memref<40xi32, #tpu.memory_space<hbm>>
        %dma_wait3A_183 = tpu.memref_slice %arg5[%add3A_179] : memref<115200xi32, #tpu.memory_space<hbm>> -> memref<40xi32, #tpu.memory_space<hbm>>
        tpu.wait_dma2 semaphore(%arg23 : memref<!tpu.dma_semaphore, #tpu.memory_space<semaphore_mem>>) src(%dma_wait3A_183 : memref<40xi32, #tpu.memory_space<hbm>>) dst(%arg11 : memref<40xi32, #tpu.memory_space<vmem>>)
        %dma_start3A_184 = arith.constant 0 : i32
        %dma_start3A_185 = arith.constant 0 : i32
        %dma_start3A_186 = tpu.memref_slice %arg2[%dma_start3A_184, %dma_start3A_185] : memref<10000x128xf32, #tpu.memory_space<hbm>> -> memref<10000x128xf32, #tpu.memory_space<hbm>>
        tpu.enqueue_indirect_dma source(%dma_start3A_186 : memref<10000x128xf32, #tpu.memory_space<hbm>>) target(%arg15 : memref<40x128xf32, #tpu.memory_space<vmem>>) offsets(%arg9 : memref<40xi32, #tpu.memory_space<vmem>>) semaphore(%arg25 : memref<!tpu.dma_semaphore, #tpu.memory_space<semaphore_mem>>)
        %add3A_187 = arith.constant 1 : i32
        %add3A_188 = arith.addi %add3A_117, %add3A_187 : i32
        %mul3A_189 = arith.constant 40 : i32
        %mul3A_190 = arith.muli %add3A_188, %mul3A_189 : i32
        %add3A_191 = arith.addi %mul3A_2, %mul3A_190 : i32
        %dma_start3A_192 = arith.constant 0 : i32
        %dma_start3A_193 = tpu.memref_slice %arg3[%add3A_191, %dma_start3A_192] : memref<115200x128xf32, #tpu.memory_space<hbm>> -> memref<40x128xf32, #tpu.memory_space<hbm>>
        %dma_start3A_194 = arith.constant 0 : i32
        %dma_start3A_195 = tpu.memref_slice %arg3[%add3A_191, %dma_start3A_194] : memref<115200x128xf32, #tpu.memory_space<hbm>> -> memref<40x128xf32, #tpu.memory_space<hbm>>
        tpu.enqueue_dma source(%dma_start3A_195 : memref<40x128xf32, #tpu.memory_space<hbm>>) target(%arg17 : memref<40x128xf32, #tpu.memory_space<vmem>>) target_semaphore(%arg27 : memref<!tpu.dma_semaphore, #tpu.memory_space<semaphore_mem>>)
      } else {
      }
      %scan3A_146 = arith.constant 0 : i32
      %scan3A_147 = arith.constant 40 : i32
      %scan3A_148 = arith.addi %scan3A_146, %scan3A_147 : i32
      %scan3A_149 = arith.constant 1 : i32
      scf.for %scan3A_175 = %scan3A_146 to %scan3A_148 step %scan3A_149  : i32 {
        %mul3A_176 = arith.constant 1 : i32
        %mul3A_177 = arith.muli %scan3A_175, %mul3A_176 : i32
        %add3A_178 = arith.constant 0 : i32
        %add3A_179 = arith.addi %add3A_178, %mul3A_177 : i32
        %get3A_180 = arith.index_cast %add3A_179 : i32 to index
        %get3A_181 = arith.constant 0 : index
        %get3A_182 = tpu.vector_load %arg16[%get3A_180, %get3A_181] {strides = array<i32>} : memref<40x128xf32, #tpu.memory_space<vmem>>, vector<16xf32>,
        %get3A_183 = arith.index_cast %add3A_179 : i32 to index
        %get3A_184 = arith.constant 0 : index
        %get3A_185 = tpu.vector_load %arg18[%get3A_183, %get3A_184] {strides = array<i32>} : memref<40x128xf32, #tpu.memory_space<vmem>>, vector<16xf32>,
        %add3A_186 = arith.addf %get3A_182, %get3A_185 : vector<16xf32>
        %max3A = arith.constant 0.000000e+00 : f32
        %max3A_187 = vector.broadcast %max3A : f32 to vector<16xf32>
        %max3A_188 = arith.maximumf %add3A_186, %max3A_187 : vector<16xf32>
        %swap3A_189 = arith.index_cast %add3A_179 : i32 to index
        %swap3A_190 = arith.constant 0 : index
        %swap3A_191 = tpu.vector_load %arg20[%swap3A_189, %swap3A_190] {strides = array<i32>} : memref<40x128xf32, #tpu.memory_space<vmem>>, vector<16xf32>,
        tpu.vector_store %arg20[%swap3A_189, %swap3A_190], %max3A_188 {strides = array<i32>} : memref<40x128xf32, #tpu.memory_space<vmem>>, vector<16xf32>,
        %get3A_192 = arith.index_cast %add3A_179 : i32 to index
        %get3A_193 = arith.constant 16 : index
        %get3A_194 = tpu.vector_load %arg16[%get3A_192, %get3A_193] {strides = array<i32>} : memref<40x128xf32, #tpu.memory_space<vmem>>, vector<16xf32>,
        %get3A_195 = arith.index_cast %add3A_179 : i32 to index
        %get3A_196 = arith.constant 16 : index
        %get3A_197 = tpu.vector_load %arg18[%get3A_195, %get3A_196] {strides = array<i32>} : memref<40x128xf32, #tpu.memory_space<vmem>>, vector<16xf32>,
        %add3A_198 = arith.addf %get3A_194, %get3A_197 : vector<16xf32>
        %max3A_199 = arith.constant 0.000000e+00 : f32
        %max3A_200 = vector.broadcast %max3A_199 : f32 to vector<16xf32>
        %max3A_201 = arith.maximumf %add3A_198, %max3A_200 : vector<16xf32>
        %swap3A_202 = arith.index_cast %add3A_179 : i32 to index
        %swap3A_203 = arith.constant 16 : index
        %swap3A_204 = tpu.vector_load %arg20[%swap3A_202, %swap3A_203] {strides = array<i32>} : memref<40x128xf32, #tpu.memory_space<vmem>>, vector<16xf32>,
        tpu.vector_store %arg20[%swap3A_202, %swap3A_203], %max3A_201 {strides = array<i32>} : memref<40x128xf32, #tpu.memory_space<vmem>>, vector<16xf32>,
        %get3A_205 = arith.index_cast %add3A_179 : i32 to index
        %get3A_206 = arith.constant 32 : index
        %get3A_207 = tpu.vector_load %arg16[%get3A_205, %get3A_206] {strides = array<i32>} : memref<40x128xf32, #tpu.memory_space<vmem>>, vector<16xf32>,
        %get3A_208 = arith.index_cast %add3A_179 : i32 to index
        %get3A_209 = arith.constant 32 : index
        %get3A_210 = tpu.vector_load %arg18[%get3A_208, %get3A_209] {strides = array<i32>} : memref<40x128xf32, #tpu.memory_space<vmem>>, vector<16xf32>,
        %add3A_211 = arith.addf %get3A_207, %get3A_210 : vector<16xf32>
        %max3A_212 = arith.constant 0.000000e+00 : f32
        %max3A_213 = vector.broadcast %max3A_212 : f32 to vector<16xf32>
        %max3A_214 = arith.maximumf %add3A_211, %max3A_213 : vector<16xf32>
        %swap3A_215 = arith.index_cast %add3A_179 : i32 to index
        %swap3A_216 = arith.constant 32 : index
        %swap3A_217 = tpu.vector_load %arg20[%swap3A_215, %swap3A_216] {strides = array<i32>} : memref<40x128xf32, #tpu.memory_space<vmem>>, vector<16xf32>,
        tpu.vector_store %arg20[%swap3A_215, %swap3A_216], %max3A_214 {strides = array<i32>} : memref<40x128xf32, #tpu.memory_space<vmem>>, vector<16xf32>,
        %get3A_218 = arith.index_cast %add3A_179 : i32 to index
        %get3A_219 = arith.constant 48 : index
        %get3A_220 = tpu.vector_load %arg16[%get3A_218, %get3A_219] {strides = array<i32>} : memref<40x128xf32, #tpu.memory_space<vmem>>, vector<16xf32>,
        %get3A_221 = arith.index_cast %add3A_179 : i32 to index
        %get3A_222 = arith.constant 48 : index
        %get3A_223 = tpu.vector_load %arg18[%get3A_221, %get3A_222] {strides = array<i32>} : memref<40x128xf32, #tpu.memory_space<vmem>>, vector<16xf32>,
        %add3A_224 = arith.addf %get3A_220, %get3A_223 : vector<16xf32>
        %max3A_225 = arith.constant 0.000000e+00 : f32
        %max3A_226 = vector.broadcast %max3A_225 : f32 to vector<16xf32>
        %max3A_227 = arith.maximumf %add3A_224, %max3A_226 : vector<16xf32>
        %swap3A_228 = arith.index_cast %add3A_179 : i32 to index
        %swap3A_229 = arith.constant 48 : index
        %swap3A_230 = tpu.vector_load %arg20[%swap3A_228, %swap3A_229] {strides = array<i32>} : memref<40x128xf32, #tpu.memory_space<vmem>>, vector<16xf32>,
        tpu.vector_store %arg20[%swap3A_228, %swap3A_229], %max3A_227 {strides = array<i32>} : memref<40x128xf32, #tpu.memory_space<vmem>>, vector<16xf32>,
        %get3A_231 = arith.index_cast %add3A_179 : i32 to index
        %get3A_232 = arith.constant 64 : index
        %get3A_233 = tpu.vector_load %arg16[%get3A_231, %get3A_232] {strides = array<i32>} : memref<40x128xf32, #tpu.memory_space<vmem>>, vector<16xf32>,
        %get3A_234 = arith.index_cast %add3A_179 : i32 to index
        %get3A_235 = arith.constant 64 : index
        %get3A_236 = tpu.vector_load %arg18[%get3A_234, %get3A_235] {strides = array<i32>} : memref<40x128xf32, #tpu.memory_space<vmem>>, vector<16xf32>,
        %add3A_237 = arith.addf %get3A_233, %get3A_236 : vector<16xf32>
        %max3A_238 = arith.constant 0.000000e+00 : f32
        %max3A_239 = vector.broadcast %max3A_238 : f32 to vector<16xf32>
        %max3A_240 = arith.maximumf %add3A_237, %max3A_239 : vector<16xf32>
        %swap3A_241 = arith.index_cast %add3A_179 : i32 to index
        %swap3A_242 = arith.constant 64 : index
        %swap3A_243 = tpu.vector_load %arg20[%swap3A_241, %swap3A_242] {strides = array<i32>} : memref<40x128xf32, #tpu.memory_space<vmem>>, vector<16xf32>,
        tpu.vector_store %arg20[%swap3A_241, %swap3A_242], %max3A_240 {strides = array<i32>} : memref<40x128xf32, #tpu.memory_space<vmem>>, vector<16xf32>,
        %get3A_244 = arith.index_cast %add3A_179 : i32 to index
        %get3A_245 = arith.constant 80 : index
        %get3A_246 = tpu.vector_load %arg16[%get3A_244, %get3A_245] {strides = array<i32>} : memref<40x128xf32, #tpu.memory_space<vmem>>, vector<16xf32>,
        %get3A_247 = arith.index_cast %add3A_179 : i32 to index
        %get3A_248 = arith.constant 80 : index
        %get3A_249 = tpu.vector_load %arg18[%get3A_247, %get3A_248] {strides = array<i32>} : memref<40x128xf32, #tpu.memory_space<vmem>>, vector<16xf32>,
        %add3A_250 = arith.addf %get3A_246, %get3A_249 : vector<16xf32>
        %max3A_251 = arith.constant 0.000000e+00 : f32
        %max3A_252 = vector.broadcast %max3A_251 : f32 to vector<16xf32>
        %max3A_253 = arith.maximumf %add3A_250, %max3A_252 : vector<16xf32>
        %swap3A_254 = arith.index_cast %add3A_179 : i32 to index
        %swap3A_255 = arith.constant 80 : index
        %swap3A_256 = tpu.vector_load %arg20[%swap3A_254, %swap3A_255] {strides = array<i32>} : memref<40x128xf32, #tpu.memory_space<vmem>>, vector<16xf32>,
        tpu.vector_store %arg20[%swap3A_254, %swap3A_255], %max3A_253 {strides = array<i32>} : memref<40x128xf32, #tpu.memory_space<vmem>>, vector<16xf32>,
        %get3A_257 = arith.index_cast %add3A_179 : i32 to index
        %get3A_258 = arith.constant 96 : index
        %get3A_259 = tpu.vector_load %arg16[%get3A_257, %get3A_258] {strides = array<i32>} : memref<40x128xf32, #tpu.memory_space<vmem>>, vector<16xf32>,
        %get3A_260 = arith.index_cast %add3A_179 : i32 to index
        %get3A_261 = arith.constant 96 : index
        %get3A_262 = tpu.vector_load %arg18[%get3A_260, %get3A_261] {strides = array<i32>} : memref<40x128xf32, #tpu.memory_space<vmem>>, vector<16xf32>,
        %add3A_263 = arith.addf %get3A_259, %get3A_262 : vector<16xf32>
        %max3A_264 = arith.constant 0.000000e+00 : f32
        %max3A_265 = vector.broadcast %max3A_264 : f32 to vector<16xf32>
        %max3A_266 = arith.maximumf %add3A_263, %max3A_265 : vector<16xf32>
        %swap3A_267 = arith.index_cast %add3A_179 : i32 to index
        %swap3A_268 = arith.constant 96 : index
        %swap3A_269 = tpu.vector_load %arg20[%swap3A_267, %swap3A_268] {strides = array<i32>} : memref<40x128xf32, #tpu.memory_space<vmem>>, vector<16xf32>,
        tpu.vector_store %arg20[%swap3A_267, %swap3A_268], %max3A_266 {strides = array<i32>} : memref<40x128xf32, #tpu.memory_space<vmem>>, vector<16xf32>,
        %get3A_270 = arith.index_cast %add3A_179 : i32 to index
        %get3A_271 = arith.constant 112 : index
        %get3A_272 = tpu.vector_load %arg16[%get3A_270, %get3A_271] {strides = array<i32>} : memref<40x128xf32, #tpu.memory_space<vmem>>, vector<16xf32>,
        %get3A_273 = arith.index_cast %add3A_179 : i32 to index
        %get3A_274 = arith.constant 112 : index
        %get3A_275 = tpu.vector_load %arg18[%get3A_273, %get3A_274] {strides = array<i32>} : memref<40x128xf32, #tpu.memory_space<vmem>>, vector<16xf32>,
        %add3A_276 = arith.addf %get3A_272, %get3A_275 : vector<16xf32>
        %max3A_277 = arith.constant 0.000000e+00 : f32
        %max3A_278 = vector.broadcast %max3A_277 : f32 to vector<16xf32>
        %max3A_279 = arith.maximumf %add3A_276, %max3A_278 : vector<16xf32>
        %swap3A_280 = arith.index_cast %add3A_179 : i32 to index
        %swap3A_281 = arith.constant 112 : index
        %swap3A_282 = tpu.vector_load %arg20[%swap3A_280, %swap3A_281] {strides = array<i32>} : memref<40x128xf32, #tpu.memory_space<vmem>>, vector<16xf32>,
        tpu.vector_store %arg20[%swap3A_280, %swap3A_281], %max3A_279 {strides = array<i32>} : memref<40x128xf32, #tpu.memory_space<vmem>>, vector<16xf32>,
      }
      %scan3A_150 = arith.constant 40 : i32
      %get3A_151 = arith.constant 0 : index
      %get3A_152 = tpu.vector_load %arg12[%get3A_151] {strides = array<i32>} : memref<40xi32, #tpu.memory_space<vmem>>, vector<16xi32>,
      tpu.vector_store_idx %arg21[%get3A_152], %broadcast_in_dim3A_9 {add = true} : memref<10240xf32, #tpu.memory_space<vmem>>[vector<16xi32>], vector<16xf32>,
      %get3A_153 = arith.constant 16 : index
      %get3A_154 = tpu.vector_load %arg12[%get3A_153] {strides = array<i32>} : memref<40xi32, #tpu.memory_space<vmem>>, vector<16xi32>,
      tpu.vector_store_idx %arg21[%get3A_154], %broadcast_in_dim3A_9 {add = true} : memref<10240xf32, #tpu.memory_space<vmem>>[vector<16xi32>], vector<16xf32>,
      %get3A_155 = arith.constant 24 : index
      %get3A_156 = tpu.vector_load %arg12[%get3A_155] {strides = array<i32>} : memref<40xi32, #tpu.memory_space<vmem>>, vector<16xi32>,
      tpu.vector_store_idx %arg21[%get3A_156], %broadcast_in_dim3A_9 masked %ge3A_11 {add = true} : memref<10240xf32, #tpu.memory_space<vmem>>[vector<16xi32>], vector<16xf32>, vector<16xi1>
      %get3A_157 = arith.constant 0 : index
      %get3A_158 = tpu.vector_load %arg12[%get3A_157] {strides = array<i32>} : memref<40xi32, #tpu.memory_space<vmem>>, vector<16xi32>,
      %swap3A_159 = arith.constant 0 : index
      %swap3A_160 = tpu.vector_load %arg14[%swap3A_159] {strides = array<i32>} : memref<40xi32, #tpu.memory_space<vmem>>, vector<16xi32>,
      tpu.vector_store %arg14[%swap3A_159], %get3A_158 {strides = array<i32>} : memref<40xi32, #tpu.memory_space<vmem>>, vector<16xi32>,
      %get3A_161 = arith.constant 16 : index
      %get3A_162 = tpu.vector_load %arg12[%get3A_161] {strides = array<i32>} : memref<40xi32, #tpu.memory_space<vmem>>, vector<16xi32>,
      %swap3A_163 = arith.constant 16 : index
      %swap3A_164 = tpu.vector_load %arg14[%swap3A_163] {strides = array<i32>} : memref<40xi32, #tpu.memory_space<vmem>>, vector<16xi32>,
      tpu.vector_store %arg14[%swap3A_163], %get3A_162 {strides = array<i32>} : memref<40xi32, #tpu.memory_space<vmem>>, vector<16xi32>,
      %get3A_165 = arith.constant 24 : index
      %get3A_166 = tpu.vector_load %arg12[%get3A_165] {strides = array<i32>} : memref<40xi32, #tpu.memory_space<vmem>>, vector<16xi32>,
      %swap3A_167 = arith.constant 24 : index
      %swap3A_168 = tpu.vector_load %arg14[%swap3A_167] {strides = array<i32>} : memref<40xi32, #tpu.memory_space<vmem>>, vector<16xi32>,
      tpu.vector_store %arg14[%swap3A_167], %get3A_166 {strides = array<i32>} : memref<40xi32, #tpu.memory_space<vmem>>, vector<16xi32>,
      %dma_start3A_169 = arith.constant 0 : i32
      %dma_start3A_170 = arith.constant 0 : i32
      %dma_start3A_171 = tpu.memref_slice %arg22[%dma_start3A_169, %dma_start3A_170] : memref<10000x128xf32, #tpu.memory_space<vmem_shared>> -> memref<10000x128xf32, #tpu.memory_space<vmem_shared>>
      tpu.enqueue_indirect_dma source(%arg20 : memref<40x128xf32, #tpu.memory_space<vmem>>) target(%dma_start3A_171 : memref<10000x128xf32, #tpu.memory_space<vmem_shared>>) offsets(%arg14 : memref<40xi32, #tpu.memory_space<vmem>>) semaphore(%arg30 : memref<!tpu.dma_semaphore, #tpu.memory_space<semaphore_mem>>) {add = true}
      %convert_element_type3A_172 = arith.extui %lt3A_127 : i1 to i32
      %cond3A_173 = arith.constant 0 : i32
      %cond3A_174 = arith.cmpi ne, %convert_element_type3A_172, %cond3A_173 : i32
      scf.if %cond3A_174 {
        %add3A_175 = arith.constant 2 : i32
        %add3A_176 = arith.addi %add3A_117, %add3A_175 : i32
        %mul3A_177 = arith.constant 40 : i32
        %mul3A_178 = arith.muli %add3A_176, %mul3A_177 : i32
        %add3A_179 = arith.addi %mul3A_2, %mul3A_178 : i32
        %dma_start3A_180 = tpu.memref_slice %arg4[%add3A_179] : memref<115200xi32, #tpu.memory_space<hbm>> -> memref<40xi32, #tpu.memory_space<hbm>>
        %dma_start3A_181 = tpu.memref_slice %arg4[%add3A_179] : memref<115200xi32, #tpu.memory_space<hbm>> -> memref<40xi32, #tpu.memory_space<hbm>>
        tpu.enqueue_dma source(%dma_start3A_181 : memref<40xi32, #tpu.memory_space<hbm>>) target(%arg10 : memref<40xi32, #tpu.memory_space<vmem>>) target_semaphore(%arg24 : memref<!tpu.dma_semaphore, #tpu.memory_space<semaphore_mem>>)
        %dma_start3A_182 = tpu.memref_slice %arg5[%add3A_179] : memref<115200xi32, #tpu.memory_space<hbm>> -> memref<40xi32, #tpu.memory_space<hbm>>
        %dma_start3A_183 = tpu.memref_slice %arg5[%add3A_179] : memref<115200xi32, #tpu.memory_space<hbm>> -> memref<40xi32, #tpu.memory_space<hbm>>
        tpu.enqueue_dma source(%dma_start3A_183 : memref<40xi32, #tpu.memory_space<hbm>>) target(%arg12 : memref<40xi32, #tpu.memory_space<vmem>>) target_semaphore(%arg24 : memref<!tpu.dma_semaphore, #tpu.memory_space<semaphore_mem>>)
      } else {
      }
    }
    %scan3A_41 = arith.constant 45 : i32
    %dma_wait3A_42 = arith.constant 0 : i32
    %dma_wait3A_43 = arith.constant 0 : i32
    %dma_wait3A_44 = tpu.memref_slice %arg22[%dma_wait3A_42, %dma_wait3A_43] : memref<10000x128xf32, #tpu.memory_space<vmem_shared>> -> memref<10000x128xf32, #tpu.memory_space<vmem_shared>>
    tpu.wait_indirect_dma semaphore(%arg30 : memref<!tpu.dma_semaphore, #tpu.memory_space<semaphore_mem>>) src(%arg20 : memref<40x128xf32, #tpu.memory_space<vmem>>) dst(%dma_wait3A_44 : memref<10000x128xf32, #tpu.memory_space<vmem_shared>>)
    %dma_wait3A_45 = arith.constant 0 : i32
    %dma_wait3A_46 = arith.constant 0 : i32
    %dma_wait3A_47 = tpu.memref_slice %arg22[%dma_wait3A_45, %dma_wait3A_46] : memref<10000x128xf32, #tpu.memory_space<vmem_shared>> -> memref<10000x128xf32, #tpu.memory_space<vmem_shared>>
    tpu.wait_indirect_dma semaphore(%arg29 : memref<!tpu.dma_semaphore, #tpu.memory_space<semaphore_mem>>) src(%arg19 : memref<40x128xf32, #tpu.memory_space<vmem>>) dst(%dma_wait3A_47 : memref<10000x128xf32, #tpu.memory_space<vmem_shared>>)
    %mul3A_48 = arith.constant 10240 : i32
    %mul3A_49 = arith.muli %add3A, %mul3A_48 : i32
    "tpu.region"() ({
      %run_scoped3A = tpu.sem_alloc : memref<!tpu.dma_semaphore, #tpu.memory_space<semaphore_mem>>
      %dma_start3A_56 = tpu.memref_slice %arg8[%mul3A_49] : memref<327680xf32, #tpu.memory_space<hbm>> -> memref<10240xf32, #tpu.memory_space<hbm>>
      %dma_start3A_57 = tpu.memref_slice %arg8[%mul3A_49] : memref<327680xf32, #tpu.memory_space<hbm>> -> memref<10240xf32, #tpu.memory_space<hbm>>
      tpu.enqueue_dma source(%arg21 : memref<10240xf32, #tpu.memory_space<vmem>>) target(%dma_start3A_57 : memref<10240xf32, #tpu.memory_space<hbm>>) target_semaphore(%run_scoped3A : memref<!tpu.dma_semaphore, #tpu.memory_space<semaphore_mem>>)
      %dma_wait3A_58 = tpu.memref_slice %arg8[%mul3A_49] : memref<327680xf32, #tpu.memory_space<hbm>> -> memref<10240xf32, #tpu.memory_space<hbm>>
      %dma_wait3A_59 = tpu.memref_slice %arg8[%mul3A_49] : memref<327680xf32, #tpu.memory_space<hbm>> -> memref<10240xf32, #tpu.memory_space<hbm>>
      tpu.wait_dma2 semaphore(%run_scoped3A : memref<!tpu.dma_semaphore, #tpu.memory_space<semaphore_mem>>) src(%arg21 : memref<10240xf32, #tpu.memory_space<vmem>>) dst(%dma_wait3A_59 : memref<10240xf32, #tpu.memory_space<hbm>>)
      tpu.yield
    }) : () -> ()
    %barrier3A_50 = arith.constant 0 : index
    tpu.barrier barrier_id(%barrier3A_50)
    %lt3A_51 = arith.constant 10 : i32
    %lt3A_52 = arith.cmpi slt, %arg1, %lt3A_51 : i32
    %convert_element_type3A_53 = arith.extui %lt3A_52 : i1 to i32
    %cond3A_54 = arith.constant 0 : i32
    %cond3A_55 = arith.cmpi ne, %convert_element_type3A_53, %cond3A_54 : i32
    scf.if %cond3A_55 {
      %mul3A_56 = arith.constant 1000 : i32
      %mul3A_57 = arith.muli %arg1, %mul3A_56 : i32
      %mul3A_58 = arith.constant 1000 : i32
      %mul3A_59 = arith.muli %arg1, %mul3A_58 : i32
      "tpu.region"() ({
        %run_scoped3A = tpu.sem_alloc : memref<!tpu.dma_semaphore, #tpu.memory_space<semaphore_mem>>
        %dma_start3A_60 = arith.constant 0 : i32
        %dma_start3A_61 = tpu.memref_slice %arg7[%arg0, %mul3A_59, %dma_start3A_60] : memref<2x10000x128xf32, #tpu.memory_space<hbm>> -> memref<1x1000x128xf32, #tpu.memory_space<hbm>>
        %dma_start3A_62 = tpu.memref_squeeze %dma_start3A_61 : memref<1x1000x128xf32, #tpu.memory_space<hbm>> -> memref<1000x128xf32, #tpu.memory_space<hbm>>
        %dma_start3A_63 = arith.constant 0 : i32
        %dma_start3A_64 = tpu.memref_slice %arg22[%mul3A_57, %dma_start3A_63] : memref<10000x128xf32, #tpu.memory_space<vmem_shared>> -> memref<1000x128xf32, #tpu.memory_space<vmem_shared>>
        tpu.enqueue_dma source(%dma_start3A_64 : memref<1000x128xf32, #tpu.memory_space<vmem_shared>>) target(%dma_start3A_62 : memref<1000x128xf32, #tpu.memory_space<hbm>>) target_semaphore(%run_scoped3A : memref<!tpu.dma_semaphore, #tpu.memory_space<semaphore_mem>>)
        %dma_wait3A_65 = arith.constant 0 : i32
        %dma_wait3A_66 = tpu.memref_slice %arg7[%arg0, %mul3A_59, %dma_wait3A_65] : memref<2x10000x128xf32, #tpu.memory_space<hbm>> -> memref<1x1000x128xf32, #tpu.memory_space<hbm>>
        %dma_wait3A_67 = tpu.memref_squeeze %dma_wait3A_66 : memref<1x1000x128xf32, #tpu.memory_space<hbm>> -> memref<1000x128xf32, #tpu.memory_space<hbm>>
        %dma_wait3A_68 = arith.constant 0 : i32
        %dma_wait3A_69 = tpu.memref_slice %arg22[%mul3A_57, %dma_wait3A_68] : memref<10000x128xf32, #tpu.memory_space<vmem_shared>> -> memref<1000x128xf32, #tpu.memory_space<vmem_shared>>
        tpu.wait_dma2 semaphore(%run_scoped3A : memref<!tpu.dma_semaphore, #tpu.memory_space<semaphore_mem>>) src(%dma_wait3A_69 : memref<1000x128xf32, #tpu.memory_space<vmem_shared>>) dst(%dma_wait3A_67 : memref<1000x128xf32, #tpu.memory_space<hbm>>)
        tpu.yield
      }) : () -> ()
    } else {
    }
    return
  }
}

module attributes {stable_mosaic.version = 14 : i64} {
  func.func @_p_body(%arg0: i32, %arg1: memref<2000x128xf32, #tpu.memory_space<vmem>>, %arg2: memref<128x128xf32, #tpu.memory_space<vmem>>, %arg3: memref<2000x128xf32, #tpu.memory_space<vmem>>) attributes {dimension_semantics = [#tpu.dimension_semantics<arbitrary>], iteration_bounds = array<i64: 5>, scalar_prefetch = 0 : i64, scratch_operands = 0 : i64, tpu.core_type = #tpu.core_type<tc>, window_params = [{transform_indices = @transform_0, window_bounds = array<i64: 2000, 128>}, {pipeline_mode = #tpu.pipeline_mode<synchronous>, transform_indices = @transform_1, window_bounds = array<i64: 128, 128>}, {transform_indices = @transform_2, window_bounds = array<i64: 2000, 128>}]} {
    %get3A = arith.constant 0 : index
    %get3A_0 = arith.constant 0 : index
    %get3A_1 = vector.load %arg1[%get3A, %get3A_0] : memref<2000x128xf32, #tpu.memory_space<vmem>>, vector<2000x128xf32>
    %get3A_2 = arith.constant 0 : index
    %get3A_3 = arith.constant 0 : index
    %get3A_4 = vector.load %arg2[%get3A_2, %get3A_3] : memref<128x128xf32, #tpu.memory_space<vmem>>, vector<128x128xf32>
    %dot_general3A = arith.constant dense<0.000000e+00> : vector<2000x128xf32>
    %dot_general3A_5 = tpu.matmul %get3A_1, %get3A_4, %dot_general3A {dimension_numbers = #tpu.dot_dimension_numbers<[1], [0], [0], [1], [0, 0, 1, 1], [], []>, transpose_lhs_hint = false} : vector<2000x128xf32>, vector<128x128xf32>, vector<2000x128xf32> -> vector<2000x128xf32>
    %swap3A = arith.constant 0 : index
    %swap3A_6 = arith.constant 0 : index
    %swap3A_7 = vector.load %arg3[%swap3A, %swap3A_6] : memref<2000x128xf32, #tpu.memory_space<vmem>>, vector<2000x128xf32>
    tpu.vector_store %arg3[%swap3A, %swap3A_6], %dot_general3A_5 {strides = array<i32>} : memref<2000x128xf32, #tpu.memory_space<vmem>>, vector<2000x128xf32>,
    return
  }
  func.func @transform_0(%arg0: i32) -> (i32, i32) {
    %c0_i32 = arith.constant 0 : i32
    %c0_i32_0 = arith.constant 0 : i32
    return %arg0, %c0_i32 : i32, i32
  }
  func.func @transform_1(%arg0: i32) -> (i32, i32) {
    %c0_i32 = arith.constant 0 : i32
    %c0_i32_0 = arith.constant 0 : i32
    %c0_i32_1 = arith.constant 0 : i32
    return %c0_i32, %c0_i32_0 : i32, i32
  }
  func.func @transform_2(%arg0: i32) -> (i32, i32) {
    %c0_i32 = arith.constant 0 : i32
    %c0_i32_0 = arith.constant 0 : i32
    return %arg0, %c0_i32 : i32, i32
  }
}

module attributes {stable_mosaic.version = 14 : i64} {
  func.func @_q_body(%arg0: i32, %arg1: memref<16x3200xf32, #tpu.memory_space<vmem>>, %arg2: memref<3200x16xf32, #tpu.memory_space<vmem>>, %arg3: memref<16x128xf32, #tpu.memory_space<vmem>>, %arg4: memref<16x128xf32, #tpu.memory_space<vmem>>, %arg5: memref<1x128xf32, #tpu.memory_space<vmem>>, %arg6: memref<3200x128xf32, #tpu.memory_space<vmem>>) attributes {dimension_semantics = [#tpu.dimension_semantics<arbitrary>], iteration_bounds = array<i64: 36>, scalar_prefetch = 0 : i64, scratch_operands = 0 : i64, tpu.core_type = #tpu.core_type<tc>, window_params = [{transform_indices = @transform_0, window_bounds = array<i64: 16, 3200>}, {transform_indices = @transform_1, window_bounds = array<i64: 3200, 16>}, {pipeline_mode = #tpu.pipeline_mode<synchronous>, transform_indices = @transform_2, window_bounds = array<i64: 16, 128>}, {pipeline_mode = #tpu.pipeline_mode<synchronous>, transform_indices = @transform_3, window_bounds = array<i64: 16, 128>}, {pipeline_mode = #tpu.pipeline_mode<synchronous>, transform_indices = @transform_4, window_bounds = array<i64: 1, 128>}, {transform_indices = @transform_5, window_bounds = array<i64: 3200, 128>}]} {
    %get3A = arith.constant 0 : index
    %get3A_0 = arith.constant 0 : index
    %get3A_1 = vector.load %arg1[%get3A, %get3A_0] : memref<16x3200xf32, #tpu.memory_space<vmem>>, vector<16x3200xf32>
    %mul3A = arith.constant 0.159154937 : f32
    %mul3A_2 = vector.broadcast %mul3A : f32 to vector<16x3200xf32>
    %mul3A_3 = arith.mulf %get3A_1, %mul3A_2 : vector<16x3200xf32>
    %round3A = math.roundeven %mul3A_3 : vector<16x3200xf32>
    %mul3A_4 = arith.constant 6.28318548 : f32
    %mul3A_5 = vector.broadcast %mul3A_4 : f32 to vector<16x3200xf32>
    %mul3A_6 = arith.mulf %round3A, %mul3A_5 : vector<16x3200xf32>
    %sub3A = arith.subf %get3A_1, %mul3A_6 : vector<16x3200xf32>
    %mul3A_7 = arith.constant -1.74845553E-7 : f32
    %mul3A_8 = vector.broadcast %mul3A_7 : f32 to vector<16x3200xf32>
    %mul3A_9 = arith.mulf %round3A, %mul3A_8 : vector<16x3200xf32>
    %sub3A_10 = arith.subf %sub3A, %mul3A_9 : vector<16x3200xf32>
    %mul3A_11 = arith.mulf %sub3A_10, %sub3A_10 : vector<16x3200xf32>
    %broadcast_in_dim3A = arith.constant 4.128382E-14 : f32
    %broadcast_in_dim3A_12 = vector.broadcast %broadcast_in_dim3A : f32 to vector<16x3200xf32>
    %mul3A_13 = arith.mulf %broadcast_in_dim3A_12, %mul3A_11 : vector<16x3200xf32>
    %add3A = arith.constant -1.13528969E-11 : f32
    %add3A_14 = vector.broadcast %add3A : f32 to vector<16x3200xf32>
    %add3A_15 = arith.addf %mul3A_13, %add3A_14 : vector<16x3200xf32>
    %mul3A_16 = arith.mulf %add3A_15, %mul3A_11 : vector<16x3200xf32>
    %add3A_17 = arith.constant 2.08650186E-9 : f32
    %add3A_18 = vector.broadcast %add3A_17 : f32 to vector<16x3200xf32>
    %add3A_19 = arith.addf %mul3A_16, %add3A_18 : vector<16x3200xf32>
    %mul3A_20 = arith.mulf %add3A_19, %mul3A_11 : vector<16x3200xf32>
    %add3A_21 = arith.constant -2.7556618E-7 : f32
    %add3A_22 = vector.broadcast %add3A_21 : f32 to vector<16x3200xf32>
    %add3A_23 = arith.addf %mul3A_20, %add3A_22 : vector<16x3200xf32>
    %mul3A_24 = arith.mulf %add3A_23, %mul3A_11 : vector<16x3200xf32>
    %add3A_25 = arith.constant 2.48015604E-5 : f32
    %add3A_26 = vector.broadcast %add3A_25 : f32 to vector<16x3200xf32>
    %add3A_27 = arith.addf %mul3A_24, %add3A_26 : vector<16x3200xf32>
    %mul3A_28 = arith.mulf %add3A_27, %mul3A_11 : vector<16x3200xf32>
    %add3A_29 = arith.constant -0.00138888881 : f32
    %add3A_30 = vector.broadcast %add3A_29 : f32 to vector<16x3200xf32>
    %add3A_31 = arith.addf %mul3A_28, %add3A_30 : vector<16x3200xf32>
    %mul3A_32 = arith.mulf %add3A_31, %mul3A_11 : vector<16x3200xf32>
    %add3A_33 = arith.constant 0.0416666679 : f32
    %add3A_34 = vector.broadcast %add3A_33 : f32 to vector<16x3200xf32>
    %add3A_35 = arith.addf %mul3A_32, %add3A_34 : vector<16x3200xf32>
    %mul3A_36 = arith.mulf %add3A_35, %mul3A_11 : vector<16x3200xf32>
    %add3A_37 = arith.constant -5.000000e-01 : f32
    %add3A_38 = vector.broadcast %add3A_37 : f32 to vector<16x3200xf32>
    %add3A_39 = arith.addf %mul3A_36, %add3A_38 : vector<16x3200xf32>
    %mul3A_40 = arith.mulf %add3A_39, %mul3A_11 : vector<16x3200xf32>
    %add3A_41 = arith.constant 1.000000e+00 : f32
    %add3A_42 = vector.broadcast %add3A_41 : f32 to vector<16x3200xf32>
    %add3A_43 = arith.addf %mul3A_40, %add3A_42 : vector<16x3200xf32>
    %get3A_44 = arith.constant 0 : index
    %get3A_45 = arith.constant 0 : index
    %get3A_46 = vector.load %arg2[%get3A_44, %get3A_45] : memref<3200x16xf32, #tpu.memory_space<vmem>>, vector<3200x16xf32>
    %get3A_47 = arith.constant 0 : index
    %get3A_48 = arith.constant 0 : index
    %get3A_49 = vector.load %arg3[%get3A_47, %get3A_48] : memref<16x128xf32, #tpu.memory_space<vmem>>, vector<16x128xf32>
    %dot_general3A = arith.constant dense<0.000000e+00> : vector<3200x128xf32>
    %dot_general3A_50 = tpu.matmul %get3A_46, %get3A_49, %dot_general3A {dimension_numbers = #tpu.dot_dimension_numbers<[1], [0], [0], [1], [0, 0, 1, 1], [], []>, transpose_lhs_hint = false} : vector<3200x16xf32>, vector<16x128xf32>, vector<3200x128xf32> -> vector<3200x128xf32>
    %get3A_51 = arith.constant 0 : index
    %get3A_52 = arith.constant 0 : index
    %get3A_53 = vector.load %arg4[%get3A_51, %get3A_52] : memref<16x128xf32, #tpu.memory_space<vmem>>, vector<16x128xf32>
    %dot_general3A_54 = arith.constant dense<0.000000e+00> : vector<3200x128xf32>
    %dot_general3A_55 = tpu.matmul %add3A_43, %get3A_53, %dot_general3A_54 {dimension_numbers = #tpu.dot_dimension_numbers<[0], [0], [1], [1], [0, 1, 1, 1], [], []>, transpose_lhs_hint = false} : vector<16x3200xf32>, vector<16x128xf32>, vector<3200x128xf32> -> vector<3200x128xf32>
    %add3A_56 = arith.addf %dot_general3A_50, %dot_general3A_55 : vector<3200x128xf32>
    %get3A_57 = arith.constant 0 : index
    %get3A_58 = arith.constant 0 : index
    %get3A_59 = vector.load %arg5[%get3A_57, %get3A_58] : memref<1x128xf32, #tpu.memory_space<vmem>>, vector<1x128xf32>
    %add3A_60 = vector.broadcast %get3A_59 : vector<1x128xf32> to vector<3200x128xf32>
    %add3A_61 = arith.addf %add3A_56, %add3A_60 : vector<3200x128xf32>
    %swap3A = arith.constant 0 : index
    %swap3A_62 = arith.constant 0 : index
    %swap3A_63 = vector.load %arg6[%swap3A, %swap3A_62] : memref<3200x128xf32, #tpu.memory_space<vmem>>, vector<3200x128xf32>
    tpu.vector_store %arg6[%swap3A, %swap3A_62], %add3A_61 {strides = array<i32>} : memref<3200x128xf32, #tpu.memory_space<vmem>>, vector<3200x128xf32>,
    return
  }
  func.func @transform_0(%arg0: i32) -> (i32, i32) {
    %add3A = arith.constant 0 : i32
    %add3A_0 = arith.addi %add3A, %arg0 : i32
    %c0_i32 = arith.constant 0 : i32
    %c0_i32_1 = arith.constant 0 : i32
    return %c0_i32, %add3A_0 : i32, i32
  }
  func.func @transform_1(%arg0: i32) -> (i32, i32) {
    %add3A = arith.constant 0 : i32
    %add3A_0 = arith.addi %add3A, %arg0 : i32
    %c0_i32 = arith.constant 0 : i32
    %c0_i32_1 = arith.constant 0 : i32
    return %add3A_0, %c0_i32 : i32, i32
  }
  func.func @transform_2(%arg0: i32) -> (i32, i32) {
    %c0_i32 = arith.constant 0 : i32
    %c0_i32_0 = arith.constant 0 : i32
    %c0_i32_1 = arith.constant 0 : i32
    return %c0_i32, %c0_i32_0 : i32, i32
  }
  func.func @transform_3(%arg0: i32) -> (i32, i32) {
    %c0_i32 = arith.constant 0 : i32
    %c0_i32_0 = arith.constant 0 : i32
    %c0_i32_1 = arith.constant 0 : i32
    return %c0_i32, %c0_i32_0 : i32, i32
  }
  func.func @transform_4(%arg0: i32) -> (i32, i32) {
    %c0_i32 = arith.constant 0 : i32
    %c0_i32_0 = arith.constant 0 : i32
    %c0_i32_1 = arith.constant 0 : i32
    return %c0_i32, %c0_i32_0 : i32, i32
  }
  func.func @transform_5(%arg0: i32) -> (i32, i32) {
    %c0_i32 = arith.constant 0 : i32
    %c0_i32_0 = arith.constant 0 : i32
    return %arg0, %c0_i32 : i32, i32
  }
}

module attributes {stable_mosaic.version = 14 : i64} {
  func.func @_q_body(%arg0: i32, %arg1: memref<16x3200xf32, #tpu.memory_space<vmem>>, %arg2: memref<3200x16xf32, #tpu.memory_space<vmem>>, %arg3: memref<16x128xf32, #tpu.memory_space<vmem>>, %arg4: memref<16x128xf32, #tpu.memory_space<vmem>>, %arg5: memref<1x128xf32, #tpu.memory_space<vmem>>, %arg6: memref<3200x128xf32, #tpu.memory_space<vmem>>) attributes {dimension_semantics = [#tpu.dimension_semantics<arbitrary>], iteration_bounds = array<i64: 64>, scalar_prefetch = 0 : i64, scratch_operands = 0 : i64, tpu.core_type = #tpu.core_type<tc>, window_params = [{transform_indices = @transform_0, window_bounds = array<i64: 16, 3200>}, {transform_indices = @transform_1, window_bounds = array<i64: 3200, 16>}, {pipeline_mode = #tpu.pipeline_mode<synchronous>, transform_indices = @transform_2, window_bounds = array<i64: 16, 128>}, {pipeline_mode = #tpu.pipeline_mode<synchronous>, transform_indices = @transform_3, window_bounds = array<i64: 16, 128>}, {pipeline_mode = #tpu.pipeline_mode<synchronous>, transform_indices = @transform_4, window_bounds = array<i64: 1, 128>}, {transform_indices = @transform_5, window_bounds = array<i64: 3200, 128>}]} {
    %get3A = arith.constant 0 : index
    %get3A_0 = arith.constant 0 : index
    %get3A_1 = vector.load %arg1[%get3A, %get3A_0] : memref<16x3200xf32, #tpu.memory_space<vmem>>, vector<16x3200xf32>
    %mul3A = arith.constant 0.159154937 : f32
    %mul3A_2 = vector.broadcast %mul3A : f32 to vector<16x3200xf32>
    %mul3A_3 = arith.mulf %get3A_1, %mul3A_2 : vector<16x3200xf32>
    %round3A = math.roundeven %mul3A_3 : vector<16x3200xf32>
    %mul3A_4 = arith.constant 6.28318548 : f32
    %mul3A_5 = vector.broadcast %mul3A_4 : f32 to vector<16x3200xf32>
    %mul3A_6 = arith.mulf %round3A, %mul3A_5 : vector<16x3200xf32>
    %sub3A = arith.subf %get3A_1, %mul3A_6 : vector<16x3200xf32>
    %mul3A_7 = arith.constant -1.74845553E-7 : f32
    %mul3A_8 = vector.broadcast %mul3A_7 : f32 to vector<16x3200xf32>
    %mul3A_9 = arith.mulf %round3A, %mul3A_8 : vector<16x3200xf32>
    %sub3A_10 = arith.subf %sub3A, %mul3A_9 : vector<16x3200xf32>
    %mul3A_11 = arith.mulf %sub3A_10, %sub3A_10 : vector<16x3200xf32>
    %broadcast_in_dim3A = arith.constant 4.128382E-14 : f32
    %broadcast_in_dim3A_12 = vector.broadcast %broadcast_in_dim3A : f32 to vector<16x3200xf32>
    %mul3A_13 = arith.mulf %broadcast_in_dim3A_12, %mul3A_11 : vector<16x3200xf32>
    %add3A = arith.constant -1.13528969E-11 : f32
    %add3A_14 = vector.broadcast %add3A : f32 to vector<16x3200xf32>
    %add3A_15 = arith.addf %mul3A_13, %add3A_14 : vector<16x3200xf32>
    %mul3A_16 = arith.mulf %add3A_15, %mul3A_11 : vector<16x3200xf32>
    %add3A_17 = arith.constant 2.08650186E-9 : f32
    %add3A_18 = vector.broadcast %add3A_17 : f32 to vector<16x3200xf32>
    %add3A_19 = arith.addf %mul3A_16, %add3A_18 : vector<16x3200xf32>
    %mul3A_20 = arith.mulf %add3A_19, %mul3A_11 : vector<16x3200xf32>
    %add3A_21 = arith.constant -2.7556618E-7 : f32
    %add3A_22 = vector.broadcast %add3A_21 : f32 to vector<16x3200xf32>
    %add3A_23 = arith.addf %mul3A_20, %add3A_22 : vector<16x3200xf32>
    %mul3A_24 = arith.mulf %add3A_23, %mul3A_11 : vector<16x3200xf32>
    %add3A_25 = arith.constant 2.48015604E-5 : f32
    %add3A_26 = vector.broadcast %add3A_25 : f32 to vector<16x3200xf32>
    %add3A_27 = arith.addf %mul3A_24, %add3A_26 : vector<16x3200xf32>
    %mul3A_28 = arith.mulf %add3A_27, %mul3A_11 : vector<16x3200xf32>
    %add3A_29 = arith.constant -0.00138888881 : f32
    %add3A_30 = vector.broadcast %add3A_29 : f32 to vector<16x3200xf32>
    %add3A_31 = arith.addf %mul3A_28, %add3A_30 : vector<16x3200xf32>
    %mul3A_32 = arith.mulf %add3A_31, %mul3A_11 : vector<16x3200xf32>
    %add3A_33 = arith.constant 0.0416666679 : f32
    %add3A_34 = vector.broadcast %add3A_33 : f32 to vector<16x3200xf32>
    %add3A_35 = arith.addf %mul3A_32, %add3A_34 : vector<16x3200xf32>
    %mul3A_36 = arith.mulf %add3A_35, %mul3A_11 : vector<16x3200xf32>
    %add3A_37 = arith.constant -5.000000e-01 : f32
    %add3A_38 = vector.broadcast %add3A_37 : f32 to vector<16x3200xf32>
    %add3A_39 = arith.addf %mul3A_36, %add3A_38 : vector<16x3200xf32>
    %mul3A_40 = arith.mulf %add3A_39, %mul3A_11 : vector<16x3200xf32>
    %add3A_41 = arith.constant 1.000000e+00 : f32
    %add3A_42 = vector.broadcast %add3A_41 : f32 to vector<16x3200xf32>
    %add3A_43 = arith.addf %mul3A_40, %add3A_42 : vector<16x3200xf32>
    %get3A_44 = arith.constant 0 : index
    %get3A_45 = arith.constant 0 : index
    %get3A_46 = vector.load %arg2[%get3A_44, %get3A_45] : memref<3200x16xf32, #tpu.memory_space<vmem>>, vector<3200x16xf32>
    %get3A_47 = arith.constant 0 : index
    %get3A_48 = arith.constant 0 : index
    %get3A_49 = vector.load %arg3[%get3A_47, %get3A_48] : memref<16x128xf32, #tpu.memory_space<vmem>>, vector<16x128xf32>
    %dot_general3A = arith.constant dense<0.000000e+00> : vector<3200x128xf32>
    %dot_general3A_50 = tpu.matmul %get3A_46, %get3A_49, %dot_general3A {dimension_numbers = #tpu.dot_dimension_numbers<[1], [0], [0], [1], [0, 0, 1, 1], [], []>, transpose_lhs_hint = false} : vector<3200x16xf32>, vector<16x128xf32>, vector<3200x128xf32> -> vector<3200x128xf32>
    %get3A_51 = arith.constant 0 : index
    %get3A_52 = arith.constant 0 : index
    %get3A_53 = vector.load %arg4[%get3A_51, %get3A_52] : memref<16x128xf32, #tpu.memory_space<vmem>>, vector<16x128xf32>
    %dot_general3A_54 = arith.constant dense<0.000000e+00> : vector<3200x128xf32>
    %dot_general3A_55 = tpu.matmul %add3A_43, %get3A_53, %dot_general3A_54 {dimension_numbers = #tpu.dot_dimension_numbers<[0], [0], [1], [1], [0, 1, 1, 1], [], []>, transpose_lhs_hint = false} : vector<16x3200xf32>, vector<16x128xf32>, vector<3200x128xf32> -> vector<3200x128xf32>
    %add3A_56 = arith.addf %dot_general3A_50, %dot_general3A_55 : vector<3200x128xf32>
    %get3A_57 = arith.constant 0 : index
    %get3A_58 = arith.constant 0 : index
    %get3A_59 = vector.load %arg5[%get3A_57, %get3A_58] : memref<1x128xf32, #tpu.memory_space<vmem>>, vector<1x128xf32>
    %add3A_60 = vector.broadcast %get3A_59 : vector<1x128xf32> to vector<3200x128xf32>
    %add3A_61 = arith.addf %add3A_56, %add3A_60 : vector<3200x128xf32>
    %swap3A = arith.constant 0 : index
    %swap3A_62 = arith.constant 0 : index
    %swap3A_63 = vector.load %arg6[%swap3A, %swap3A_62] : memref<3200x128xf32, #tpu.memory_space<vmem>>, vector<3200x128xf32>
    tpu.vector_store %arg6[%swap3A, %swap3A_62], %add3A_61 {strides = array<i32>} : memref<3200x128xf32, #tpu.memory_space<vmem>>, vector<3200x128xf32>,
    return
  }
  func.func @transform_0(%arg0: i32) -> (i32, i32) {
    %add3A = arith.constant 36 : i32
    %add3A_0 = arith.addi %add3A, %arg0 : i32
    %c0_i32 = arith.constant 0 : i32
    %c0_i32_1 = arith.constant 0 : i32
    return %c0_i32, %add3A_0 : i32, i32
  }
  func.func @transform_1(%arg0: i32) -> (i32, i32) {
    %add3A = arith.constant 36 : i32
    %add3A_0 = arith.addi %add3A, %arg0 : i32
    %c0_i32 = arith.constant 0 : i32
    %c0_i32_1 = arith.constant 0 : i32
    return %add3A_0, %c0_i32 : i32, i32
  }
  func.func @transform_2(%arg0: i32) -> (i32, i32) {
    %c0_i32 = arith.constant 0 : i32
    %c0_i32_0 = arith.constant 0 : i32
    %c0_i32_1 = arith.constant 0 : i32
    return %c0_i32, %c0_i32_0 : i32, i32
  }
  func.func @transform_3(%arg0: i32) -> (i32, i32) {
    %c0_i32 = arith.constant 0 : i32
    %c0_i32_0 = arith.constant 0 : i32
    %c0_i32_1 = arith.constant 0 : i32
    return %c0_i32, %c0_i32_0 : i32, i32
  }
  func.func @transform_4(%arg0: i32) -> (i32, i32) {
    %c0_i32 = arith.constant 0 : i32
    %c0_i32_0 = arith.constant 0 : i32
    %c0_i32_1 = arith.constant 0 : i32
    return %c0_i32, %c0_i32_0 : i32, i32
  }
  func.func @transform_5(%arg0: i32) -> (i32, i32) {
    %c0_i32 = arith.constant 0 : i32
    %c0_i32_0 = arith.constant 0 : i32
    return %arg0, %c0_i32 : i32, i32
  }
}

module attributes {stable_mosaic.version = 14 : i64} {
  func.func @_csum_body(%arg0: i32, %arg1: memref<32x80x128xf32, #tpu.memory_space<vmem>>, %arg2: memref<32x80x128xf32, #tpu.memory_space<vmem>>, %arg3: memref<80x128xf32, #tpu.memory_space<vmem>>) attributes {dimension_semantics = [#tpu.dimension_semantics<arbitrary>], iteration_bounds = array<i64: 1>, scalar_prefetch = 0 : i64, scratch_operands = 0 : i64, tpu.core_type = #tpu.core_type<tc>, window_params = [{pipeline_mode = #tpu.pipeline_mode<synchronous>, transform_indices = @transform_0, window_bounds = array<i64: 32, 80, 128>}, {pipeline_mode = #tpu.pipeline_mode<synchronous>, transform_indices = @transform_1, window_bounds = array<i64: 32, 80, 128>}, {pipeline_mode = #tpu.pipeline_mode<synchronous>, transform_indices = @transform_2, window_bounds = array<i64: 80, 128>}]} {
    %get3A = arith.constant 0 : index
    %get3A_0 = arith.constant 0 : index
    %get3A_1 = arith.constant 0 : index
    %get3A_2 = vector.load %arg1[%get3A, %get3A_0, %get3A_1] : memref<32x80x128xf32, #tpu.memory_space<vmem>>, vector<1x80x128xf32>
    %get3A_3 = vector.shape_cast %get3A_2 : vector<1x80x128xf32> to vector<80x128xf32>
    %get3A_4 = arith.constant 1 : index
    %get3A_5 = arith.constant 0 : index
    %get3A_6 = arith.constant 0 : index
    %get3A_7 = vector.load %arg1[%get3A_4, %get3A_5, %get3A_6] : memref<32x80x128xf32, #tpu.memory_space<vmem>>, vector<1x80x128xf32>
    %get3A_8 = vector.shape_cast %get3A_7 : vector<1x80x128xf32> to vector<80x128xf32>
    %add3A = arith.addf %get3A_3, %get3A_8 : vector<80x128xf32>
    %get3A_9 = arith.constant 2 : index
    %get3A_10 = arith.constant 0 : index
    %get3A_11 = arith.constant 0 : index
    %get3A_12 = vector.load %arg1[%get3A_9, %get3A_10, %get3A_11] : memref<32x80x128xf32, #tpu.memory_space<vmem>>, vector<1x80x128xf32>
    %get3A_13 = vector.shape_cast %get3A_12 : vector<1x80x128xf32> to vector<80x128xf32>
    %add3A_14 = arith.addf %add3A, %get3A_13 : vector<80x128xf32>
    %get3A_15 = arith.constant 3 : index
    %get3A_16 = arith.constant 0 : index
    %get3A_17 = arith.constant 0 : index
    %get3A_18 = vector.load %arg1[%get3A_15, %get3A_16, %get3A_17] : memref<32x80x128xf32, #tpu.memory_space<vmem>>, vector<1x80x128xf32>
    %get3A_19 = vector.shape_cast %get3A_18 : vector<1x80x128xf32> to vector<80x128xf32>
    %add3A_20 = arith.addf %add3A_14, %get3A_19 : vector<80x128xf32>
    %get3A_21 = arith.constant 4 : index
    %get3A_22 = arith.constant 0 : index
    %get3A_23 = arith.constant 0 : index
    %get3A_24 = vector.load %arg1[%get3A_21, %get3A_22, %get3A_23] : memref<32x80x128xf32, #tpu.memory_space<vmem>>, vector<1x80x128xf32>
    %get3A_25 = vector.shape_cast %get3A_24 : vector<1x80x128xf32> to vector<80x128xf32>
    %add3A_26 = arith.addf %add3A_20, %get3A_25 : vector<80x128xf32>
    %get3A_27 = arith.constant 5 : index
    %get3A_28 = arith.constant 0 : index
    %get3A_29 = arith.constant 0 : index
    %get3A_30 = vector.load %arg1[%get3A_27, %get3A_28, %get3A_29] : memref<32x80x128xf32, #tpu.memory_space<vmem>>, vector<1x80x128xf32>
    %get3A_31 = vector.shape_cast %get3A_30 : vector<1x80x128xf32> to vector<80x128xf32>
    %add3A_32 = arith.addf %add3A_26, %get3A_31 : vector<80x128xf32>
    %get3A_33 = arith.constant 6 : index
    %get3A_34 = arith.constant 0 : index
    %get3A_35 = arith.constant 0 : index
    %get3A_36 = vector.load %arg1[%get3A_33, %get3A_34, %get3A_35] : memref<32x80x128xf32, #tpu.memory_space<vmem>>, vector<1x80x128xf32>
    %get3A_37 = vector.shape_cast %get3A_36 : vector<1x80x128xf32> to vector<80x128xf32>
    %add3A_38 = arith.addf %add3A_32, %get3A_37 : vector<80x128xf32>
    %get3A_39 = arith.constant 7 : index
    %get3A_40 = arith.constant 0 : index
    %get3A_41 = arith.constant 0 : index
    %get3A_42 = vector.load %arg1[%get3A_39, %get3A_40, %get3A_41] : memref<32x80x128xf32, #tpu.memory_space<vmem>>, vector<1x80x128xf32>
    %get3A_43 = vector.shape_cast %get3A_42 : vector<1x80x128xf32> to vector<80x128xf32>
    %add3A_44 = arith.addf %add3A_38, %get3A_43 : vector<80x128xf32>
    %get3A_45 = arith.constant 8 : index
    %get3A_46 = arith.constant 0 : index
    %get3A_47 = arith.constant 0 : index
    %get3A_48 = vector.load %arg1[%get3A_45, %get3A_46, %get3A_47] : memref<32x80x128xf32, #tpu.memory_space<vmem>>, vector<1x80x128xf32>
    %get3A_49 = vector.shape_cast %get3A_48 : vector<1x80x128xf32> to vector<80x128xf32>
    %add3A_50 = arith.addf %add3A_44, %get3A_49 : vector<80x128xf32>
    %get3A_51 = arith.constant 9 : index
    %get3A_52 = arith.constant 0 : index
    %get3A_53 = arith.constant 0 : index
    %get3A_54 = vector.load %arg1[%get3A_51, %get3A_52, %get3A_53] : memref<32x80x128xf32, #tpu.memory_space<vmem>>, vector<1x80x128xf32>
    %get3A_55 = vector.shape_cast %get3A_54 : vector<1x80x128xf32> to vector<80x128xf32>
    %add3A_56 = arith.addf %add3A_50, %get3A_55 : vector<80x128xf32>
    %get3A_57 = arith.constant 10 : index
    %get3A_58 = arith.constant 0 : index
    %get3A_59 = arith.constant 0 : index
    %get3A_60 = vector.load %arg1[%get3A_57, %get3A_58, %get3A_59] : memref<32x80x128xf32, #tpu.memory_space<vmem>>, vector<1x80x128xf32>
    %get3A_61 = vector.shape_cast %get3A_60 : vector<1x80x128xf32> to vector<80x128xf32>
    %add3A_62 = arith.addf %add3A_56, %get3A_61 : vector<80x128xf32>
    %get3A_63 = arith.constant 11 : index
    %get3A_64 = arith.constant 0 : index
    %get3A_65 = arith.constant 0 : index
    %get3A_66 = vector.load %arg1[%get3A_63, %get3A_64, %get3A_65] : memref<32x80x128xf32, #tpu.memory_space<vmem>>, vector<1x80x128xf32>
    %get3A_67 = vector.shape_cast %get3A_66 : vector<1x80x128xf32> to vector<80x128xf32>
    %add3A_68 = arith.addf %add3A_62, %get3A_67 : vector<80x128xf32>
    %get3A_69 = arith.constant 12 : index
    %get3A_70 = arith.constant 0 : index
    %get3A_71 = arith.constant 0 : index
    %get3A_72 = vector.load %arg1[%get3A_69, %get3A_70, %get3A_71] : memref<32x80x128xf32, #tpu.memory_space<vmem>>, vector<1x80x128xf32>
    %get3A_73 = vector.shape_cast %get3A_72 : vector<1x80x128xf32> to vector<80x128xf32>
    %add3A_74 = arith.addf %add3A_68, %get3A_73 : vector<80x128xf32>
    %get3A_75 = arith.constant 13 : index
    %get3A_76 = arith.constant 0 : index
    %get3A_77 = arith.constant 0 : index
    %get3A_78 = vector.load %arg1[%get3A_75, %get3A_76, %get3A_77] : memref<32x80x128xf32, #tpu.memory_space<vmem>>, vector<1x80x128xf32>
    %get3A_79 = vector.shape_cast %get3A_78 : vector<1x80x128xf32> to vector<80x128xf32>
    %add3A_80 = arith.addf %add3A_74, %get3A_79 : vector<80x128xf32>
    %get3A_81 = arith.constant 14 : index
    %get3A_82 = arith.constant 0 : index
    %get3A_83 = arith.constant 0 : index
    %get3A_84 = vector.load %arg1[%get3A_81, %get3A_82, %get3A_83] : memref<32x80x128xf32, #tpu.memory_space<vmem>>, vector<1x80x128xf32>
    %get3A_85 = vector.shape_cast %get3A_84 : vector<1x80x128xf32> to vector<80x128xf32>
    %add3A_86 = arith.addf %add3A_80, %get3A_85 : vector<80x128xf32>
    %get3A_87 = arith.constant 15 : index
    %get3A_88 = arith.constant 0 : index
    %get3A_89 = arith.constant 0 : index
    %get3A_90 = vector.load %arg1[%get3A_87, %get3A_88, %get3A_89] : memref<32x80x128xf32, #tpu.memory_space<vmem>>, vector<1x80x128xf32>
    %get3A_91 = vector.shape_cast %get3A_90 : vector<1x80x128xf32> to vector<80x128xf32>
    %add3A_92 = arith.addf %add3A_86, %get3A_91 : vector<80x128xf32>
    %get3A_93 = arith.constant 16 : index
    %get3A_94 = arith.constant 0 : index
    %get3A_95 = arith.constant 0 : index
    %get3A_96 = vector.load %arg1[%get3A_93, %get3A_94, %get3A_95] : memref<32x80x128xf32, #tpu.memory_space<vmem>>, vector<1x80x128xf32>
    %get3A_97 = vector.shape_cast %get3A_96 : vector<1x80x128xf32> to vector<80x128xf32>
    %add3A_98 = arith.addf %add3A_92, %get3A_97 : vector<80x128xf32>
    %get3A_99 = arith.constant 17 : index
    %get3A_100 = arith.constant 0 : index
    %get3A_101 = arith.constant 0 : index
    %get3A_102 = vector.load %arg1[%get3A_99, %get3A_100, %get3A_101] : memref<32x80x128xf32, #tpu.memory_space<vmem>>, vector<1x80x128xf32>
    %get3A_103 = vector.shape_cast %get3A_102 : vector<1x80x128xf32> to vector<80x128xf32>
    %add3A_104 = arith.addf %add3A_98, %get3A_103 : vector<80x128xf32>
    %get3A_105 = arith.constant 18 : index
    %get3A_106 = arith.constant 0 : index
    %get3A_107 = arith.constant 0 : index
    %get3A_108 = vector.load %arg1[%get3A_105, %get3A_106, %get3A_107] : memref<32x80x128xf32, #tpu.memory_space<vmem>>, vector<1x80x128xf32>
    %get3A_109 = vector.shape_cast %get3A_108 : vector<1x80x128xf32> to vector<80x128xf32>
    %add3A_110 = arith.addf %add3A_104, %get3A_109 : vector<80x128xf32>
    %get3A_111 = arith.constant 19 : index
    %get3A_112 = arith.constant 0 : index
    %get3A_113 = arith.constant 0 : index
    %get3A_114 = vector.load %arg1[%get3A_111, %get3A_112, %get3A_113] : memref<32x80x128xf32, #tpu.memory_space<vmem>>, vector<1x80x128xf32>
    %get3A_115 = vector.shape_cast %get3A_114 : vector<1x80x128xf32> to vector<80x128xf32>
    %add3A_116 = arith.addf %add3A_110, %get3A_115 : vector<80x128xf32>
    %get3A_117 = arith.constant 20 : index
    %get3A_118 = arith.constant 0 : index
    %get3A_119 = arith.constant 0 : index
    %get3A_120 = vector.load %arg1[%get3A_117, %get3A_118, %get3A_119] : memref<32x80x128xf32, #tpu.memory_space<vmem>>, vector<1x80x128xf32>
    %get3A_121 = vector.shape_cast %get3A_120 : vector<1x80x128xf32> to vector<80x128xf32>
    %add3A_122 = arith.addf %add3A_116, %get3A_121 : vector<80x128xf32>
    %get3A_123 = arith.constant 21 : index
    %get3A_124 = arith.constant 0 : index
    %get3A_125 = arith.constant 0 : index
    %get3A_126 = vector.load %arg1[%get3A_123, %get3A_124, %get3A_125] : memref<32x80x128xf32, #tpu.memory_space<vmem>>, vector<1x80x128xf32>
    %get3A_127 = vector.shape_cast %get3A_126 : vector<1x80x128xf32> to vector<80x128xf32>
    %add3A_128 = arith.addf %add3A_122, %get3A_127 : vector<80x128xf32>
    %get3A_129 = arith.constant 22 : index
    %get3A_130 = arith.constant 0 : index
    %get3A_131 = arith.constant 0 : index
    %get3A_132 = vector.load %arg1[%get3A_129, %get3A_130, %get3A_131] : memref<32x80x128xf32, #tpu.memory_space<vmem>>, vector<1x80x128xf32>
    %get3A_133 = vector.shape_cast %get3A_132 : vector<1x80x128xf32> to vector<80x128xf32>
    %add3A_134 = arith.addf %add3A_128, %get3A_133 : vector<80x128xf32>
    %get3A_135 = arith.constant 23 : index
    %get3A_136 = arith.constant 0 : index
    %get3A_137 = arith.constant 0 : index
    %get3A_138 = vector.load %arg1[%get3A_135, %get3A_136, %get3A_137] : memref<32x80x128xf32, #tpu.memory_space<vmem>>, vector<1x80x128xf32>
    %get3A_139 = vector.shape_cast %get3A_138 : vector<1x80x128xf32> to vector<80x128xf32>
    %add3A_140 = arith.addf %add3A_134, %get3A_139 : vector<80x128xf32>
    %get3A_141 = arith.constant 24 : index
    %get3A_142 = arith.constant 0 : index
    %get3A_143 = arith.constant 0 : index
    %get3A_144 = vector.load %arg1[%get3A_141, %get3A_142, %get3A_143] : memref<32x80x128xf32, #tpu.memory_space<vmem>>, vector<1x80x128xf32>
    %get3A_145 = vector.shape_cast %get3A_144 : vector<1x80x128xf32> to vector<80x128xf32>
    %add3A_146 = arith.addf %add3A_140, %get3A_145 : vector<80x128xf32>
    %get3A_147 = arith.constant 25 : index
    %get3A_148 = arith.constant 0 : index
    %get3A_149 = arith.constant 0 : index
    %get3A_150 = vector.load %arg1[%get3A_147, %get3A_148, %get3A_149] : memref<32x80x128xf32, #tpu.memory_space<vmem>>, vector<1x80x128xf32>
    %get3A_151 = vector.shape_cast %get3A_150 : vector<1x80x128xf32> to vector<80x128xf32>
    %add3A_152 = arith.addf %add3A_146, %get3A_151 : vector<80x128xf32>
    %get3A_153 = arith.constant 26 : index
    %get3A_154 = arith.constant 0 : index
    %get3A_155 = arith.constant 0 : index
    %get3A_156 = vector.load %arg1[%get3A_153, %get3A_154, %get3A_155] : memref<32x80x128xf32, #tpu.memory_space<vmem>>, vector<1x80x128xf32>
    %get3A_157 = vector.shape_cast %get3A_156 : vector<1x80x128xf32> to vector<80x128xf32>
    %add3A_158 = arith.addf %add3A_152, %get3A_157 : vector<80x128xf32>
    %get3A_159 = arith.constant 27 : index
    %get3A_160 = arith.constant 0 : index
    %get3A_161 = arith.constant 0 : index
    %get3A_162 = vector.load %arg1[%get3A_159, %get3A_160, %get3A_161] : memref<32x80x128xf32, #tpu.memory_space<vmem>>, vector<1x80x128xf32>
    %get3A_163 = vector.shape_cast %get3A_162 : vector<1x80x128xf32> to vector<80x128xf32>
    %add3A_164 = arith.addf %add3A_158, %get3A_163 : vector<80x128xf32>
    %get3A_165 = arith.constant 28 : index
    %get3A_166 = arith.constant 0 : index
    %get3A_167 = arith.constant 0 : index
    %get3A_168 = vector.load %arg1[%get3A_165, %get3A_166, %get3A_167] : memref<32x80x128xf32, #tpu.memory_space<vmem>>, vector<1x80x128xf32>
    %get3A_169 = vector.shape_cast %get3A_168 : vector<1x80x128xf32> to vector<80x128xf32>
    %add3A_170 = arith.addf %add3A_164, %get3A_169 : vector<80x128xf32>
    %get3A_171 = arith.constant 29 : index
    %get3A_172 = arith.constant 0 : index
    %get3A_173 = arith.constant 0 : index
    %get3A_174 = vector.load %arg1[%get3A_171, %get3A_172, %get3A_173] : memref<32x80x128xf32, #tpu.memory_space<vmem>>, vector<1x80x128xf32>
    %get3A_175 = vector.shape_cast %get3A_174 : vector<1x80x128xf32> to vector<80x128xf32>
    %add3A_176 = arith.addf %add3A_170, %get3A_175 : vector<80x128xf32>
    %get3A_177 = arith.constant 30 : index
    %get3A_178 = arith.constant 0 : index
    %get3A_179 = arith.constant 0 : index
    %get3A_180 = vector.load %arg1[%get3A_177, %get3A_178, %get3A_179] : memref<32x80x128xf32, #tpu.memory_space<vmem>>, vector<1x80x128xf32>
    %get3A_181 = vector.shape_cast %get3A_180 : vector<1x80x128xf32> to vector<80x128xf32>
    %add3A_182 = arith.addf %add3A_176, %get3A_181 : vector<80x128xf32>
    %get3A_183 = arith.constant 31 : index
    %get3A_184 = arith.constant 0 : index
    %get3A_185 = arith.constant 0 : index
    %get3A_186 = vector.load %arg1[%get3A_183, %get3A_184, %get3A_185] : memref<32x80x128xf32, #tpu.memory_space<vmem>>, vector<1x80x128xf32>
    %get3A_187 = vector.shape_cast %get3A_186 : vector<1x80x128xf32> to vector<80x128xf32>
    %add3A_188 = arith.addf %add3A_182, %get3A_187 : vector<80x128xf32>
    %get3A_189 = arith.constant 0 : index
    %get3A_190 = arith.constant 0 : index
    %get3A_191 = arith.constant 0 : index
    %get3A_192 = vector.load %arg2[%get3A_189, %get3A_190, %get3A_191] : memref<32x80x128xf32, #tpu.memory_space<vmem>>, vector<1x80x128xf32>
    %get3A_193 = vector.shape_cast %get3A_192 : vector<1x80x128xf32> to vector<80x128xf32>
    %add3A_194 = arith.addf %add3A_188, %get3A_193 : vector<80x128xf32>
    %get3A_195 = arith.constant 1 : index
    %get3A_196 = arith.constant 0 : index
    %get3A_197 = arith.constant 0 : index
    %get3A_198 = vector.load %arg2[%get3A_195, %get3A_196, %get3A_197] : memref<32x80x128xf32, #tpu.memory_space<vmem>>, vector<1x80x128xf32>
    %get3A_199 = vector.shape_cast %get3A_198 : vector<1x80x128xf32> to vector<80x128xf32>
    %add3A_200 = arith.addf %add3A_194, %get3A_199 : vector<80x128xf32>
    %get3A_201 = arith.constant 2 : index
    %get3A_202 = arith.constant 0 : index
    %get3A_203 = arith.constant 0 : index
    %get3A_204 = vector.load %arg2[%get3A_201, %get3A_202, %get3A_203] : memref<32x80x128xf32, #tpu.memory_space<vmem>>, vector<1x80x128xf32>
    %get3A_205 = vector.shape_cast %get3A_204 : vector<1x80x128xf32> to vector<80x128xf32>
    %add3A_206 = arith.addf %add3A_200, %get3A_205 : vector<80x128xf32>
    %get3A_207 = arith.constant 3 : index
    %get3A_208 = arith.constant 0 : index
    %get3A_209 = arith.constant 0 : index
    %get3A_210 = vector.load %arg2[%get3A_207, %get3A_208, %get3A_209] : memref<32x80x128xf32, #tpu.memory_space<vmem>>, vector<1x80x128xf32>
    %get3A_211 = vector.shape_cast %get3A_210 : vector<1x80x128xf32> to vector<80x128xf32>
    %add3A_212 = arith.addf %add3A_206, %get3A_211 : vector<80x128xf32>
    %get3A_213 = arith.constant 4 : index
    %get3A_214 = arith.constant 0 : index
    %get3A_215 = arith.constant 0 : index
    %get3A_216 = vector.load %arg2[%get3A_213, %get3A_214, %get3A_215] : memref<32x80x128xf32, #tpu.memory_space<vmem>>, vector<1x80x128xf32>
    %get3A_217 = vector.shape_cast %get3A_216 : vector<1x80x128xf32> to vector<80x128xf32>
    %add3A_218 = arith.addf %add3A_212, %get3A_217 : vector<80x128xf32>
    %get3A_219 = arith.constant 5 : index
    %get3A_220 = arith.constant 0 : index
    %get3A_221 = arith.constant 0 : index
    %get3A_222 = vector.load %arg2[%get3A_219, %get3A_220, %get3A_221] : memref<32x80x128xf32, #tpu.memory_space<vmem>>, vector<1x80x128xf32>
    %get3A_223 = vector.shape_cast %get3A_222 : vector<1x80x128xf32> to vector<80x128xf32>
    %add3A_224 = arith.addf %add3A_218, %get3A_223 : vector<80x128xf32>
    %get3A_225 = arith.constant 6 : index
    %get3A_226 = arith.constant 0 : index
    %get3A_227 = arith.constant 0 : index
    %get3A_228 = vector.load %arg2[%get3A_225, %get3A_226, %get3A_227] : memref<32x80x128xf32, #tpu.memory_space<vmem>>, vector<1x80x128xf32>
    %get3A_229 = vector.shape_cast %get3A_228 : vector<1x80x128xf32> to vector<80x128xf32>
    %add3A_230 = arith.addf %add3A_224, %get3A_229 : vector<80x128xf32>
    %get3A_231 = arith.constant 7 : index
    %get3A_232 = arith.constant 0 : index
    %get3A_233 = arith.constant 0 : index
    %get3A_234 = vector.load %arg2[%get3A_231, %get3A_232, %get3A_233] : memref<32x80x128xf32, #tpu.memory_space<vmem>>, vector<1x80x128xf32>
    %get3A_235 = vector.shape_cast %get3A_234 : vector<1x80x128xf32> to vector<80x128xf32>
    %add3A_236 = arith.addf %add3A_230, %get3A_235 : vector<80x128xf32>
    %get3A_237 = arith.constant 8 : index
    %get3A_238 = arith.constant 0 : index
    %get3A_239 = arith.constant 0 : index
    %get3A_240 = vector.load %arg2[%get3A_237, %get3A_238, %get3A_239] : memref<32x80x128xf32, #tpu.memory_space<vmem>>, vector<1x80x128xf32>
    %get3A_241 = vector.shape_cast %get3A_240 : vector<1x80x128xf32> to vector<80x128xf32>
    %add3A_242 = arith.addf %add3A_236, %get3A_241 : vector<80x128xf32>
    %get3A_243 = arith.constant 9 : index
    %get3A_244 = arith.constant 0 : index
    %get3A_245 = arith.constant 0 : index
    %get3A_246 = vector.load %arg2[%get3A_243, %get3A_244, %get3A_245] : memref<32x80x128xf32, #tpu.memory_space<vmem>>, vector<1x80x128xf32>
    %get3A_247 = vector.shape_cast %get3A_246 : vector<1x80x128xf32> to vector<80x128xf32>
    %add3A_248 = arith.addf %add3A_242, %get3A_247 : vector<80x128xf32>
    %get3A_249 = arith.constant 10 : index
    %get3A_250 = arith.constant 0 : index
    %get3A_251 = arith.constant 0 : index
    %get3A_252 = vector.load %arg2[%get3A_249, %get3A_250, %get3A_251] : memref<32x80x128xf32, #tpu.memory_space<vmem>>, vector<1x80x128xf32>
    %get3A_253 = vector.shape_cast %get3A_252 : vector<1x80x128xf32> to vector<80x128xf32>
    %add3A_254 = arith.addf %add3A_248, %get3A_253 : vector<80x128xf32>
    %get3A_255 = arith.constant 11 : index
    %get3A_256 = arith.constant 0 : index
    %get3A_257 = arith.constant 0 : index
    %get3A_258 = vector.load %arg2[%get3A_255, %get3A_256, %get3A_257] : memref<32x80x128xf32, #tpu.memory_space<vmem>>, vector<1x80x128xf32>
    %get3A_259 = vector.shape_cast %get3A_258 : vector<1x80x128xf32> to vector<80x128xf32>
    %add3A_260 = arith.addf %add3A_254, %get3A_259 : vector<80x128xf32>
    %get3A_261 = arith.constant 12 : index
    %get3A_262 = arith.constant 0 : index
    %get3A_263 = arith.constant 0 : index
    %get3A_264 = vector.load %arg2[%get3A_261, %get3A_262, %get3A_263] : memref<32x80x128xf32, #tpu.memory_space<vmem>>, vector<1x80x128xf32>
    %get3A_265 = vector.shape_cast %get3A_264 : vector<1x80x128xf32> to vector<80x128xf32>
    %add3A_266 = arith.addf %add3A_260, %get3A_265 : vector<80x128xf32>
    %get3A_267 = arith.constant 13 : index
    %get3A_268 = arith.constant 0 : index
    %get3A_269 = arith.constant 0 : index
    %get3A_270 = vector.load %arg2[%get3A_267, %get3A_268, %get3A_269] : memref<32x80x128xf32, #tpu.memory_space<vmem>>, vector<1x80x128xf32>
    %get3A_271 = vector.shape_cast %get3A_270 : vector<1x80x128xf32> to vector<80x128xf32>
    %add3A_272 = arith.addf %add3A_266, %get3A_271 : vector<80x128xf32>
    %get3A_273 = arith.constant 14 : index
    %get3A_274 = arith.constant 0 : index
    %get3A_275 = arith.constant 0 : index
    %get3A_276 = vector.load %arg2[%get3A_273, %get3A_274, %get3A_275] : memref<32x80x128xf32, #tpu.memory_space<vmem>>, vector<1x80x128xf32>
    %get3A_277 = vector.shape_cast %get3A_276 : vector<1x80x128xf32> to vector<80x128xf32>
    %add3A_278 = arith.addf %add3A_272, %get3A_277 : vector<80x128xf32>
    %get3A_279 = arith.constant 15 : index
    %get3A_280 = arith.constant 0 : index
    %get3A_281 = arith.constant 0 : index
    %get3A_282 = vector.load %arg2[%get3A_279, %get3A_280, %get3A_281] : memref<32x80x128xf32, #tpu.memory_space<vmem>>, vector<1x80x128xf32>
    %get3A_283 = vector.shape_cast %get3A_282 : vector<1x80x128xf32> to vector<80x128xf32>
    %add3A_284 = arith.addf %add3A_278, %get3A_283 : vector<80x128xf32>
    %get3A_285 = arith.constant 16 : index
    %get3A_286 = arith.constant 0 : index
    %get3A_287 = arith.constant 0 : index
    %get3A_288 = vector.load %arg2[%get3A_285, %get3A_286, %get3A_287] : memref<32x80x128xf32, #tpu.memory_space<vmem>>, vector<1x80x128xf32>
    %get3A_289 = vector.shape_cast %get3A_288 : vector<1x80x128xf32> to vector<80x128xf32>
    %add3A_290 = arith.addf %add3A_284, %get3A_289 : vector<80x128xf32>
    %get3A_291 = arith.constant 17 : index
    %get3A_292 = arith.constant 0 : index
    %get3A_293 = arith.constant 0 : index
    %get3A_294 = vector.load %arg2[%get3A_291, %get3A_292, %get3A_293] : memref<32x80x128xf32, #tpu.memory_space<vmem>>, vector<1x80x128xf32>
    %get3A_295 = vector.shape_cast %get3A_294 : vector<1x80x128xf32> to vector<80x128xf32>
    %add3A_296 = arith.addf %add3A_290, %get3A_295 : vector<80x128xf32>
    %get3A_297 = arith.constant 18 : index
    %get3A_298 = arith.constant 0 : index
    %get3A_299 = arith.constant 0 : index
    %get3A_300 = vector.load %arg2[%get3A_297, %get3A_298, %get3A_299] : memref<32x80x128xf32, #tpu.memory_space<vmem>>, vector<1x80x128xf32>
    %get3A_301 = vector.shape_cast %get3A_300 : vector<1x80x128xf32> to vector<80x128xf32>
    %add3A_302 = arith.addf %add3A_296, %get3A_301 : vector<80x128xf32>
    %get3A_303 = arith.constant 19 : index
    %get3A_304 = arith.constant 0 : index
    %get3A_305 = arith.constant 0 : index
    %get3A_306 = vector.load %arg2[%get3A_303, %get3A_304, %get3A_305] : memref<32x80x128xf32, #tpu.memory_space<vmem>>, vector<1x80x128xf32>
    %get3A_307 = vector.shape_cast %get3A_306 : vector<1x80x128xf32> to vector<80x128xf32>
    %add3A_308 = arith.addf %add3A_302, %get3A_307 : vector<80x128xf32>
    %get3A_309 = arith.constant 20 : index
    %get3A_310 = arith.constant 0 : index
    %get3A_311 = arith.constant 0 : index
    %get3A_312 = vector.load %arg2[%get3A_309, %get3A_310, %get3A_311] : memref<32x80x128xf32, #tpu.memory_space<vmem>>, vector<1x80x128xf32>
    %get3A_313 = vector.shape_cast %get3A_312 : vector<1x80x128xf32> to vector<80x128xf32>
    %add3A_314 = arith.addf %add3A_308, %get3A_313 : vector<80x128xf32>
    %get3A_315 = arith.constant 21 : index
    %get3A_316 = arith.constant 0 : index
    %get3A_317 = arith.constant 0 : index
    %get3A_318 = vector.load %arg2[%get3A_315, %get3A_316, %get3A_317] : memref<32x80x128xf32, #tpu.memory_space<vmem>>, vector<1x80x128xf32>
    %get3A_319 = vector.shape_cast %get3A_318 : vector<1x80x128xf32> to vector<80x128xf32>
    %add3A_320 = arith.addf %add3A_314, %get3A_319 : vector<80x128xf32>
    %get3A_321 = arith.constant 22 : index
    %get3A_322 = arith.constant 0 : index
    %get3A_323 = arith.constant 0 : index
    %get3A_324 = vector.load %arg2[%get3A_321, %get3A_322, %get3A_323] : memref<32x80x128xf32, #tpu.memory_space<vmem>>, vector<1x80x128xf32>
    %get3A_325 = vector.shape_cast %get3A_324 : vector<1x80x128xf32> to vector<80x128xf32>
    %add3A_326 = arith.addf %add3A_320, %get3A_325 : vector<80x128xf32>
    %get3A_327 = arith.constant 23 : index
    %get3A_328 = arith.constant 0 : index
    %get3A_329 = arith.constant 0 : index
    %get3A_330 = vector.load %arg2[%get3A_327, %get3A_328, %get3A_329] : memref<32x80x128xf32, #tpu.memory_space<vmem>>, vector<1x80x128xf32>
    %get3A_331 = vector.shape_cast %get3A_330 : vector<1x80x128xf32> to vector<80x128xf32>
    %add3A_332 = arith.addf %add3A_326, %get3A_331 : vector<80x128xf32>
    %get3A_333 = arith.constant 24 : index
    %get3A_334 = arith.constant 0 : index
    %get3A_335 = arith.constant 0 : index
    %get3A_336 = vector.load %arg2[%get3A_333, %get3A_334, %get3A_335] : memref<32x80x128xf32, #tpu.memory_space<vmem>>, vector<1x80x128xf32>
    %get3A_337 = vector.shape_cast %get3A_336 : vector<1x80x128xf32> to vector<80x128xf32>
    %add3A_338 = arith.addf %add3A_332, %get3A_337 : vector<80x128xf32>
    %get3A_339 = arith.constant 25 : index
    %get3A_340 = arith.constant 0 : index
    %get3A_341 = arith.constant 0 : index
    %get3A_342 = vector.load %arg2[%get3A_339, %get3A_340, %get3A_341] : memref<32x80x128xf32, #tpu.memory_space<vmem>>, vector<1x80x128xf32>
    %get3A_343 = vector.shape_cast %get3A_342 : vector<1x80x128xf32> to vector<80x128xf32>
    %add3A_344 = arith.addf %add3A_338, %get3A_343 : vector<80x128xf32>
    %get3A_345 = arith.constant 26 : index
    %get3A_346 = arith.constant 0 : index
    %get3A_347 = arith.constant 0 : index
    %get3A_348 = vector.load %arg2[%get3A_345, %get3A_346, %get3A_347] : memref<32x80x128xf32, #tpu.memory_space<vmem>>, vector<1x80x128xf32>
    %get3A_349 = vector.shape_cast %get3A_348 : vector<1x80x128xf32> to vector<80x128xf32>
    %add3A_350 = arith.addf %add3A_344, %get3A_349 : vector<80x128xf32>
    %get3A_351 = arith.constant 27 : index
    %get3A_352 = arith.constant 0 : index
    %get3A_353 = arith.constant 0 : index
    %get3A_354 = vector.load %arg2[%get3A_351, %get3A_352, %get3A_353] : memref<32x80x128xf32, #tpu.memory_space<vmem>>, vector<1x80x128xf32>
    %get3A_355 = vector.shape_cast %get3A_354 : vector<1x80x128xf32> to vector<80x128xf32>
    %add3A_356 = arith.addf %add3A_350, %get3A_355 : vector<80x128xf32>
    %get3A_357 = arith.constant 28 : index
    %get3A_358 = arith.constant 0 : index
    %get3A_359 = arith.constant 0 : index
    %get3A_360 = vector.load %arg2[%get3A_357, %get3A_358, %get3A_359] : memref<32x80x128xf32, #tpu.memory_space<vmem>>, vector<1x80x128xf32>
    %get3A_361 = vector.shape_cast %get3A_360 : vector<1x80x128xf32> to vector<80x128xf32>
    %add3A_362 = arith.addf %add3A_356, %get3A_361 : vector<80x128xf32>
    %get3A_363 = arith.constant 29 : index
    %get3A_364 = arith.constant 0 : index
    %get3A_365 = arith.constant 0 : index
    %get3A_366 = vector.load %arg2[%get3A_363, %get3A_364, %get3A_365] : memref<32x80x128xf32, #tpu.memory_space<vmem>>, vector<1x80x128xf32>
    %get3A_367 = vector.shape_cast %get3A_366 : vector<1x80x128xf32> to vector<80x128xf32>
    %add3A_368 = arith.addf %add3A_362, %get3A_367 : vector<80x128xf32>
    %get3A_369 = arith.constant 30 : index
    %get3A_370 = arith.constant 0 : index
    %get3A_371 = arith.constant 0 : index
    %get3A_372 = vector.load %arg2[%get3A_369, %get3A_370, %get3A_371] : memref<32x80x128xf32, #tpu.memory_space<vmem>>, vector<1x80x128xf32>
    %get3A_373 = vector.shape_cast %get3A_372 : vector<1x80x128xf32> to vector<80x128xf32>
    %add3A_374 = arith.addf %add3A_368, %get3A_373 : vector<80x128xf32>
    %get3A_375 = arith.constant 31 : index
    %get3A_376 = arith.constant 0 : index
    %get3A_377 = arith.constant 0 : index
    %get3A_378 = vector.load %arg2[%get3A_375, %get3A_376, %get3A_377] : memref<32x80x128xf32, #tpu.memory_space<vmem>>, vector<1x80x128xf32>
    %get3A_379 = vector.shape_cast %get3A_378 : vector<1x80x128xf32> to vector<80x128xf32>
    %add3A_380 = arith.addf %add3A_374, %get3A_379 : vector<80x128xf32>
    %swap3A = arith.constant 0 : index
    %swap3A_381 = arith.constant 0 : index
    %swap3A_382 = vector.load %arg3[%swap3A, %swap3A_381] : memref<80x128xf32, #tpu.memory_space<vmem>>, vector<80x128xf32>
    tpu.vector_store %arg3[%swap3A, %swap3A_381], %add3A_380 {strides = array<i32>} : memref<80x128xf32, #tpu.memory_space<vmem>>, vector<80x128xf32>,
    return
  }
  func.func @transform_0(%arg0: i32) -> (i32, i32, i32) {
    %c0_i32 = arith.constant 0 : i32
    %c0_i32_0 = arith.constant 0 : i32
    %c0_i32_1 = arith.constant 0 : i32
    %c0_i32_2 = arith.constant 0 : i32
    return %c0_i32, %c0_i32_0, %c0_i32_1 : i32, i32, i32
  }
  func.func @transform_1(%arg0: i32) -> (i32, i32, i32) {
    %c0_i32 = arith.constant 0 : i32
    %c0_i32_0 = arith.constant 0 : i32
    %c0_i32_1 = arith.constant 0 : i32
    %c0_i32_2 = arith.constant 0 : i32
    return %c0_i32, %c0_i32_0, %c0_i32_1 : i32, i32, i32
  }
  func.func @transform_2(%arg0: i32) -> (i32, i32) {
    %c0_i32 = arith.constant 0 : i32
    %c0_i32_0 = arith.constant 0 : i32
    %c0_i32_1 = arith.constant 0 : i32
    return %c0_i32, %c0_i32_0 : i32, i32
  }
}

module attributes {stable_mosaic.version = 14 : i64} {
  func.func @_node_body(%arg0: i32, %arg1: memref<2x2000x128xf32, #tpu.memory_space<vmem>>, %arg2: memref<2x2000x128xf32, #tpu.memory_space<vmem>>, %arg3: memref<2000x1xf32, #tpu.memory_space<vmem>>, %arg4: memref<128x128xf32, #tpu.memory_space<vmem>>, %arg5: memref<1x128xf32, #tpu.memory_space<vmem>>, %arg6: memref<128x384xf32, #tpu.memory_space<vmem>>, %arg7: memref<1x384xf32, #tpu.memory_space<vmem>>, %arg8: memref<1x384xf32, #tpu.memory_space<vmem>>, %arg9: memref<128x128xf32, #tpu.memory_space<vmem>>, %arg10: memref<1x128xf32, #tpu.memory_space<vmem>>, %arg11: memref<2000x128xf32, #tpu.memory_space<vmem>>) attributes {dimension_semantics = [#tpu.dimension_semantics<arbitrary>], iteration_bounds = array<i64: 5>, scalar_prefetch = 0 : i64, scratch_operands = 0 : i64, tpu.core_type = #tpu.core_type<tc>, window_params = [{transform_indices = @transform_0, window_bounds = array<i64: 2, 2000, 128>}, {transform_indices = @transform_1, window_bounds = array<i64: 2, 2000, 128>}, {transform_indices = @transform_2, window_bounds = array<i64: 2000, 1>}, {pipeline_mode = #tpu.pipeline_mode<synchronous>, transform_indices = @transform_3, window_bounds = array<i64: 128, 128>}, {pipeline_mode = #tpu.pipeline_mode<synchronous>, transform_indices = @transform_4, window_bounds = array<i64: 1, 128>}, {pipeline_mode = #tpu.pipeline_mode<synchronous>, transform_indices = @transform_5, window_bounds = array<i64: 128, 384>}, {pipeline_mode = #tpu.pipeline_mode<synchronous>, transform_indices = @transform_6, window_bounds = array<i64: 1, 384>}, {pipeline_mode = #tpu.pipeline_mode<synchronous>, transform_indices = @transform_7, window_bounds = array<i64: 1, 384>}, {pipeline_mode = #tpu.pipeline_mode<synchronous>, transform_indices = @transform_8, window_bounds = array<i64: 128, 128>}, {pipeline_mode = #tpu.pipeline_mode<synchronous>, transform_indices = @transform_9, window_bounds = array<i64: 1, 128>}, {transform_indices = @transform_10, window_bounds = array<i64: 2000, 128>}]} {
    %get3A = arith.constant 0 : index
    %get3A_0 = arith.constant 0 : index
    %get3A_1 = arith.constant 0 : index
    %get3A_2 = vector.load %arg1[%get3A, %get3A_0, %get3A_1] : memref<2x2000x128xf32, #tpu.memory_space<vmem>>, vector<1x2000x128xf32>
    %get3A_3 = vector.shape_cast %get3A_2 : vector<1x2000x128xf32> to vector<2000x128xf32>
    %get3A_4 = arith.constant 1 : index
    %get3A_5 = arith.constant 0 : index
    %get3A_6 = arith.constant 0 : index
    %get3A_7 = vector.load %arg1[%get3A_4, %get3A_5, %get3A_6] : memref<2x2000x128xf32, #tpu.memory_space<vmem>>, vector<1x2000x128xf32>
    %get3A_8 = vector.shape_cast %get3A_7 : vector<1x2000x128xf32> to vector<2000x128xf32>
    %add3A = arith.addf %get3A_3, %get3A_8 : vector<2000x128xf32>
    %get3A_9 = arith.constant 0 : index
    %get3A_10 = arith.constant 0 : index
    %get3A_11 = arith.constant 0 : index
    %get3A_12 = vector.load %arg2[%get3A_9, %get3A_10, %get3A_11] : memref<2x2000x128xf32, #tpu.memory_space<vmem>>, vector<1x2000x128xf32>
    %get3A_13 = vector.shape_cast %get3A_12 : vector<1x2000x128xf32> to vector<2000x128xf32>
    %get3A_14 = arith.constant 1 : index
    %get3A_15 = arith.constant 0 : index
    %get3A_16 = arith.constant 0 : index
    %get3A_17 = vector.load %arg2[%get3A_14, %get3A_15, %get3A_16] : memref<2x2000x128xf32, #tpu.memory_space<vmem>>, vector<1x2000x128xf32>
    %get3A_18 = vector.shape_cast %get3A_17 : vector<1x2000x128xf32> to vector<2000x128xf32>
    %add3A_19 = arith.addf %get3A_13, %get3A_18 : vector<2000x128xf32>
    %add3A_20 = arith.addf %add3A, %add3A_19 : vector<2000x128xf32>
    %get3A_21 = arith.constant 0 : index
    %get3A_22 = arith.constant 0 : index
    %get3A_23 = vector.load %arg3[%get3A_21, %get3A_22] : memref<2000x1xf32, #tpu.memory_space<vmem>>, vector<2000x1xf32>
    %gt3A = arith.constant 0.000000e+00 : f32
    %gt3A_24 = vector.broadcast %gt3A : f32 to vector<2000x1xf32>
    %gt3A_25 = arith.cmpf ogt, %get3A_23, %gt3A_24 : vector<2000x1xf32>
    %convert_element_type3A = arith.extui %gt3A_25 : vector<2000x1xi1> to vector<2000x1xi32>
    %convert_element_type3A_26 = arith.sitofp %convert_element_type3A : vector<2000x1xi32> to vector<2000x1xf32>
    %max3A = arith.constant 1.000000e+00 : f32
    %max3A_27 = vector.broadcast %max3A : f32 to vector<2000x1xf32>
    %max3A_28 = arith.maximumf %get3A_23, %max3A_27 : vector<2000x1xf32>
    %div3A = vector.broadcast %max3A_28 : vector<2000x1xf32> to vector<2000x128xf32>
    %div3A_29 = arith.divf %add3A_20, %div3A : vector<2000x128xf32>
    %get3A_30 = arith.constant 0 : index
    %get3A_31 = arith.constant 0 : index
    %get3A_32 = vector.load %arg4[%get3A_30, %get3A_31] : memref<128x128xf32, #tpu.memory_space<vmem>>, vector<128x128xf32>
    %dot_general3A = arith.constant dense<0.000000e+00> : vector<2000x128xf32>
    %dot_general3A_33 = tpu.matmul %div3A_29, %get3A_32, %dot_general3A {dimension_numbers = #tpu.dot_dimension_numbers<[1], [0], [0], [1], [0, 0, 1, 1], [], []>, transpose_lhs_hint = false} : vector<2000x128xf32>, vector<128x128xf32>, vector<2000x128xf32> -> vector<2000x128xf32>
    %get3A_34 = arith.constant 0 : index
    %get3A_35 = arith.constant 0 : index
    %get3A_36 = vector.load %arg5[%get3A_34, %get3A_35] : memref<1x128xf32, #tpu.memory_space<vmem>>, vector<1x128xf32>
    %mul3A = vector.broadcast %get3A_36 : vector<1x128xf32> to vector<2000x128xf32>
    %mul3A_37 = vector.broadcast %convert_element_type3A_26 : vector<2000x1xf32> to vector<2000x128xf32>
    %mul3A_38 = arith.mulf %mul3A, %mul3A_37 : vector<2000x128xf32>
    %add3A_39 = arith.addf %dot_general3A_33, %mul3A_38 : vector<2000x128xf32>
    %get3A_40 = arith.constant 0 : index
    %get3A_41 = arith.constant 0 : index
    %get3A_42 = vector.load %arg6[%get3A_40, %get3A_41] : memref<128x384xf32, #tpu.memory_space<vmem>>, vector<128x384xf32>
    %dot_general3A_43 = arith.constant dense<0.000000e+00> : vector<2000x384xf32>
    %dot_general3A_44 = tpu.matmul %add3A_39, %get3A_42, %dot_general3A_43 {dimension_numbers = #tpu.dot_dimension_numbers<[1], [0], [0], [1], [0, 0, 1, 1], [], []>, transpose_lhs_hint = false} : vector<2000x128xf32>, vector<128x384xf32>, vector<2000x384xf32> -> vector<2000x384xf32>
    %get3A_45 = arith.constant 0 : index
    %get3A_46 = arith.constant 0 : index
    %get3A_47 = vector.load %arg7[%get3A_45, %get3A_46] : memref<1x384xf32, #tpu.memory_space<vmem>>, vector<1x384xf32>
    %add3A_48 = vector.broadcast %get3A_47 : vector<1x384xf32> to vector<2000x384xf32>
    %add3A_49 = arith.addf %dot_general3A_44, %add3A_48 : vector<2000x384xf32>
    %get3A_50 = arith.constant 0 : index
    %get3A_51 = arith.constant 0 : index
    %get3A_52 = vector.load %arg8[%get3A_50, %get3A_51] : memref<1x384xf32, #tpu.memory_space<vmem>>, vector<1x384xf32>
    %slice3A = vector.extract_strided_slice %add3A_49 {offsets = [0, 0], sizes = [2000, 128], strides = [1, 1]} : vector<2000x384xf32> to vector<2000x128xf32>
    %slice3A_53 = vector.extract_strided_slice %get3A_52 {offsets = [0, 0], sizes = [1, 128], strides = [1, 1]} : vector<1x384xf32> to vector<1x128xf32>
    %add3A_54 = vector.broadcast %slice3A_53 : vector<1x128xf32> to vector<2000x128xf32>
    %add3A_55 = arith.addf %slice3A, %add3A_54 : vector<2000x128xf32>
    %logistic3A = arith.negf %add3A_55 : vector<2000x128xf32>
    %logistic3A_56 = math.exp %logistic3A : vector<2000x128xf32>
    %logistic3A_57 = arith.constant 1.000000e+00 : f32
    %logistic3A_58 = vector.broadcast %logistic3A_57 : f32 to vector<2000x128xf32>
    %logistic3A_59 = arith.addf %logistic3A_58, %logistic3A_56 : vector<2000x128xf32>
    %logistic3A_60 = arith.divf %logistic3A_58, %logistic3A_59 : vector<2000x128xf32>
    %slice3A_61 = vector.extract_strided_slice %add3A_49 {offsets = [0, 128], sizes = [2000, 128], strides = [1, 1]} : vector<2000x384xf32> to vector<2000x128xf32>
    %slice3A_62 = vector.extract_strided_slice %get3A_52 {offsets = [0, 128], sizes = [1, 128], strides = [1, 1]} : vector<1x384xf32> to vector<1x128xf32>
    %add3A_63 = vector.broadcast %slice3A_62 : vector<1x128xf32> to vector<2000x128xf32>
    %add3A_64 = arith.addf %slice3A_61, %add3A_63 : vector<2000x128xf32>
    %logistic3A_65 = arith.negf %add3A_64 : vector<2000x128xf32>
    %logistic3A_66 = math.exp %logistic3A_65 : vector<2000x128xf32>
    %logistic3A_67 = arith.constant 1.000000e+00 : f32
    %logistic3A_68 = vector.broadcast %logistic3A_67 : f32 to vector<2000x128xf32>
    %logistic3A_69 = arith.addf %logistic3A_68, %logistic3A_66 : vector<2000x128xf32>
    %logistic3A_70 = arith.divf %logistic3A_68, %logistic3A_69 : vector<2000x128xf32>
    %slice3A_71 = vector.extract_strided_slice %add3A_49 {offsets = [0, 256], sizes = [2000, 128], strides = [1, 1]} : vector<2000x384xf32> to vector<2000x128xf32>
    %slice3A_72 = vector.extract_strided_slice %get3A_52 {offsets = [0, 256], sizes = [1, 128], strides = [1, 1]} : vector<1x384xf32> to vector<1x128xf32>
    %mul3A_73 = vector.broadcast %slice3A_72 : vector<1x128xf32> to vector<2000x128xf32>
    %mul3A_74 = arith.mulf %logistic3A_60, %mul3A_73 : vector<2000x128xf32>
    %add3A_75 = arith.addf %slice3A_71, %mul3A_74 : vector<2000x128xf32>
    %tanh3A = math.tanh %add3A_75 : vector<2000x128xf32>
    %sub3A = arith.constant 1.000000e+00 : f32
    %sub3A_76 = vector.broadcast %sub3A : f32 to vector<2000x128xf32>
    %sub3A_77 = arith.subf %sub3A_76, %logistic3A_70 : vector<2000x128xf32>
    %mul3A_78 = arith.mulf %sub3A_77, %tanh3A : vector<2000x128xf32>
    %get3A_79 = arith.constant 0 : index
    %get3A_80 = arith.constant 0 : index
    %get3A_81 = vector.load %arg9[%get3A_79, %get3A_80] : memref<128x128xf32, #tpu.memory_space<vmem>>, vector<128x128xf32>
    %dot_general3A_82 = arith.constant dense<0.000000e+00> : vector<2000x128xf32>
    %dot_general3A_83 = tpu.matmul %mul3A_78, %get3A_81, %dot_general3A_82 {dimension_numbers = #tpu.dot_dimension_numbers<[1], [0], [0], [1], [0, 0, 1, 1], [], []>, transpose_lhs_hint = false} : vector<2000x128xf32>, vector<128x128xf32>, vector<2000x128xf32> -> vector<2000x128xf32>
    %get3A_84 = arith.constant 0 : index
    %get3A_85 = arith.constant 0 : index
    %get3A_86 = vector.load %arg10[%get3A_84, %get3A_85] : memref<1x128xf32, #tpu.memory_space<vmem>>, vector<1x128xf32>
    %add3A_87 = vector.broadcast %get3A_86 : vector<1x128xf32> to vector<2000x128xf32>
    %add3A_88 = arith.addf %dot_general3A_83, %add3A_87 : vector<2000x128xf32>
    %swap3A = arith.constant 0 : index
    %swap3A_89 = arith.constant 0 : index
    %swap3A_90 = vector.load %arg11[%swap3A, %swap3A_89] : memref<2000x128xf32, #tpu.memory_space<vmem>>, vector<2000x128xf32>
    tpu.vector_store %arg11[%swap3A, %swap3A_89], %add3A_88 {strides = array<i32>} : memref<2000x128xf32, #tpu.memory_space<vmem>>, vector<2000x128xf32>,
    return
  }
  func.func @transform_0(%arg0: i32) -> (i32, i32, i32) {
    %c0_i32 = arith.constant 0 : i32
    %c0_i32_0 = arith.constant 0 : i32
    %c0_i32_1 = arith.constant 0 : i32
    return %c0_i32, %arg0, %c0_i32_0 : i32, i32, i32
  }
  func.func @transform_1(%arg0: i32) -> (i32, i32, i32) {
    %c0_i32 = arith.constant 0 : i32
    %c0_i32_0 = arith.constant 0 : i32
    %c0_i32_1 = arith.constant 0 : i32
    return %c0_i32, %arg0, %c0_i32_0 : i32, i32, i32
  }
  func.func @transform_2(%arg0: i32) -> (i32, i32) {
    %c0_i32 = arith.constant 0 : i32
    %c0_i32_0 = arith.constant 0 : i32
    return %arg0, %c0_i32 : i32, i32
  }
  func.func @transform_3(%arg0: i32) -> (i32, i32) {
    %c0_i32 = arith.constant 0 : i32
    %c0_i32_0 = arith.constant 0 : i32
    %c0_i32_1 = arith.constant 0 : i32
    return %c0_i32, %c0_i32_0 : i32, i32
  }
  func.func @transform_4(%arg0: i32) -> (i32, i32) {
    %c0_i32 = arith.constant 0 : i32
    %c0_i32_0 = arith.constant 0 : i32
    %c0_i32_1 = arith.constant 0 : i32
    return %c0_i32, %c0_i32_0 : i32, i32
  }
  func.func @transform_5(%arg0: i32) -> (i32, i32) {
    %c0_i32 = arith.constant 0 : i32
    %c0_i32_0 = arith.constant 0 : i32
    %c0_i32_1 = arith.constant 0 : i32
    return %c0_i32, %c0_i32_0 : i32, i32
  }
  func.func @transform_6(%arg0: i32) -> (i32, i32) {
    %c0_i32 = arith.constant 0 : i32
    %c0_i32_0 = arith.constant 0 : i32
    %c0_i32_1 = arith.constant 0 : i32
    return %c0_i32, %c0_i32_0 : i32, i32
  }
  func.func @transform_7(%arg0: i32) -> (i32, i32) {
    %c0_i32 = arith.constant 0 : i32
    %c0_i32_0 = arith.constant 0 : i32
    %c0_i32_1 = arith.constant 0 : i32
    return %c0_i32, %c0_i32_0 : i32, i32
  }
  func.func @transform_8(%arg0: i32) -> (i32, i32) {
    %c0_i32 = arith.constant 0 : i32
    %c0_i32_0 = arith.constant 0 : i32
    %c0_i32_1 = arith.constant 0 : i32
    return %c0_i32, %c0_i32_0 : i32, i32
  }
  func.func @transform_9(%arg0: i32) -> (i32, i32) {
    %c0_i32 = arith.constant 0 : i32
    %c0_i32_0 = arith.constant 0 : i32
    %c0_i32_1 = arith.constant 0 : i32
    return %c0_i32, %c0_i32_0 : i32, i32
  }
  func.func @transform_10(%arg0: i32) -> (i32, i32) {
    %c0_i32 = arith.constant 0 : i32
    %c0_i32_0 = arith.constant 0 : i32
    return %arg0, %c0_i32 : i32, i32
  }
}

</mosaic_0001>

<sc_bundles>
// kernel: kernel.12.cloned.1.call-start
scs
__scs_entry_jumppad:
0x0: {  	(pc) =	sbr.rel $0x88, $3  }
0x1: {  	(tag) =	ssettag $0x0;
	lr =	simm.s32 $0x1  }
0x2: {  	[smem:$0x3F92] =	sst lr;
	_ =	strace $0xD0000000  }
0x3: {  	_ = 	snop  }
0x4: {  	_ = 	snop  }
0x5: {  	_ = 	snop  }
0x6: {  	_ = 	snop  }
0x7: {  	_ = 	snop  }
__scs_overlays_trampoline_lowered:
0x8: {  	[smem:$0x3FA1] =	sst s0  }
0x9: {  	[smem:$0x3FA2] =	sst s1  }
0xa: {  	[smem:$0x3FA3] =	sst s2  }
0xb: {  	[smem:$0x3FA4] =	sst s3  }
0xc: {  	[smem:$0x3FA5] =	sst s4  }
0xd: {  	[smem:$0x3FA6] =	sst s5  }
0xe: {  	[smem:$0x3FA7] =	sst s6  }
0xf: {  	[smem:$0x3FA8] =	sst s7  }
0x10: {  	[smem:$0x3FA9] =	sst s8  }
0x11: {  	[smem:$0x3FAA] =	sst s9;
	s0 =	simm.s32 @!p0 $0x0  }
0x12: {  	s1 =	sld [smem:$0x3F90];
	s0 =	simm.s32 @p0 $0x1  }
0x13: {  	[smem:$0x3FAB] =	sst s0;
	s0 =	simm.s32 @!p1 $0x0  }
0x14: {  	s2 =	sld [smem:$0x3F8F];
	s0 =	simm.s32 @p1 $0x1  }
0x15: {  	[smem:$0x3FAC] =	sst s0;
	s0 =	simm.s32 @!p2 $0x0  }
0x16: {  	s3 =	sld [smem:$0x3FDB];
	s0 =	simm.s32 @p2 $0x1  }
0x17: {  	s4 =	simm.s32 $0x1BF5;
	[smem:$0x3FAE] =	sst s0  }
0x18: {  	s0 =	sld [smem:$0x3F91];
	_ =	swait.ge [sflag:s4], $0x0  }
0x19: {  	s7 =	sld [smem:$0x3F92]  }
0x1a: {  	s8 =	sadd.s32 $0xFFFFE003, lr  }
0x1b: {  	s9 =	sadd.s32 $0xFFFFFEF7, lr;
	s5 =	simm.s32 $0xFFFFFFFF;
	p2 =	slt.u32 s8, $0xFFFFF086  }
0x1c: {  	p1 =	slt.u32 s9, $0xF7A;
	s5 =	simm.s32 @!p2 $0x0  }
0x1d: {  	s5 =	simm.s32 @p1 $0x1;
	p0 =	seq.s32 s7, s2  }
0x1e: {  	s7 =	smul.u32 @!p0 $0xF7A, s2;
	p2 =	seq.s32 @!p0 s5, $0x0  }
0x1f: {  	s9 =	smul.u32 $0xF7A, s1;
	s8 =	simm.s32 @!p0 $0x1BF5;
	p2 =	por !p2, p0  }
0x20: {  	[sflag:s8] =	ssyncset.s32 @!p0 $0xFFFFF086;
	s6 =	sadd.s32 @!p0 s3, s7;
	s7 =	simm.s32 @!p0 $0x108  }
0x21: {  	s3 =	sadd.s32 s3, s9;
	s6 =	sadd.s32 @!p0 $0x88, s6;
	s7 =	simm.s32 @p2 $0x1082  }
0x22: {  	[simem:s7], [sflag:s8] =	dma.local @!p0 [hbm:s6], $0xF7A  }
0x23: {  	s9 =	sor.u32 $0xD0000000, s2;
	s6 =	simm.s32 $0x108;
	_ =	swait.ge @!p0 [sflag:s8], $0x0  }
0x24: {  	s3 =	sadd.s32 $0x88, s3;
	s6 =	simm.s32 @!p1 $0x1082;
	[sflag:s4] =	ssyncset.s32 $0xFFFFF086  }
0x25: {  	[simem:s6], [sflag:s4] =	dma.local [hbm:s3], $0xF7A  }
0x26: {  	[smem:$0x3F92] =	sst s1;
	(tag) =	ssettag s2;
	_ =	strace s9  }
0x27: {  	s1 =	sld [smem:$0x3FA2]  }
0x28: {  	s2 =	sld [smem:$0x3FA3]  }
0x29: {  	s4 =	sld [smem:$0x3FA5]  }
0x2a: {  	p0 =	seq.s32 s5, $0x0;
	s5 =	sld [smem:$0x3FA6]  }
0x2b: {  	s6 =	sld [smem:$0x3FA7]  }
0x2c: {  	s7 =	sld [smem:$0x3FA8]  }
0x2d: {  	s3 =	simm.s32 $0x108;
	s8 =	sld [smem:$0x3FA9]  }
0x2e: {  	s3 =	simm.s32 @!p0 $0x1082;
	s9 =	sld [smem:$0x3FAA]  }
0x2f: {  	lr =	sadd.s32 s0, s3;
	s0 =	sld [smem:$0x3FA1]  }
0x30: {  	s3 =	sld [smem:$0x3FA4]  }
0x31: {  	[smem:$0x3FAD] =	sst s10  }
0x32: {  	s10 =	sld [smem:$0x3FAB];
	_ =	sdelay $0x3  }
0x33: {  	p0 =	seq.s32 s10, $0x1;
	s10 =	sld [smem:$0x3FAD];
	_ =	sdelay $0x3  }
0x34: {  	[smem:$0x3FAD] =	sst s10  }
0x35: {  	s10 =	sld [smem:$0x3FAC];
	_ =	sdelay $0x3  }
0x36: {  	p1 =	seq.s32 s10, $0x1;
	s10 =	sld [smem:$0x3FAD];
	_ =	sdelay $0x3  }
0x37: {  	[smem:$0x3FAD] =	sst s10  }
0x38: {  	s10 =	sld [smem:$0x3FAE]  }
0x39: {  	_ = 	snop;
	(pc) =	sbr.ind lr, $3  }
0x3a: {  	_ = 	snop  }
0x3b: {  	_ = 	snop  }
0x3c: {  	p2 =	seq.s32 s10, $0x1;
	s10 =	sld [smem:$0x3FAD]  }
0x3d: {  	_ =	shalt  }
0x3e: {  	_ =	shalt  }
0x3f: {  	_ =	shalt  }
0x40: {  	_ =	shalt  }
0x41: {  	_ =	shalt  }
0x42: {  	_ =	shalt  }
0x43: {  	_ =	shalt  }
0x44: {  	_ =	shalt  }
0x45: {  	_ =	shalt  }
0x46: {  	_ =	shalt  }
0x47: {  	_ =	shalt  }
0x48: {  	_ =	shalt  }
0x49: {  	_ =	shalt  }
0x4a: {  	_ =	shalt  }
0x4b: {  	_ =	shalt  }
0x4c: {  	_ =	shalt  }
0x4d: {  	_ =	shalt  }
0x4e: {  	_ =	shalt  }
0x4f: {  	_ =	shalt  }
0x50: {  	_ =	shalt  }
0x51: {  	_ =	shalt  }
0x52: {  	_ =	shalt  }
0x53: {  	_ =	shalt  }
0x54: {  	_ =	shalt  }
0x55: {  	_ =	shalt  }
0x56: {  	_ =	shalt  }
0x57: {  	_ =	shalt  }
0x58: {  	_ =	shalt  }
0x59: {  	_ =	shalt  }
0x5a: {  	_ =	shalt  }
0x5b: {  	_ =	shalt  }
0x5c: {  	_ =	shalt  }
0x5d: {  	_ =	shalt  }
0x5e: {  	_ =	shalt  }
0x5f: {  	_ =	shalt  }
0x60: {  	_ =	shalt  }
0x61: {  	_ =	shalt  }
0x62: {  	_ =	shalt  }
0x63: {  	_ =	shalt  }
0x64: {  	_ =	shalt  }
0x65: {  	_ =	shalt  }
0x66: {  	_ =	shalt  }
0x67: {  	_ =	shalt  }
0x68: {  	_ =	shalt  }
0x69: {  	_ =	shalt  }
0x6a: {  	_ =	shalt  }
0x6b: {  	_ =	shalt  }
0x6c: {  	_ =	shalt  }
0x6d: {  	_ =	shalt  }
0x6e: {  	_ =	shalt  }
0x6f: {  	_ =	shalt  }
0x70: {  	_ =	shalt  }
0x71: {  	_ =	shalt  }
0x72: {  	_ =	shalt  }
0x73: {  	_ =	shalt  }
0x74: {  	_ =	shalt  }
0x75: {  	_ =	shalt  }
0x76: {  	_ =	shalt  }
0x77: {  	_ =	shalt  }
0x78: {  	_ =	shalt  }
0x79: {  	_ =	shalt  }
0x7a: {  	_ =	shalt  }
0x7b: {  	_ =	shalt  }
0x7c: {  	_ =	shalt  }
0x7d: {  	_ =	shalt  }
0x7e: {  	_ =	shalt  }
0x7f: {  	_ =	shalt  }
0x80: {  	_ =	shalt  }
0x81: {  	_ =	shalt  }
0x82: {  	_ =	shalt  }
0x83: {  	_ =	shalt  }
0x84: {  	_ =	shalt  }
0x85: {  	_ =	shalt  }
0x86: {  	_ =	shalt  }
0x87: {  	_ =	shalt  }
.Lfunc_end0:
.L_simem_size_0:
called_computation.1_lowered:
.L_overlay_start_0:
0x88: {  	s2 =	sld [smem:$0x3FD9]  }
0x89: {  	s3 =	sld [smem:$0x3FFE];
	_ =	sdelay $0x1  }
0x8a: {  	s1 =	srdreg.scid  }
0x8b: {  	s0 =	sand.u32 $0x1, s1  }
0x8c: {  	s17 =	sshll.u32 s0, $0xA;
	s2 =	sadd.s32 s3, s2  }
0x8d: {  	s2 =	sadd.s32 s2, s17  }
0x8e: {  	[smem:$0x3FB9] =	sst s2  }
0x8f: {  	_ = 	snop  }
0x90: {  	s18 =	sld [smem:$0x3FD0];
	(tm) =	ssettm $0x1  }
0x91: {  	s19 =	sld [smem:$0x3FFB];
	_ =	sdelay $0x3  }
0x92: {  	_ =	strace s19  }
0x93: {  	s2 =	sld [smem:$0x3FFC];
	_ =	sdelay $0x3  }
0x94: {  	_ =	strace s2  }
0x95: {  	s2 =	sld [smem:$0x3FFD];
	_ =	sdelay $0x3  }
0x96: {  	_ =	strace s2  }
0x97: {  	_ =	strace $0x8FFFFFFF  }
0x98: {  	s20 =	sld [smem:$0x3FDB];
	_ =	sdelay $0x1  }
0x99: {  	s4 =	simm.s32 $_scs_section_size  }
0x9a: {  	s5 =	simm.s32 $_size__tile_overlayer_lowered;
	s6 =	simm.s32 $_tile_overlayer_lowered  }
0x9b: {  	s7 =	simm.s32 $0x1BFF;
	s21 =	sshll.u32 s6, $0x1;
	s4 =	sadd.s32 s4, s20  }
0x9c: {  	s22 =	simm.s32 $0x0;
	s5 =	sshll.u32 s5, $0x1;
	s6 =	sadd.s32 s21, s4  }
0x9d: {  	[timem:s22], [sflag:s7] =	dma.local [hbm:s6], s5  }
0x9e: {  	_ =	swait.ge [sflag:s7], s5  }
0x9f: {  	s5 =	ssub.s32 $0x0, s5;
	[sflag:s7] =	ssyncset.done $0x0  }
0xa0: {  	[sflag:s7] =	ssyncadd.s32 s5;
	_ =	sdelay $0x1  }
0xa1: {  	s23 =	simm.s32 $0x1B8B  }
0xa2: {  	_ =	swait.ge [sflag:s23], $0x1  }
0xa3: {  	[sflag:s23] =	ssyncset.done $0x0  }
0xa4: {  	[sflag:s23] =	ssyncadd.s32 $0xFFFFFFFF  }
0xa5: {  	s5 =	sld [smem:$0x0]  }
0xa6: {  	s6 =	sand.u32 $0xFFFFFFFE, s1  }
0xa7: {  	p0 =	sne.s32 s1, s6  }
0xa8: {  	s6 =	sshll.u32 @p0 s6, $0xE  }
0xa9: {  	s6 =	sadd.s32 @p0 $0x11B8D, s6;
	s7 =	sshll.u32 @p0 s5, $0x11  }
0xaa: {  	s6 =	sor.u32 @p0 s7, s6  }
0xab: {  	[sflag:s6] =	ssyncadd.remote.s32 @p0 $0x1;
	_ =	sdelay $0x1  }
0xac: {  	s6 =	simm.s32 @p0 $0x1B8D  }
0xad: {  	_ =	swait.eq @p0 [sflag:s6], $0x1  }
0xae: {  	[sflag:s6] =	ssyncadd.s32 @p0 $0xFFFFFFFF  }
0xaf: {  	s7 =	sshll.u32 @!p0 s1, $0xE  }
0xb0: {  	s7 =	sor.u32 @!p0 $0x4000, s7;
	s6 =	simm.s32 @!p0 $0x1B8D  }
0xb1: {  	s5 =	sshll.u32 @!p0 s5, $0x11;
	s7 =	sadd.s32 @!p0 $0x11B8D, s7;
	_ =	swait.eq @!p0 [sflag:s6], $0x1  }
0xb2: {  	s5 =	sor.u32 @!p0 s5, s7;
	[sflag:s6] =	ssyncadd.s32 @!p0 $0xFFFFFFFF  }
0xb3: {  	s25 =	simm.s32 $0x1B8E;
	s24 =	sld [smem:$0x3FFE];
	[sflag:s5] =	ssyncadd.remote.s32 @!p0 $0x1  }
0xb4: {  	s26 =	simm.s32 $execute0_lowered;
	[smem:$0x3FD2] =	sst s25  }
0xb5: {  	s6 =	sshll.u32 s26, $0x1;
	_ =	strace $0x80000049;
	[dreg:$0x1] =	wrdreg $0xFFFFFFFF  }
0xb6: {  	s28 =	simm.s32 $_size_execute0_lowered;
	s4 =	sadd.s32 s4, s6;
	[dreg:$0x0] =	wrdreg $0x0  }
0xb7: {  	s6 =	sshll.u32 s28, $0x1;
	[dreg:$0x2] =	wrdreg s4  }
0xb8: {  	[dreg:$0x3] =	wrdreg s6  }
0xb9: {  	[dreg:$0x4] =	wrdreg $0xC0  }
0xba: {  	_ =	task [dreg:s22], $0x5FFFF  }
0xbb: {  	[dreg:$0x1] =	wrdreg $0xFFFFFFFF  }
0xbc: {  	[dreg:$0x0] =	wrdreg $0x60  }
0xbd: {  	[dreg:$0x2] =	wrdreg s18  }
0xbe: {  	[dreg:$0x3] =	wrdreg s24  }
0xbf: {  	[dreg:$0x4] =	wrdreg $0xA0F00  }
0xc0: {  	[dreg:$0x5] =	wrdreg $0xA  }
0xc1: {  	_ =	task.clear_ibuf [dreg:s22], $0x6FFFF;
	_ =	strace $0x90000049  }
0xc2: {  	s29 =	simm.s32 $0xA;
	_ =	strace $0x8000004B  }
0xc3: {  	_ =	swait.ge [sflag:s29], $0x1  }
0xc4: {  	[sflag:s29] =	ssyncadd.s32 $0xFFFFFFFF  }
0xc5: {  	_ =	strace $0x9000004B  }
0xc6: {  	_ =	sfence  }
0xc7: {  	s30 =	sld [smem:$0x0];
	_ =	sdelay $0x2  }
0xc8: {  	s31 =	sshll.u32 s1, $0xD;
	s1 =	sshrl.u32 s1, $0x2  }
0xc9: {  	s4 =	sand.u32 $0x4000, s31;
	s1 =	sadd.s32 s1, s30  }
0xca: {  	s0 =	sor.u32 s4, s0;
	s1 =	sshll.u32 s1, $0x11  }
0xcb: {  	s0 =	sor.u32 s1, s0  }
0xcc: {  	s0 =	sadd.s32 $0x8F2B, s0  }
0xcd: {  	[sflag:s0] =	ssyncadd.remote.s32 $0x1  }
0xce: {  	_ =	sfence.sel $0xFFFF  }
0xcf: {  	[dreg:$0x0] =	wrdreg $0xFFFFFFFF;
	(pc) =	sbr.abs _section_cstart, $3  }
0xd0: {  	[dreg:$0x1] =	wrdreg $0xFFFFFFFF  }
0xd1: {  	_ =	task.clear_ibuf [dreg:s22], $0x2FFFF;
	_ =	strace $0x9FFFFFFF  }
0xd2: {  	(tm) =	ssettm $0x7FFFFFFF  }
0xd3: {  	_ =	shalt  }
tec
execute0_lowered:
.L_overlay_start_1:
0x0: {  	(tag) =	ssettag $0x1  }
0x1: {  	s1 =	rddreg [dreg:$0x0]  }
0x2: {  	s0 =	rddreg [dreg:$0x1]  }
0x3: {  	s2 =	rddreg [dreg:$0x2];
	s4 =	simm.s32 $0x0;
	s14 =	stileid.u32  }
0x4: {  	s3 =	srdreg.scid;
	s28 =	simm.s32 $0x3;
	s29 =	simm.s32 $0x5  }
0x5: {  	s30 =	simm.s32 $0x2;
	s31 =	simm.s32 $0x14F0;
	s15 =	simm.s32 $0x0  }
0x6: {  	[smem:$0x7FF] =	sst s4;
	s5 =	sadd.s32 $0x72CC00, s0;
	s9 =	smul.u32 $0x1F400, s14  }
0x7: {  	s3 =	sand.u32 $0x1, s3;
	s6 =	sadd.s32 $0x2400, s0;
	s10 =	sshll.u32 s14, $0x1  }
0x8: {  	s7 =	sadd.s32 $0x8800, s0;
	p0 =	sgt.u32 s14, $0x9;
	_ =	strace $0x8000004A  }
0x9: {  	s8 =	smul.u32 $0x138800, s3;
	s10 =	sor.u32 s3, s10;
	s3 =	ssub.s32 $0x2, s3  }
0xa: {  	s11 =	sshrl.u32 s9, $0x3;
	s12 =	smul.u32 $0x500, s10;
	s18 =	sshrl.u32 s3, $0x1  }
0xb: {  	s11 =	sadd.s32 s11, s0;
	s8 =	sadd.s32 s9, s8;
	s3 =	ssub.s32 s3, s18  }
0xc: {  	s9 =	sadd.s32 s9, s2;
	s13 =	sshrl.u32 s8, $0x3;
	s8 =	smul.u32 $0x1900, s10  }
0xd: {  	[dreg:$0x4] =	wrdreg s9;
	s11 =	sadd.s32 $0x6AD800, s11;
	s10 =	smul.u32 $0x19000, s10  }
0xe: {  	s26 =	smax.u32 s3, $0x1;
	s3 =	simm.s32 $0x4;
	[dreg:$0x5] =	wrdreg s11  }
0xf: {  	s13 =	sadd.s32 s13, s0;
	s0 =	sadd.s32 s12, s0;
	[dreg:$0xd] =	wrdreg s26  }
0x10: {  	s26 =	simm.s32 $0x50F0;
	s11 =	simm.s32 $0x64F0;
	s12 =	simm.s32 $0x8  }
0x11: {  	s19 =	sshrl.u32 s8, $0x3;
	s24 =	sadd.s32 s5, s10;
	s16 =	sor.u32 $0x28, s8  }
0x12: {  	s17 =	sor.u32 $0x78, s8;
	s0 =	sadd.s32 $0xEC00, s0;
	[dreg:$0xa] =	wrdreg s24  }
0x13: {  	s25 =	sadd.s32 $0x18C00, s13;
	s10 =	simm.s32 $0xC8;
	[dreg:$0xb] =	wrdreg s0  }
0x14: {  	s20 =	sor.u32 $0x5, s19;
	s21 =	sadd.s32 s6, s19;
	[dreg:$0xc] =	wrdreg s25  }
.Ltmp0:
0x15: {  	s9 =	sadd.s32 s7, s19;
	[dreg:$0x6] =	wrdreg s21;
	(pc) =	sbr.rel .LBB2_1-.Ltmp0, $4  }
0x16: {  	s0 =	simm.s32 $0x3CF0;
	s25 =	simm.s32 $0xA0;
	[dreg:$0x7] =	wrdreg s9  }
0x17: {  	s22 =	sadd.s32 s6, s20;
	s23 =	sadd.s32 s7, s20;
	s21 =	simm.s32 $0x78F0  }
0x18: {  	s9 =	simm.s32 $0x6;
	s20 =	simm.s32 $0x0;
	[dreg:$0x8] =	wrdreg s22  }
0x19: {  	v0 =	vimm.f32 $0.0e+00;
	v1 =	vimm.f32 $1.000000000e+00;
	vm0 =	vcmask $0x3F20;
	[dreg:$0x9] =	wrdreg s23;
	s22 =	simm.s32 $0x28;
	s23 =	simm.s32 $0x78  }
.LBB2_10:
0x1a: {  	_ =	swait.ge [sflag:s12], $0x1400  }
0x1b: {  	[sflag:s12] =	ssyncset.done $0x0  }
0x1c: {  	s13 =	simm.s32 $0x7;
	[sflag:s12] =	ssyncadd.s32 $0xFFFFEC00  }
0x1d: {  	_ =	swait.ge [sflag:s13], $0x1400  }
0x1e: {  	[sflag:s13] =	ssyncset.done $0x0  }
0x1f: {  	s18 =	simm.s32 $0x9;
	s15 =	rddreg [dreg:$0xb];
	[sflag:s13] =	ssyncadd.s32 $0xFFFFEC00  }
0x20: {  	[hbm4b:s15+s4] =	stream.linear.scatter [tilespmem:s21], [sflag:$0x9], $0x2800, $0x38;
	[tilespmem:$0x1D970] =	vst v63  }
0x21: {  	_ =	swait.ge [sflag:s18], $0x2800  }
0x22: {  	[sflag:s18] =	ssyncset.done $0x0  }
0x23: {  	[sflag:s18] =	ssyncadd.s32 $0xFFFFD800  }
0x24: {  	[bflag:$0x0] =	sbarrier.arrive $0xFFFF  }
0x25: {  	s13 =	rddreg [dreg:$0xc]  }
0x26: {  	s14 =	rddreg [dreg:$0xf]  }
0x27: {  	s15 =	rddreg [dreg:$0x10]  }
0x28: {  	[hbm:s13], [sflag:s14] =	dma.local @!p0 [spmem:s15], $0x3E80  }
0x29: {  	s13 =	simm.s32 @!p0 $0x9  }
0x2a: {  	_ =	swait.ge @!p0 [sflag:s13], $0x3E80  }
0x2b: {  	s19 =	rddreg [dreg:$0xe]  }
0x2c: {  	s24 =	rddreg [dreg:$0xd];
	s15 =	sadd.s32 $0x1, s19  }
0x2d: {  	p1 =	sne.s32 s15, s24  }
.Ltmp1:
0x2e: {  	_ = 	snop;
	(pc) =	sbr.rel @!p1 .LBB2_11-.Ltmp1, $3  }
0x2f: {  	_ =	sdelay $0x1  }
0x30: {  	[sflag:s13] =	ssyncset.done @!p0 $0x0  }
0x31: {  	[sflag:s13] =	ssyncadd.s32 @!p0 $0xFFFFC180  }
.LBB2_1:
0x32: {  	[dreg:$0xe] =	wrdreg s15;
	s13 =	simm.s32 $0x40;
	s14 =	simm.s32 $0x0  }
.LBB2_2:
0x33: {  	p1 =	sne.s32 s13, $0x9FC0;
	[tilespmem:s14+$0x78F0] =	vst v0;
	s14 =	smov.u32 s13;
	s13 =	sadd.s32 $0x40, s13  }
.Ltmp2:
0x34: {  	(pc) =	sbr.rel @p1 .LBB2_2-.Ltmp2, $2  }
0x35: {  	_ =	sdelay $0x2  }
0x36: {  	s14 =	sshra.s32 s14, $0x2  }
0x37: {  	s13 =	stileid.u32  }
0x38: {  	s13 =	sshll.u32 @!p0 s13, $0x6  }
0x39: {  	[tilespmem:s14+$0x78F0] =	vst v0;
	s14 =	sor.u32 @!p0 $0x1C09, s13;
	s13 =	rddreg [dreg:$0x4]  }
0x3a: {  	s15 =	sshrl.u32 @!p0 s13, $0x3;
	s13 =	rddreg [dreg:$0x5]  }
0x3b: {  	[dreg:$0xf] =	wrdreg s14  }
0x3c: {  	[dreg:$0x10] =	wrdreg s15  }
0x3d: {  	[spmem:s15], [sflag:s14] =	dma.local @!p0 [hbm:s13], $0x3E80  }
0x3e: {  	s13 =	simm.s32 @!p0 $0x9  }
0x3f: {  	_ =	swait.ge @!p0 [sflag:s13], $0x3E80  }
0x40: {  	[sflag:s13] =	ssyncset.done @!p0 $0x0  }
0x41: {  	[sflag:s13] =	ssyncadd.s32 @!p0 $0xFFFFC180  }
0x42: {  	[bflag:$0x0] =	sbarrier.arrive $0xFFFF  }
0x43: {  	s15 =	rddreg [dreg:$0x6]  }
0x44: {  	[tilespmem:s20], [sflag:$0x1] =	stream.linear.gather [hbm4b:s15+s20], $0x28, $0x38;
	[tilespmem:$0x1D970] =	vst v63  }
0x45: {  	s19 =	simm.s32 $0x50;
	s18 =	rddreg [dreg:$0x7]  }
0x46: {  	[tilespmem:s19], [sflag:$0x1] =	stream.linear.gather [hbm4b:s18+s20], $0x28, $0x38;
	[tilespmem:$0x1D970] =	vst v63  }
0x47: {  	s24 =	rddreg [dreg:$0x8]  }
0x48: {  	[tilespmem:s22], [sflag:$0x2] =	stream.linear.gather [hbm4b:s24+s20], $0x28, $0x38;
	[tilespmem:$0x1D970] =	vst v63  }
0x49: {  	s14 =	rddreg [dreg:$0x9];
	s15 =	simm.s32 $0x1  }
0x4a: {  	[tilespmem:s23], [sflag:$0x2] =	stream.linear.gather [hbm4b:s14+s20], $0x28, $0x38;
	[tilespmem:$0x1D970] =	vst v63  }
0x4b: {  	_ =	swait.ge [sflag:s15], $0x28  }
0x4c: {  	[sflag:s15] =	ssyncset.done $0x0  }
0x4d: {  	[sflag:s15] =	ssyncadd.s32 $0xFFFFFFD8  }
0x4e: {  	_ =	swait.ge [sflag:s15], $0x28  }
0x4f: {  	[sflag:s15] =	ssyncset.done $0x0  }
0x50: {  	s18 =	simm.s32 $0xF0;
	[sflag:s15] =	ssyncadd.s32 $0xFFFFFFD8  }
0x51: {  	[tilespmem:s18], [sflag:$0x3] =	stream.indirect.gather [hbm4b:s1+s22], $0x80, s20, s22, $0xb8;
	[tilespmem:$0x1D970] =	vst v63  }
0x52: {  	s13 =	simm.s32 $0x0;
	s24 =	simm.s32 $0x28F0;
	s19 =	rddreg [dreg:$0xa]  }
0x53: {  	[tilespmem:s24], [sflag:$0x5] =	stream.linear.gather [hbm4b:s19+s20], $0x1400, $0x38;
	[tilespmem:$0x1D970] =	vst v63  }
.LBB2_4:
0x54: {  	p1 =	seq.s32 s13, $0x0  }
0x55: {  	s14 =	simm.s32 @!p1 $0x7  }
0x56: {  	_ =	swait.ge @!p1 [sflag:s14], $0x1400  }
0x57: {  	[sflag:s14] =	ssyncset.done @!p1 $0x0  }
0x58: {  	[sflag:s14] =	ssyncadd.s32 @!p1 $0xFFFFEC00  }
0x59: {  	_ =	swait.ge [sflag:s28], $0x1400  }
0x5a: {  	[sflag:s28] =	ssyncset.done $0x0  }
0x5b: {  	[sflag:s28] =	ssyncadd.s32 $0xFFFFEC00  }
0x5c: {  	_ =	swait.ge [sflag:s29], $0x1400  }
0x5d: {  	[sflag:s29] =	ssyncset.done $0x0  }
0x5e: {  	[sflag:s29] =	ssyncadd.s32 $0xFFFFEC00  }
0x5f: {  	_ =	swait.ge [sflag:s30], $0x28  }
0x60: {  	s14 =	smul.u32 $0x50, s13;
	[sflag:s30] =	ssyncset.done $0x0  }
0x61: {  	[sflag:s30] =	ssyncadd.s32 $0xFFFFFFD8  }
0x62: {  	s15 =	sadd.s32 s14, s16;
	_ =	swait.ge [sflag:s30], $0x28  }
0x63: {  	s15 =	sshll.u32 s15, $0x4;
	[sflag:s30] =	ssyncset.done $0x0  }
0x64: {  	s15 =	sand.u32 $0x1FFFFF80, s15;
	[sflag:s30] =	ssyncadd.s32 $0xFFFFFFD8  }
0x65: {  	[tilespmem:s31], [sflag:$0x4] =	stream.indirect.gather [hbm4b:s1+s22], $0x80, s22, s22, $0xb8;
	[tilespmem:$0x1D970] =	vst v63  }
0x66: {  	s18 =	simm.s32 $0x0;
	s15 =	sadd.s32 s5, s15  }
0x67: {  	[tilespmem:s0], [sflag:$0x6] =	stream.linear.gather [hbm4b:s15+s20], $0x1400, $0x38;
	[tilespmem:$0x1D970] =	vst v63  }
0x68: {  	v2 =	vld [tilespmem:s18+$0x160]  }
0x69: {  	v3 =	vld [tilespmem:s18+$0x2960]  }
0x6a: {  	v4 =	vld [tilespmem:s18+$0xF0]  }
0x6b: {  	v5 =	vld [tilespmem:s18+$0x28F0]  }
0x6c: {  	v6 =	vld [tilespmem:s18+$0x100]  }
0x6d: {  	v7 =	vld [tilespmem:s18+$0x2900]  }
0x6e: {  	v8 =	vld [tilespmem:s18+$0x110]  }
0x6f: {  	v2 =	vadd.f32 v3, v2;
	v3 =	vld [tilespmem:s18+$0x2910]  }
0x70: {  	v9 =	vld [tilespmem:s18+$0x120]  }
0x71: {  	v10 =	vld [tilespmem:s18+$0x2920];
	v4 =	vadd.f32 v5, v4  }
0x72: {  	v11 =	vld [tilespmem:s18+$0x130];
	v2 =	vmax.f32 v2, $0.0e+00  }
0x73: {  	[tilespmem:s18+$0x5160] =	vst v2;
	v2 =	vmax.f32 v4, $0.0e+00;
	v4 =	vadd.f32 v7, v6;
	v7 =	vld [tilespmem:s18+$0x2930]  }
0x74: {  	v5 =	vld [tilespmem:s18+$0x2940];
	v3 =	vadd.f32 v3, v8  }
0x75: {  	[tilespmem:s18+$0x50F0] =	vst v2;
	v2 =	vld [tilespmem:s18+$0x140];
	v4 =	vmax.f32 v4, $0.0e+00  }
0x76: {  	v6 =	vld [tilespmem:s18+$0x2950];
	v8 =	vadd.f32 v10, v9;
	[tilespmem:s18+$0x5100] =	vst v4;
	v4 =	vmax.f32 v3, $0.0e+00  }
0x77: {  	s24 =	sshll.u32 s13, $0x1;
	s19 =	simm.s32 $0x80;
	v3 =	vld [tilespmem:s18+$0x150];
	[tilespmem:s18+$0x5110] =	vst v4  }
0x78: {  	s24 =	sadd.s32 $0x2, s24;
	s15 =	simm.s32 $0x400;
	v8 =	vmax.f32 v8, $0.0e+00;
	v7 =	vadd.f32 v7, v11;
	v4 =	vld [tilespmem:s19+$0x160]  }
.LBB2_5:
0x79: {  	p1 =	sne.s32 s15, $0x4E00;
	v9 =	vld [tilespmem:s19+$0x2960];
	[tilespmem:s18+$0x5120] =	vst v8  }
0x7a: {  	v8 =	vld [tilespmem:s19+$0xF0];
	v7 =	vmax.f32 v7, $0.0e+00;
	v2 =	vadd.f32 v5, v2  }
0x7b: {  	v5 =	vld [tilespmem:s19+$0x28F0];
	[tilespmem:s18+$0x5130] =	vst v7  }
0x7c: {  	v7 =	vld [tilespmem:s19+$0x100];
	v2 =	vmax.f32 v2, $0.0e+00;
	v3 =	vadd.f32 v6, v3  }
0x7d: {  	v6 =	vld [tilespmem:s19+$0x2900];
	[tilespmem:s18+$0x5140] =	vst v2  }
0x7e: {  	v2 =	vld [tilespmem:s19+$0x110];
	v4 =	vadd.f32 v9, v4;
	v3 =	vmax.f32 v3, $0.0e+00  }
0x7f: {  	v9 =	vld [tilespmem:s19+$0x2910];
	[tilespmem:s18+$0x5150] =	vst v3;
	s18 =	smov.u32 s19  }
0x80: {  	v3 =	vadd.f32 v5, v8;
	v8 =	vld [tilespmem:s18+$0x120];
	v4 =	vmax.f32 v4, $0.0e+00  }
0x81: {  	v10 =	vld [tilespmem:s18+$0x2920];
	[tilespmem:s18+$0x5160] =	vst v4  }
0x82: {  	v3 =	vmax.f32 v3, $0.0e+00;
	v4 =	vadd.f32 v6, v7;
	v7 =	vld [tilespmem:s18+$0x130]  }
0x83: {  	[tilespmem:s18+$0x50F0] =	vst v3;
	v11 =	vld [tilespmem:s18+$0x2930]  }
.Ltmp3:
0x84: {  	v3 =	vmax.f32 v4, $0.0e+00;
	v4 =	vadd.f32 v9, v2;
	v2 =	vld [tilespmem:s18+$0x140];
	(pc) =	sbr.rel @p1 .LBB2_5-.Ltmp3, $4  }
0x85: {  	[tilespmem:s18+$0x5100] =	vst v3;
	v5 =	vld [tilespmem:s18+$0x2940]  }
0x86: {  	v4 =	vmax.f32 v4, $0.0e+00;
	v8 =	vadd.f32 v10, v8;
	v3 =	vld [tilespmem:s18+$0x150]  }
0x87: {  	s19 =	sshra.s32 s15, $0x2;
	[tilespmem:s18+$0x5110] =	vst v4;
	v6 =	vld [tilespmem:s18+$0x2950]  }
0x88: {  	s15 =	sadd.s32 $0x200, s15;
	v4 =	vld [tilespmem:s19+$0x160];
	v8 =	vmax.f32 v8, $0.0e+00;
	v7 =	vadd.f32 v11, v7  }
0x89: {  	v9 =	vld [tilespmem:s19+$0x2960];
	[tilespmem:s18+$0x5120] =	vst v8  }
0x8a: {  	v8 =	vld [tilespmem:s19+$0xF0];
	v7 =	vmax.f32 v7, $0.0e+00;
	v2 =	vadd.f32 v5, v2  }
0x8b: {  	v10 =	vld [tilespmem:s19+$0x28F0];
	[tilespmem:s18+$0x5130] =	vst v7  }
0x8c: {  	v5 =	vld [tilespmem:s19+$0x100];
	v2 =	vmax.f32 v2, $0.0e+00;
	v3 =	vadd.f32 v6, v3  }
0x8d: {  	v7 =	vld [tilespmem:s19+$0x2900];
	[tilespmem:s18+$0x5140] =	vst v2  }
0x8e: {  	v2 =	vld [tilespmem:s19+$0x110];
	v3 =	vmax.f32 v3, $0.0e+00  }
0x8f: {  	v6 =	vld [tilespmem:s19+$0x2910];
	v4 =	vadd.f32 v9, v4;
	[tilespmem:s18+$0x5150] =	vst v3  }
0x90: {  	v8 =	vadd.f32 v10, v8;
	v3 =	vld [tilespmem:s19+$0x120]  }
0x91: {  	v4 =	vmax.f32 v4, $0.0e+00;
	v9 =	vld [tilespmem:s19+$0x2920]  }
0x92: {  	[tilespmem:s19+$0x5160] =	vst v4;
	v4 =	vmax.f32 v8, $0.0e+00;
	v8 =	vld [tilespmem:s19+$0x130]  }
0x93: {  	v5 =	vadd.f32 v7, v5;
	v7 =	vld [tilespmem:s19+$0x140]  }
0x94: {  	[tilespmem:s19+$0x50F0] =	vst v4;
	v4 =	vld [tilespmem:s19+$0x2930];
	v2 =	vadd.f32 v6, v2  }
0x95: {  	v5 =	vmax.f32 v5, $0.0e+00;
	v6 =	vld [tilespmem:s19+$0x150]  }
0x96: {  	[tilespmem:s19+$0x5100] =	vst v5;
	v5 =	vld [tilespmem:s19+$0x2940];
	v2 =	vmax.f32 v2, $0.0e+00  }
0x97: {  	[tilespmem:s19+$0x5110] =	vst v2;
	v2 =	vld [tilespmem:s19+$0x2950];
	_ =	sdelay $0x1  }
0x98: {  	v3 =	vadd.f32 v9, v3  }
0x99: {  	v4 =	vadd.f32 v4, v8  }
0x9a: {  	v3 =	vmax.f32 v3, $0.0e+00;
	v5 =	vadd.f32 v5, v7  }
0x9b: {  	[tilespmem:s19+$0x5120] =	vst v3;
	v3 =	vmax.f32 v4, $0.0e+00;
	v2 =	vadd.f32 v2, v6  }
0x9c: {  	[tilespmem:s19+$0x5130] =	vst v3;
	v3 =	vmax.f32 v5, $0.0e+00  }
0x9d: {  	[tilespmem:s19+$0x5140] =	vst v3;
	v2 =	vmax.f32 v2, $0.0e+00  }
0x9e: {  	[tilespmem:s19+$0x5150] =	vst v2  }
0x9f: {  	v2 =	vld [tilespmem:$0x50];
	_ =	sdelay $0x7  }
0xa0: {  	[tilespmem:v2+s21+$0x0] =	vst.idx.add.f32.msk $0xffff, v1  }
0xa1: {  	v2 =	vld [tilespmem:$0x60];
	_ =	sdelay $0x7  }
0xa2: {  	[tilespmem:v2+s21+$0x0] =	vst.idx.add.f32.msk $0xffff, v1  }
0xa3: {  	v2 =	vld [tilespmem:$0x68];
	_ =	sdelay $0x7  }
0xa4: {  	[tilespmem:v2+s21+$0x0] =	vst.idx.add.f32.msk vm0, v1  }
0xa5: {  	v2 =	vld [tilespmem:$0x50]  }
0xa6: {  	v3 =	vld [tilespmem:$0x60]  }
0xa7: {  	v4 =	vld [tilespmem:$0x68]  }
0xa8: {  	p1 =	seq.s32 s13, $0x4F  }
0xa9: {  	s15 =	smul.u32 @!p1 $0x28, s24  }
0xaa: {  	[tilespmem:$0xA0] =	vst v2  }
0xab: {  	s18 =	sadd.s32 @!p1 s8, s15;
	[tilespmem:$0xB0] =	vst v3  }
0xac: {  	s19 =	sshrl.u32 @!p1 s18, $0x3;
	[tilespmem:$0xB8] =	vst v4  }
0xad: {  	[spmem:s2] =	stream.indirect.scatter.add.f32 [tilespmem:s26], [sflag:$0x7], $0x80, s25, s22, $0xb8;
	[tilespmem:$0x1D970] =	vst v63  }
0xae: {  	p2 =	seq.s32 @!p1 s13, $0x0;
	s15 =	simm.s32 @!p1 $0x0;
	s24 =	sadd.s32 @!p1 s6, s19  }
0xaf: {  	[tilespmem:s15], [sflag:$0x1] =	stream.linear.gather @!p1 [hbm4b:s24+s15], $0x28, $0x38;
	[tilespmem:$0x1D970] =	vst v63  }
0xb0: {  	p2 =	por p1, !p2;
	s19 =	sadd.s32 @!p1 s7, s19;
	s24 =	simm.s32 @!p1 $0x50  }
0xb1: {  	[tilespmem:s24], [sflag:$0x1] =	stream.linear.gather @!p1 [hbm4b:s19+s15], $0x28, $0x38;
	[tilespmem:$0x1D970] =	vst v63  }
0xb2: {  	_ =	swait.ge @p2 [sflag:s12], $0x1400  }
0xb3: {  	[sflag:s12] =	ssyncset.done @p2 $0x0  }
0xb4: {  	[sflag:s12] =	ssyncadd.s32 @p2 $0xFFFFEC00  }
0xb5: {  	_ =	swait.ge [sflag:s3], $0x1400  }
0xb6: {  	[sflag:s3] =	ssyncset.done $0x0  }
0xb7: {  	[sflag:s3] =	ssyncadd.s32 $0xFFFFEC00  }
0xb8: {  	_ =	swait.ge [sflag:s9], $0x1400  }
0xb9: {  	[sflag:s9] =	ssyncset.done $0x0  }
0xba: {  	s19 =	simm.s32 @!p1 $0x1;
	[sflag:s9] =	ssyncadd.s32 $0xFFFFEC00  }
0xbb: {  	_ =	swait.ge @!p1 [sflag:s19], $0x28  }
0xbc: {  	[sflag:s19] =	ssyncset.done @!p1 $0x0  }
0xbd: {  	[sflag:s19] =	ssyncadd.s32 @!p1 $0xFFFFFFD8  }
0xbe: {  	s18 =	sshll.u32 @!p1 s18, $0x4;
	_ =	swait.ge @!p1 [sflag:s19], $0x28  }
0xbf: {  	s18 =	sand.u32 @!p1 $0x1FFFFF00, s18;
	[sflag:s19] =	ssyncset.done @!p1 $0x0  }
0xc0: {  	s24 =	simm.s32 @!p1 $0xF0;
	[sflag:s19] =	ssyncadd.s32 @!p1 $0xFFFFFFD8;
	s19 =	simm.s32 @!p1 $0x28  }
0xc1: {  	[tilespmem:s24], [sflag:$0x3] =	stream.indirect.gather @!p1 [hbm4b:s1+s19], $0x80, s15, s19, $0xb8;
	[tilespmem:$0x1D970] =	vst v63  }
0xc2: {  	s18 =	sadd.s32 @!p1 s5, s18;
	s19 =	simm.s32 @!p1 $0x28F0  }
0xc3: {  	[tilespmem:s19], [sflag:$0x5] =	stream.linear.gather @!p1 [hbm4b:s18+s15], $0x1400, $0x38;
	[tilespmem:$0x1D970] =	vst v63  }
0xc4: {  	s18 =	simm.s32 $0x0  }
0xc5: {  	v2 =	vld [tilespmem:s18+$0x1560]  }
0xc6: {  	v3 =	vld [tilespmem:s18+$0x3D60]  }
0xc7: {  	v4 =	vld [tilespmem:s18+$0x14F0]  }
0xc8: {  	v5 =	vld [tilespmem:s18+$0x3CF0]  }
0xc9: {  	v6 =	vld [tilespmem:s18+$0x1500]  }
0xca: {  	v7 =	vld [tilespmem:s18+$0x3D00]  }
0xcb: {  	v8 =	vld [tilespmem:s18+$0x1510]  }
0xcc: {  	v2 =	vadd.f32 v3, v2;
	v3 =	vld [tilespmem:s18+$0x3D10]  }
0xcd: {  	v9 =	vld [tilespmem:s18+$0x1520]  }
0xce: {  	v10 =	vld [tilespmem:s18+$0x3D20];
	v4 =	vadd.f32 v5, v4  }
0xcf: {  	v11 =	vld [tilespmem:s18+$0x1530];
	v2 =	vmax.f32 v2, $0.0e+00  }
0xd0: {  	[tilespmem:s18+$0x6560] =	vst v2;
	v2 =	vmax.f32 v4, $0.0e+00;
	v4 =	vadd.f32 v7, v6;
	v7 =	vld [tilespmem:s18+$0x3D30]  }
0xd1: {  	v5 =	vld [tilespmem:s18+$0x3D40];
	v3 =	vadd.f32 v3, v8  }
0xd2: {  	[tilespmem:s18+$0x64F0] =	vst v2;
	v2 =	vld [tilespmem:s18+$0x1540];
	v4 =	vmax.f32 v4, $0.0e+00  }
0xd3: {  	v6 =	vld [tilespmem:s18+$0x3D50];
	v8 =	vadd.f32 v10, v9;
	[tilespmem:s18+$0x6500] =	vst v4;
	v4 =	vmax.f32 v3, $0.0e+00  }
0xd4: {  	s19 =	simm.s32 $0x80;
	v3 =	vld [tilespmem:s18+$0x1550];
	[tilespmem:s18+$0x6510] =	vst v4  }
0xd5: {  	s15 =	simm.s32 $0x400;
	v8 =	vmax.f32 v8, $0.0e+00;
	v7 =	vadd.f32 v7, v11;
	v4 =	vld [tilespmem:s19+$0x1560]  }
.LBB2_7:
0xd6: {  	p2 =	sne.s32 s15, $0x4E00;
	v9 =	vld [tilespmem:s19+$0x3D60];
	[tilespmem:s18+$0x6520] =	vst v8  }
0xd7: {  	v8 =	vld [tilespmem:s19+$0x14F0];
	v7 =	vmax.f32 v7, $0.0e+00;
	v2 =	vadd.f32 v5, v2  }
0xd8: {  	v5 =	vld [tilespmem:s19+$0x3CF0];
	[tilespmem:s18+$0x6530] =	vst v7  }
0xd9: {  	v7 =	vld [tilespmem:s19+$0x1500];
	v2 =	vmax.f32 v2, $0.0e+00;
	v3 =	vadd.f32 v6, v3  }
0xda: {  	v6 =	vld [tilespmem:s19+$0x3D00];
	[tilespmem:s18+$0x6540] =	vst v2  }
0xdb: {  	v2 =	vld [tilespmem:s19+$0x1510];
	v4 =	vadd.f32 v9, v4;
	v3 =	vmax.f32 v3, $0.0e+00  }
0xdc: {  	v9 =	vld [tilespmem:s19+$0x3D10];
	[tilespmem:s18+$0x6550] =	vst v3;
	s18 =	smov.u32 s19  }
0xdd: {  	v3 =	vadd.f32 v5, v8;
	v8 =	vld [tilespmem:s18+$0x1520];
	v4 =	vmax.f32 v4, $0.0e+00  }
0xde: {  	v10 =	vld [tilespmem:s18+$0x3D20];
	[tilespmem:s18+$0x6560] =	vst v4  }
0xdf: {  	v3 =	vmax.f32 v3, $0.0e+00;
	v4 =	vadd.f32 v6, v7;
	v7 =	vld [tilespmem:s18+$0x1530]  }
0xe0: {  	[tilespmem:s18+$0x64F0] =	vst v3;
	v11 =	vld [tilespmem:s18+$0x3D30]  }
.Ltmp4:
0xe1: {  	v3 =	vmax.f32 v4, $0.0e+00;
	v4 =	vadd.f32 v9, v2;
	v2 =	vld [tilespmem:s18+$0x1540];
	(pc) =	sbr.rel @p2 .LBB2_7-.Ltmp4, $4  }
0xe2: {  	[tilespmem:s18+$0x6500] =	vst v3;
	v5 =	vld [tilespmem:s18+$0x3D40]  }
0xe3: {  	v4 =	vmax.f32 v4, $0.0e+00;
	v8 =	vadd.f32 v10, v8;
	v3 =	vld [tilespmem:s18+$0x1550]  }
0xe4: {  	s19 =	sshra.s32 s15, $0x2;
	[tilespmem:s18+$0x6510] =	vst v4;
	v6 =	vld [tilespmem:s18+$0x3D50]  }
0xe5: {  	s15 =	sadd.s32 $0x200, s15;
	v4 =	vld [tilespmem:s19+$0x1560];
	v8 =	vmax.f32 v8, $0.0e+00;
	v7 =	vadd.f32 v11, v7  }
0xe6: {  	v9 =	vld [tilespmem:s19+$0x3D60];
	[tilespmem:s18+$0x6520] =	vst v8  }
0xe7: {  	v8 =	vld [tilespmem:s19+$0x14F0];
	v7 =	vmax.f32 v7, $0.0e+00;
	v2 =	vadd.f32 v5, v2  }
0xe8: {  	v10 =	vld [tilespmem:s19+$0x3CF0];
	[tilespmem:s18+$0x6530] =	vst v7  }
0xe9: {  	v54 =	vld [tilespmem:s19+$0x1500];
	v2 =	vmax.f32 v2, $0.0e+00;
	v3 =	vadd.f32 v6, v3  }
0xea: {  	v7 =	vld [tilespmem:s19+$0x3D00];
	[tilespmem:s18+$0x6540] =	vst v2  }
0xeb: {  	v2 =	vld [tilespmem:s19+$0x1510];
	v3 =	vmax.f32 v3, $0.0e+00  }
0xec: {  	v55 =	vld [tilespmem:s19+$0x3D10];
	[tilespmem:s18+$0x6550] =	vst v3  }
0xed: {  	v3 =	vld [tilespmem:s19+$0x1520]  }
0xee: {  	v56 =	vld [tilespmem:s19+$0x3D20]  }
0xef: {  	v58 =	vld [tilespmem:s19+$0x1530]  }
0xf0: {  	v59 =	vld [tilespmem:s19+$0x3D30]  }
0xf1: {  	v60 =	vld [tilespmem:s19+$0x1540];
	v2 =	vadd.f32 v55, v2  }
0xf2: {  	v61 =	vld [tilespmem:s19+$0x3D40]  }
0xf3: {  	v4 =	vadd.f32 v9, v4;
	v62 =	vld [tilespmem:s19+$0x1550];
	v2 =	vmax.f32 v2, $0.0e+00  }
0xf4: {  	v8 =	vadd.f32 v10, v8;
	[tilespmem:s19+$0x6510] =	vst v2;
	v2 =	vld [tilespmem:s19+$0x3D50]  }
0xf5: {  	v4 =	vmax.f32 v4, $0.0e+00;
	v5 =	vadd.f32 v7, v54  }
0xf6: {  	[tilespmem:s19+$0x6560] =	vst v4;
	v57 =	vmax.f32 v8, $0.0e+00;
	v3 =	vadd.f32 v56, v3  }
0xf7: {  	[tilespmem:s19+$0x64F0] =	vst v57;
	v5 =	vmax.f32 v5, $0.0e+00;
	v4 =	vadd.f32 v59, v58  }
0xf8: {  	[tilespmem:s19+$0x6500] =	vst v5;
	v5 =	vadd.f32 v61, v60;
	v3 =	vmax.f32 v3, $0.0e+00  }
0xf9: {  	[tilespmem:s19+$0x6520] =	vst v3;
	v3 =	vmax.f32 v4, $0.0e+00;
	v2 =	vadd.f32 v2, v62  }
0xfa: {  	[tilespmem:s19+$0x6530] =	vst v3;
	v3 =	vmax.f32 v5, $0.0e+00  }
0xfb: {  	[tilespmem:s19+$0x6540] =	vst v3;
	v2 =	vmax.f32 v2, $0.0e+00  }
0xfc: {  	[tilespmem:s19+$0x6550] =	vst v2  }
0xfd: {  	v2 =	vld [tilespmem:$0x78];
	_ =	sdelay $0x7  }
0xfe: {  	[tilespmem:v2+s21+$0x0] =	vst.idx.add.f32.msk $0xffff, v1  }
0xff: {  	v2 =	vld [tilespmem:$0x88];
	_ =	sdelay $0x7  }
0x100: {  	[tilespmem:v2+s21+$0x0] =	vst.idx.add.f32.msk $0xffff, v1  }
0x101: {  	v2 =	vld [tilespmem:$0x90];
	_ =	sdelay $0x7  }
0x102: {  	[tilespmem:v2+s21+$0x0] =	vst.idx.add.f32.msk vm0, v1  }
0x103: {  	v2 =	vld [tilespmem:$0x78]  }
0x104: {  	v3 =	vld [tilespmem:$0x88]  }
0x105: {  	v63 =	vld [tilespmem:$0x90];
	_ =	sdelay $0x1  }
.Ltmp5:
0x106: {  	_ = 	snop;
	(pc) =	sbr.rel @p1 .LBB2_10-.Ltmp5, $4  }
0x107: {  	[tilespmem:$0xC8] =	vst v2  }
0x108: {  	[tilespmem:$0xD8] =	vst v3  }
0x109: {  	[tilespmem:$0xE0] =	vst v63  }
0x10a: {  	[spmem:s2] =	stream.indirect.scatter.add.f32 [tilespmem:s11], [sflag:$0x8], $0x80, s10, s22, $0xb8;
	[tilespmem:$0x1D970] =	vst v63  }
0x10b: {  	s14 =	sadd.s32 s14, s17  }
.Ltmp6:
0x10c: {  	s14 =	sshrl.u32 s14, $0x3;
	(pc) =	sbr.rel .LBB2_4-.Ltmp6, $4  }
0x10d: {  	s15 =	sadd.s32 s6, s14  }
0x10e: {  	[tilespmem:s22], [sflag:$0x2] =	stream.linear.gather [hbm4b:s15+s4], $0x28, $0x38;
	[tilespmem:$0x1D970] =	vst v63  }
0x10f: {  	s13 =	sadd.s32 $0x1, s13;
	s14 =	sadd.s32 s7, s14  }
0x110: {  	[tilespmem:s23], [sflag:$0x2] =	stream.linear.gather [hbm4b:s14+s4], $0x28, $0x38;
	[tilespmem:$0x1D970] =	vst v63  }
.LBB2_11:
0x111: {  	_ =	sfence.sel $0x180000  }
0x112: {  	[bflag:$0x0] =	sbarrier.arrive $0xFFFF  }
0x113: {  	_ =	strace $0x9000004A  }
0x114: {  	s0 =	stileid.u32;
	[bflag:$0x2] =	sbarrier.arrive $0xFFFF  }
0x115: {  	p0 =	sne.s32 s0, $0x0;
	s0 =	rddreg [dreg:$0x3]  }
0x116: {  	s0 =	sadd.s32 @!p0 $0x100000, s0  }
0x117: {  	[sflag:s0] =	ssyncadd.tile.s32 @!p0 $0x1;
	_ =	shalt  }
.Lfunc_end2:
_tile_overlayer_lowered:
.L_overlay_start_2:
0x118: {  	(tag) =	ssettag $0x2  }
0x119: {  	s0 =	rddreg [dreg:$0x0];
	s2 =	stileid.u32  }
0x11a: {  	s1 =	rddreg [dreg:$0x1];
	p0 =	sne.s32 s2, $0x0  }
0x11b: {  	s3 =	rddreg [dreg:$0x2];
	[bflag:$0x3] =	sbarrier.arrive $0xFFFF;
	s2 =	simm.s32 @!p0 $0x1C09  }
0x11c: {  	[timem:s3], [sflag:s2] =	dma.local @!p0 [hbm:s0], s1  }
0x11d: {  	s0 =	simm.s32 @!p0 $0x9  }
0x11e: {  	_ =	swait.ge @!p0 [sflag:s0], s1  }
0x11f: {  	s1 =	ssub.s32 @!p0 $0x0, s1;
	[sflag:s0] =	ssyncset.done @!p0 $0x0  }
0x120: {  	[sflag:s0] =	ssyncadd.s32 @!p0 s1  }
0x121: {  	[bflag:$0x3] =	sbarrier.arrive $0xFFFF  }
0x122: {  	_ =	shalt  }

// kernel: kernel.9.cloned.1.call-start
scs
__scs_entry_jumppad:
0x0: {  	(pc) =	sbr.rel $0x88, $3  }
0x1: {  	(tag) =	ssettag $0x0;
	lr =	simm.s32 $0x1  }
0x2: {  	[smem:$0x3F92] =	sst lr;
	_ =	strace $0xD0000000  }
0x3: {  	_ = 	snop  }
0x4: {  	_ = 	snop  }
0x5: {  	_ = 	snop  }
0x6: {  	_ = 	snop  }
0x7: {  	_ = 	snop  }
__scs_overlays_trampoline_lowered:
0x8: {  	[smem:$0x3FA1] =	sst s0  }
0x9: {  	[smem:$0x3FA2] =	sst s1  }
0xa: {  	[smem:$0x3FA3] =	sst s2  }
0xb: {  	[smem:$0x3FA4] =	sst s3  }
0xc: {  	[smem:$0x3FA5] =	sst s4  }
0xd: {  	[smem:$0x3FA6] =	sst s5  }
0xe: {  	[smem:$0x3FA7] =	sst s6  }
0xf: {  	[smem:$0x3FA8] =	sst s7  }
0x10: {  	[smem:$0x3FA9] =	sst s8  }
0x11: {  	[smem:$0x3FAA] =	sst s9;
	s0 =	simm.s32 @!p0 $0x0  }
0x12: {  	s1 =	sld [smem:$0x3F90];
	s0 =	simm.s32 @p0 $0x1  }
0x13: {  	[smem:$0x3FAB] =	sst s0;
	s0 =	simm.s32 @!p1 $0x0  }
0x14: {  	s2 =	sld [smem:$0x3F8F];
	s0 =	simm.s32 @p1 $0x1  }
0x15: {  	[smem:$0x3FAC] =	sst s0;
	s0 =	simm.s32 @!p2 $0x0  }
0x16: {  	s3 =	sld [smem:$0x3FDB];
	s0 =	simm.s32 @p2 $0x1  }
0x17: {  	s4 =	simm.s32 $0x1BF5;
	[smem:$0x3FAE] =	sst s0  }
0x18: {  	s0 =	sld [smem:$0x3F91];
	_ =	swait.ge [sflag:s4], $0x0  }
0x19: {  	s7 =	sld [smem:$0x3F92]  }
0x1a: {  	s8 =	sadd.s32 $0xFFFFE003, lr  }
0x1b: {  	s9 =	sadd.s32 $0xFFFFFEF7, lr;
	s5 =	simm.s32 $0xFFFFFFFF;
	p2 =	slt.u32 s8, $0xFFFFF086  }
0x1c: {  	p1 =	slt.u32 s9, $0xF7A;
	s5 =	simm.s32 @!p2 $0x0  }
0x1d: {  	s5 =	simm.s32 @p1 $0x1;
	p0 =	seq.s32 s7, s2  }
0x1e: {  	s7 =	smul.u32 @!p0 $0xF7A, s2;
	p2 =	seq.s32 @!p0 s5, $0x0  }
0x1f: {  	s9 =	smul.u32 $0xF7A, s1;
	s8 =	simm.s32 @!p0 $0x1BF5;
	p2 =	por !p2, p0  }
0x20: {  	[sflag:s8] =	ssyncset.s32 @!p0 $0xFFFFF086;
	s6 =	sadd.s32 @!p0 s3, s7;
	s7 =	simm.s32 @!p0 $0x108  }
0x21: {  	s3 =	sadd.s32 s3, s9;
	s6 =	sadd.s32 @!p0 $0x88, s6;
	s7 =	simm.s32 @p2 $0x1082  }
0x22: {  	[simem:s7], [sflag:s8] =	dma.local @!p0 [hbm:s6], $0xF7A  }
0x23: {  	s9 =	sor.u32 $0xD0000000, s2;
	s6 =	simm.s32 $0x108;
	_ =	swait.ge @!p0 [sflag:s8], $0x0  }
0x24: {  	s3 =	sadd.s32 $0x88, s3;
	s6 =	simm.s32 @!p1 $0x1082;
	[sflag:s4] =	ssyncset.s32 $0xFFFFF086  }
0x25: {  	[simem:s6], [sflag:s4] =	dma.local [hbm:s3], $0xF7A  }
0x26: {  	[smem:$0x3F92] =	sst s1;
	(tag) =	ssettag s2;
	_ =	strace s9  }
0x27: {  	s1 =	sld [smem:$0x3FA2]  }
0x28: {  	s2 =	sld [smem:$0x3FA3]  }
0x29: {  	s4 =	sld [smem:$0x3FA5]  }
0x2a: {  	p0 =	seq.s32 s5, $0x0;
	s5 =	sld [smem:$0x3FA6]  }
0x2b: {  	s6 =	sld [smem:$0x3FA7]  }
0x2c: {  	s7 =	sld [smem:$0x3FA8]  }
0x2d: {  	s3 =	simm.s32 $0x108;
	s8 =	sld [smem:$0x3FA9]  }
0x2e: {  	s3 =	simm.s32 @!p0 $0x1082;
	s9 =	sld [smem:$0x3FAA]  }
0x2f: {  	lr =	sadd.s32 s0, s3;
	s0 =	sld [smem:$0x3FA1]  }
0x30: {  	s3 =	sld [smem:$0x3FA4]  }
0x31: {  	[smem:$0x3FAD] =	sst s10  }
0x32: {  	s10 =	sld [smem:$0x3FAB];
	_ =	sdelay $0x3  }
0x33: {  	p0 =	seq.s32 s10, $0x1;
	s10 =	sld [smem:$0x3FAD];
	_ =	sdelay $0x3  }
0x34: {  	[smem:$0x3FAD] =	sst s10  }
0x35: {  	s10 =	sld [smem:$0x3FAC];
	_ =	sdelay $0x3  }
0x36: {  	p1 =	seq.s32 s10, $0x1;
	s10 =	sld [smem:$0x3FAD];
	_ =	sdelay $0x3  }
0x37: {  	[smem:$0x3FAD] =	sst s10  }
0x38: {  	s10 =	sld [smem:$0x3FAE]  }
0x39: {  	_ = 	snop;
	(pc) =	sbr.ind lr, $3  }
0x3a: {  	_ = 	snop  }
0x3b: {  	_ = 	snop  }
0x3c: {  	p2 =	seq.s32 s10, $0x1;
	s10 =	sld [smem:$0x3FAD]  }
0x3d: {  	_ =	shalt  }
0x3e: {  	_ =	shalt  }
0x3f: {  	_ =	shalt  }
0x40: {  	_ =	shalt  }
0x41: {  	_ =	shalt  }
0x42: {  	_ =	shalt  }
0x43: {  	_ =	shalt  }
0x44: {  	_ =	shalt  }
0x45: {  	_ =	shalt  }
0x46: {  	_ =	shalt  }
0x47: {  	_ =	shalt  }
0x48: {  	_ =	shalt  }
0x49: {  	_ =	shalt  }
0x4a: {  	_ =	shalt  }
0x4b: {  	_ =	shalt  }
0x4c: {  	_ =	shalt  }
0x4d: {  	_ =	shalt  }
0x4e: {  	_ =	shalt  }
0x4f: {  	_ =	shalt  }
0x50: {  	_ =	shalt  }
0x51: {  	_ =	shalt  }
0x52: {  	_ =	shalt  }
0x53: {  	_ =	shalt  }
0x54: {  	_ =	shalt  }
0x55: {  	_ =	shalt  }
0x56: {  	_ =	shalt  }
0x57: {  	_ =	shalt  }
0x58: {  	_ =	shalt  }
0x59: {  	_ =	shalt  }
0x5a: {  	_ =	shalt  }
0x5b: {  	_ =	shalt  }
0x5c: {  	_ =	shalt  }
0x5d: {  	_ =	shalt  }
0x5e: {  	_ =	shalt  }
0x5f: {  	_ =	shalt  }
0x60: {  	_ =	shalt  }
0x61: {  	_ =	shalt  }
0x62: {  	_ =	shalt  }
0x63: {  	_ =	shalt  }
0x64: {  	_ =	shalt  }
0x65: {  	_ =	shalt  }
0x66: {  	_ =	shalt  }
0x67: {  	_ =	shalt  }
0x68: {  	_ =	shalt  }
0x69: {  	_ =	shalt  }
0x6a: {  	_ =	shalt  }
0x6b: {  	_ =	shalt  }
0x6c: {  	_ =	shalt  }
0x6d: {  	_ =	shalt  }
0x6e: {  	_ =	shalt  }
0x6f: {  	_ =	shalt  }
0x70: {  	_ =	shalt  }
0x71: {  	_ =	shalt  }
0x72: {  	_ =	shalt  }
0x73: {  	_ =	shalt  }
0x74: {  	_ =	shalt  }
0x75: {  	_ =	shalt  }
0x76: {  	_ =	shalt  }
0x77: {  	_ =	shalt  }
0x78: {  	_ =	shalt  }
0x79: {  	_ =	shalt  }
0x7a: {  	_ =	shalt  }
0x7b: {  	_ =	shalt  }
0x7c: {  	_ =	shalt  }
0x7d: {  	_ =	shalt  }
0x7e: {  	_ =	shalt  }
0x7f: {  	_ =	shalt  }
0x80: {  	_ =	shalt  }
0x81: {  	_ =	shalt  }
0x82: {  	_ =	shalt  }
0x83: {  	_ =	shalt  }
0x84: {  	_ =	shalt  }
0x85: {  	_ =	shalt  }
0x86: {  	_ =	shalt  }
0x87: {  	_ =	shalt  }
.Lfunc_end0:
.L_simem_size_0:
called_computation_lowered:
.L_overlay_start_0:
0x88: {  	s2 =	sld [smem:$0x3FD9]  }
0x89: {  	s3 =	sld [smem:$0x3FFE];
	_ =	sdelay $0x1  }
0x8a: {  	s1 =	srdreg.scid  }
0x8b: {  	s0 =	sand.u32 $0x1, s1  }
0x8c: {  	s17 =	sshll.u32 s0, $0xA;
	s2 =	sadd.s32 s3, s2  }
0x8d: {  	s2 =	sadd.s32 s2, s17  }
0x8e: {  	[smem:$0x3FB9] =	sst s2  }
0x8f: {  	_ = 	snop  }
0x90: {  	s2 =	sld [smem:$0x3FD0];
	(tm) =	ssettm $0x1  }
0x91: {  	s18 =	sld [smem:$0x3FFB];
	_ =	sdelay $0x3  }
0x92: {  	_ =	strace s18  }
0x93: {  	s3 =	sld [smem:$0x3FFC];
	_ =	sdelay $0x3  }
0x94: {  	_ =	strace s3  }
0x95: {  	s3 =	sld [smem:$0x3FFD];
	_ =	sdelay $0x3  }
0x96: {  	_ =	strace s3  }
0x97: {  	_ =	strace $0x8FFFFFFF  }
0x98: {  	s19 =	sld [smem:$0x3FDB];
	_ =	sdelay $0x1  }
0x99: {  	s4 =	simm.s32 $_scs_section_size  }
0x9a: {  	s5 =	simm.s32 $_size__tile_overlayer_lowered;
	s6 =	simm.s32 $_tile_overlayer_lowered  }
0x9b: {  	s22 =	simm.s32 $0x1BFF;
	s21 =	sshll.u32 s6, $0x1;
	s3 =	sadd.s32 s4, s19  }
0x9c: {  	s7 =	simm.s32 $0x0;
	s20 =	sshll.u32 s5, $0x1;
	s5 =	sadd.s32 s21, s3  }
0x9d: {  	[timem:s7], [sflag:s22] =	dma.local [hbm:s5], s20  }
0x9e: {  	_ =	swait.ge [sflag:s22], s20  }
0x9f: {  	s4 =	ssub.s32 $0x0, s20;
	[sflag:s22] =	ssyncset.done $0x0  }
0xa0: {  	[sflag:s22] =	ssyncadd.s32 s4;
	_ =	sdelay $0x1  }
0xa1: {  	s23 =	simm.s32 $0x1B8B  }
0xa2: {  	_ =	swait.ge [sflag:s23], $0x1  }
0xa3: {  	[sflag:s23] =	ssyncset.done $0x0  }
0xa4: {  	s25 =	simm.s32 $0x1B8E;
	s24 =	sld [smem:$0x3FFE];
	[sflag:s23] =	ssyncadd.s32 $0xFFFFFFFF  }
0xa5: {  	s26 =	simm.s32 $execute0_lowered;
	[smem:$0x3FD2] =	sst s25  }
0xa6: {  	s5 =	sshll.u32 s26, $0x1;
	_ =	strace $0x80000046;
	[dreg:$0x1] =	wrdreg $0xFFFFFFFF  }
0xa7: {  	s28 =	simm.s32 $_size_execute0_lowered;
	s3 =	sadd.s32 s3, s5;
	[dreg:$0x0] =	wrdreg $0x0  }
0xa8: {  	s5 =	sshll.u32 s28, $0x1;
	[dreg:$0x2] =	wrdreg s3  }
0xa9: {  	[dreg:$0x3] =	wrdreg s5  }
0xaa: {  	[dreg:$0x4] =	wrdreg $0xC0  }
0xab: {  	_ =	task [dreg:s7], $0x5FFFF  }
0xac: {  	[dreg:$0x1] =	wrdreg $0xFFFFFFFF  }
0xad: {  	[dreg:$0x0] =	wrdreg $0x60  }
0xae: {  	[dreg:$0x2] =	wrdreg s2  }
0xaf: {  	[dreg:$0x3] =	wrdreg s24  }
0xb0: {  	[dreg:$0x4] =	wrdreg $0xA0F00  }
0xb1: {  	[dreg:$0x5] =	wrdreg $0x9  }
0xb2: {  	_ =	task.clear_ibuf [dreg:s7], $0x6FFFF;
	_ =	strace $0x90000046  }
0xb3: {  	s29 =	simm.s32 $0x9;
	_ =	strace $0x80000048  }
0xb4: {  	_ =	swait.ge [sflag:s29], $0x1  }
0xb5: {  	[sflag:s29] =	ssyncadd.s32 $0xFFFFFFFF  }
0xb6: {  	_ =	strace $0x90000048  }
0xb7: {  	_ =	sfence  }
0xb8: {  	s30 =	sld [smem:$0x0];
	_ =	sdelay $0x2  }
0xb9: {  	s31 =	sshll.u32 s1, $0xD;
	s1 =	sshrl.u32 s1, $0x2  }
0xba: {  	s3 =	sand.u32 $0x4000, s31;
	s1 =	sadd.s32 s1, s30  }
0xbb: {  	s0 =	sor.u32 s3, s0;
	s1 =	sshll.u32 s1, $0x11  }
0xbc: {  	s0 =	sor.u32 s1, s0  }
0xbd: {  	s0 =	sadd.s32 $0x8F2B, s0  }
0xbe: {  	[sflag:s0] =	ssyncadd.remote.s32 $0x1  }
0xbf: {  	_ =	sfence.sel $0xFFFF  }
0xc0: {  	[dreg:$0x0] =	wrdreg $0xFFFFFFFF;
	(pc) =	sbr.abs _section_cstart, $3  }
0xc1: {  	[dreg:$0x1] =	wrdreg $0xFFFFFFFF  }
0xc2: {  	_ =	task.clear_ibuf [dreg:s7], $0x2FFFF;
	_ =	strace $0x9FFFFFFF  }
0xc3: {  	(tm) =	ssettm $0x7FFFFFFF  }
tec
execute0_lowered:
.L_overlay_start_1:
0x0: {  	(tag) =	ssettag $0x1  }
0x1: {  	s1 =	rddreg [dreg:$0x0]  }
0x2: {  	s0 =	rddreg [dreg:$0x1]  }
0x3: {  	s2 =	rddreg [dreg:$0x2];
	s4 =	simm.s32 $0x0;
	s14 =	stileid.u32  }
0x4: {  	s3 =	srdreg.scid;
	s28 =	simm.s32 $0x3;
	s29 =	simm.s32 $0x5  }
0x5: {  	s30 =	simm.s32 $0x2;
	s31 =	simm.s32 $0x14F0;
	s17 =	simm.s32 $0x0  }
0x6: {  	[smem:$0x7FF] =	sst s4;
	s5 =	sadd.s32 $0x4EB800, s0;
	s9 =	smul.u32 $0x1F400, s14  }
0x7: {  	s3 =	sand.u32 $0x1, s3;
	s6 =	sadd.s32 $0x4E7E00, s0;
	s7 =	sadd.s32 $0x4E4400, s0  }
0x8: {  	s10 =	sshll.u32 s14, $0x1;
	p0 =	sgt.u32 s14, $0x9;
	_ =	strace $0x80000047  }
0x9: {  	s8 =	smul.u32 $0x138800, s3;
	s10 =	sor.u32 s3, s10;
	s3 =	ssub.s32 $0x2, s3  }
0xa: {  	s11 =	sshrl.u32 s9, $0x3;
	s12 =	smul.u32 $0x500, s10;
	s19 =	sshrl.u32 s3, $0x1  }
0xb: {  	s11 =	sadd.s32 s11, s0;
	s8 =	sadd.s32 s9, s8;
	s3 =	ssub.s32 s3, s19  }
0xc: {  	s9 =	sadd.s32 s9, s2;
	s13 =	sshrl.u32 s8, $0x3;
	s8 =	smul.u32 $0xE10, s10  }
0xd: {  	[dreg:$0x4] =	wrdreg s9;
	s11 =	sadd.s32 $0x6AD800, s11;
	s10 =	smul.u32 $0xE100, s10  }
0xe: {  	s26 =	smax.u32 s3, $0x1;
	s3 =	simm.s32 $0x4;
	[dreg:$0x5] =	wrdreg s11  }
0xf: {  	s13 =	sadd.s32 s13, s0;
	s0 =	sadd.s32 s12, s0;
	[dreg:$0xd] =	wrdreg s26  }
0x10: {  	s26 =	simm.s32 $0x50F0;
	s11 =	simm.s32 $0x64F0;
	s20 =	sshrl.u32 s8, $0x3  }
0x11: {  	s12 =	sadd.s32 $0x28, s8;
	s16 =	sadd.s32 $0x78, s8;
	s0 =	sadd.s32 $0x6D4A00, s0  }
0x12: {  	s24 =	sadd.s32 s5, s10;
	s25 =	sadd.s32 $0x6DEA00, s13;
	s10 =	simm.s32 $0xC8  }
0x13: {  	s13 =	simm.s32 $0x8;
	s21 =	sadd.s32 s6, s20;
	[dreg:$0xa] =	wrdreg s24  }
0x14: {  	s9 =	sadd.s32 s7, s20;
	s22 =	sshrl.u32 s12, $0x3;
	[dreg:$0xb] =	wrdreg s0  }
.Ltmp0:
0x15: {  	[dreg:$0xc] =	wrdreg s25;
	s0 =	simm.s32 $0x3CF0;
	(pc) =	sbr.rel .LBB2_1-.Ltmp0, $4  }
0x16: {  	s25 =	simm.s32 $0xA0;
	s20 =	simm.s32 $0x0;
	[dreg:$0x6] =	wrdreg s21  }
0x17: {  	[dreg:$0x7] =	wrdreg s9;
	s23 =	sadd.s32 s6, s22;
	s9 =	sadd.s32 s7, s22  }
0x18: {  	s22 =	simm.s32 $0x28;
	s21 =	simm.s32 $0x78F0;
	[dreg:$0x8] =	wrdreg s23  }
0x19: {  	v0 =	vimm.f32 $0.0e+00;
	v1 =	vimm.f32 $1.000000000e+00;
	vm0 =	vcmask $0x3F20;
	[dreg:$0x9] =	wrdreg s9;
	s23 =	simm.s32 $0x78;
	s9 =	simm.s32 $0x6  }
.LBB2_10:
0x1a: {  	_ =	swait.ge [sflag:s13], $0x1400  }
0x1b: {  	[sflag:s13] =	ssyncset.done $0x0  }
0x1c: {  	s14 =	simm.s32 $0x7;
	[sflag:s13] =	ssyncadd.s32 $0xFFFFEC00  }
0x1d: {  	_ =	swait.ge [sflag:s14], $0x1400  }
0x1e: {  	[sflag:s14] =	ssyncset.done $0x0  }
0x1f: {  	s18 =	simm.s32 $0x9;
	s17 =	rddreg [dreg:$0xb];
	[sflag:s14] =	ssyncadd.s32 $0xFFFFEC00  }
0x20: {  	[hbm4b:s17+s4] =	stream.linear.scatter [tilespmem:s21], [sflag:$0x9], $0x2800, $0x38;
	[tilespmem:$0x1D970] =	vst v63  }
0x21: {  	_ =	swait.ge [sflag:s18], $0x2800  }
0x22: {  	[sflag:s18] =	ssyncset.done $0x0  }
0x23: {  	[sflag:s18] =	ssyncadd.s32 $0xFFFFD800  }
0x24: {  	[bflag:$0x0] =	sbarrier.arrive $0xFFFF  }
0x25: {  	s14 =	rddreg [dreg:$0xc]  }
0x26: {  	s15 =	rddreg [dreg:$0xf]  }
0x27: {  	s17 =	rddreg [dreg:$0x10]  }
0x28: {  	[hbm:s14], [sflag:s15] =	dma.local @!p0 [spmem:s17], $0x3E80  }
0x29: {  	s14 =	simm.s32 @!p0 $0x9  }
0x2a: {  	_ =	swait.ge @!p0 [sflag:s14], $0x3E80  }
0x2b: {  	s19 =	rddreg [dreg:$0xe]  }
0x2c: {  	s24 =	rddreg [dreg:$0xd];
	s17 =	sadd.s32 $0x1, s19  }
0x2d: {  	p1 =	sne.s32 s17, s24  }
.Ltmp1:
0x2e: {  	_ = 	snop;
	(pc) =	sbr.rel @!p1 .LBB2_11-.Ltmp1, $3  }
0x2f: {  	_ =	sdelay $0x1  }
0x30: {  	[sflag:s14] =	ssyncset.done @!p0 $0x0  }
0x31: {  	[sflag:s14] =	ssyncadd.s32 @!p0 $0xFFFFC180  }
.LBB2_1:
0x32: {  	[dreg:$0xe] =	wrdreg s17;
	s14 =	simm.s32 $0x40;
	s15 =	simm.s32 $0x0  }
.LBB2_2:
0x33: {  	p1 =	sne.s32 s14, $0x9FC0;
	[tilespmem:s15+$0x78F0] =	vst v0;
	s15 =	smov.u32 s14;
	s14 =	sadd.s32 $0x40, s14  }
.Ltmp2:
0x34: {  	(pc) =	sbr.rel @p1 .LBB2_2-.Ltmp2, $2  }
0x35: {  	_ =	sdelay $0x2  }
0x36: {  	s15 =	sshra.s32 s15, $0x2  }
0x37: {  	s14 =	stileid.u32  }
0x38: {  	s14 =	sshll.u32 @!p0 s14, $0x6  }
0x39: {  	[tilespmem:s15+$0x78F0] =	vst v0;
	s15 =	sor.u32 @!p0 $0x1C09, s14;
	s14 =	rddreg [dreg:$0x4]  }
0x3a: {  	s17 =	sshrl.u32 @!p0 s14, $0x3;
	s14 =	rddreg [dreg:$0x5]  }
0x3b: {  	[dreg:$0xf] =	wrdreg s15  }
0x3c: {  	[dreg:$0x10] =	wrdreg s17  }
0x3d: {  	[spmem:s17], [sflag:s15] =	dma.local @!p0 [hbm:s14], $0x3E80  }
0x3e: {  	s14 =	simm.s32 @!p0 $0x9  }
0x3f: {  	_ =	swait.ge @!p0 [sflag:s14], $0x3E80  }
0x40: {  	[sflag:s14] =	ssyncset.done @!p0 $0x0  }
0x41: {  	[sflag:s14] =	ssyncadd.s32 @!p0 $0xFFFFC180  }
0x42: {  	[bflag:$0x0] =	sbarrier.arrive $0xFFFF  }
0x43: {  	s17 =	rddreg [dreg:$0x6]  }
0x44: {  	[tilespmem:s20], [sflag:$0x1] =	stream.linear.gather [hbm4b:s17+s20], $0x28, $0x38;
	[tilespmem:$0x1D970] =	vst v63  }
0x45: {  	s19 =	simm.s32 $0x50;
	s18 =	rddreg [dreg:$0x7]  }
0x46: {  	[tilespmem:s19], [sflag:$0x1] =	stream.linear.gather [hbm4b:s18+s20], $0x28, $0x38;
	[tilespmem:$0x1D970] =	vst v63  }
0x47: {  	s24 =	rddreg [dreg:$0x8]  }
0x48: {  	[tilespmem:s22], [sflag:$0x2] =	stream.linear.gather [hbm4b:s24+s20], $0x28, $0x38;
	[tilespmem:$0x1D970] =	vst v63  }
0x49: {  	s15 =	rddreg [dreg:$0x9];
	s17 =	simm.s32 $0x1  }
0x4a: {  	[tilespmem:s23], [sflag:$0x2] =	stream.linear.gather [hbm4b:s15+s20], $0x28, $0x38;
	[tilespmem:$0x1D970] =	vst v63  }
0x4b: {  	_ =	swait.ge [sflag:s17], $0x28  }
0x4c: {  	[sflag:s17] =	ssyncset.done $0x0  }
0x4d: {  	[sflag:s17] =	ssyncadd.s32 $0xFFFFFFD8  }
0x4e: {  	_ =	swait.ge [sflag:s17], $0x28  }
0x4f: {  	[sflag:s17] =	ssyncset.done $0x0  }
0x50: {  	s18 =	simm.s32 $0xF0;
	[sflag:s17] =	ssyncadd.s32 $0xFFFFFFD8  }
0x51: {  	[tilespmem:s18], [sflag:$0x3] =	stream.indirect.gather [hbm4b:s1+s22], $0x80, s20, s22, $0xb8;
	[tilespmem:$0x1D970] =	vst v63  }
0x52: {  	s14 =	simm.s32 $0x0;
	s24 =	simm.s32 $0x28F0;
	s19 =	rddreg [dreg:$0xa]  }
0x53: {  	[tilespmem:s24], [sflag:$0x5] =	stream.linear.gather [hbm4b:s19+s20], $0x1400, $0x38;
	[tilespmem:$0x1D970] =	vst v63  }
.LBB2_4:
0x54: {  	p1 =	seq.s32 s14, $0x0  }
0x55: {  	s15 =	simm.s32 @!p1 $0x7  }
0x56: {  	_ =	swait.ge @!p1 [sflag:s15], $0x1400  }
0x57: {  	[sflag:s15] =	ssyncset.done @!p1 $0x0  }
0x58: {  	[sflag:s15] =	ssyncadd.s32 @!p1 $0xFFFFEC00  }
0x59: {  	_ =	swait.ge [sflag:s28], $0x1400  }
0x5a: {  	[sflag:s28] =	ssyncset.done $0x0  }
0x5b: {  	[sflag:s28] =	ssyncadd.s32 $0xFFFFEC00  }
0x5c: {  	_ =	swait.ge [sflag:s29], $0x1400  }
0x5d: {  	[sflag:s29] =	ssyncset.done $0x0  }
0x5e: {  	[sflag:s29] =	ssyncadd.s32 $0xFFFFEC00  }
0x5f: {  	_ =	swait.ge [sflag:s30], $0x28  }
0x60: {  	s15 =	smul.u32 $0x50, s14;
	[sflag:s30] =	ssyncset.done $0x0  }
0x61: {  	[sflag:s30] =	ssyncadd.s32 $0xFFFFFFD8  }
0x62: {  	s17 =	sadd.s32 s15, s12;
	_ =	swait.ge [sflag:s30], $0x28  }
0x63: {  	s17 =	sshll.u32 s17, $0x4;
	[sflag:s30] =	ssyncset.done $0x0  }
0x64: {  	s17 =	sand.u32 $0x1FFFFF80, s17;
	[sflag:s30] =	ssyncadd.s32 $0xFFFFFFD8  }
0x65: {  	[tilespmem:s31], [sflag:$0x4] =	stream.indirect.gather [hbm4b:s1+s22], $0x80, s22, s22, $0xb8;
	[tilespmem:$0x1D970] =	vst v63  }
0x66: {  	s18 =	simm.s32 $0x0;
	s17 =	sadd.s32 s5, s17  }
0x67: {  	[tilespmem:s0], [sflag:$0x6] =	stream.linear.gather [hbm4b:s17+s20], $0x1400, $0x38;
	[tilespmem:$0x1D970] =	vst v63  }
0x68: {  	v2 =	vld [tilespmem:s18+$0x160]  }
0x69: {  	v3 =	vld [tilespmem:s18+$0x2960]  }
0x6a: {  	v4 =	vld [tilespmem:s18+$0xF0]  }
0x6b: {  	v5 =	vld [tilespmem:s18+$0x28F0]  }
0x6c: {  	v6 =	vld [tilespmem:s18+$0x100]  }
0x6d: {  	v7 =	vld [tilespmem:s18+$0x2900]  }
0x6e: {  	v8 =	vld [tilespmem:s18+$0x110]  }
0x6f: {  	v2 =	vadd.f32 v3, v2;
	v3 =	vld [tilespmem:s18+$0x2910]  }
0x70: {  	v9 =	vld [tilespmem:s18+$0x120]  }
0x71: {  	v10 =	vld [tilespmem:s18+$0x2920];
	v4 =	vadd.f32 v5, v4  }
0x72: {  	v11 =	vld [tilespmem:s18+$0x130];
	v2 =	vmax.f32 v2, $0.0e+00  }
0x73: {  	[tilespmem:s18+$0x5160] =	vst v2;
	v2 =	vmax.f32 v4, $0.0e+00;
	v4 =	vadd.f32 v7, v6;
	v7 =	vld [tilespmem:s18+$0x2930]  }
0x74: {  	v5 =	vld [tilespmem:s18+$0x2940];
	v3 =	vadd.f32 v3, v8  }
0x75: {  	[tilespmem:s18+$0x50F0] =	vst v2;
	v2 =	vld [tilespmem:s18+$0x140];
	v4 =	vmax.f32 v4, $0.0e+00  }
0x76: {  	v6 =	vld [tilespmem:s18+$0x2950];
	v8 =	vadd.f32 v10, v9;
	[tilespmem:s18+$0x5100] =	vst v4;
	v4 =	vmax.f32 v3, $0.0e+00  }
0x77: {  	s24 =	sshll.u32 s14, $0x1;
	s19 =	simm.s32 $0x80;
	v3 =	vld [tilespmem:s18+$0x150];
	[tilespmem:s18+$0x5110] =	vst v4  }
0x78: {  	s24 =	sadd.s32 $0x2, s24;
	s17 =	simm.s32 $0x400;
	v8 =	vmax.f32 v8, $0.0e+00;
	v7 =	vadd.f32 v7, v11;
	v4 =	vld [tilespmem:s19+$0x160]  }
.LBB2_5:
0x79: {  	p1 =	sne.s32 s17, $0x4E00;
	v9 =	vld [tilespmem:s19+$0x2960];
	[tilespmem:s18+$0x5120] =	vst v8  }
0x7a: {  	v8 =	vld [tilespmem:s19+$0xF0];
	v7 =	vmax.f32 v7, $0.0e+00;
	v2 =	vadd.f32 v5, v2  }
0x7b: {  	v5 =	vld [tilespmem:s19+$0x28F0];
	[tilespmem:s18+$0x5130] =	vst v7  }
0x7c: {  	v7 =	vld [tilespmem:s19+$0x100];
	v2 =	vmax.f32 v2, $0.0e+00;
	v3 =	vadd.f32 v6, v3  }
0x7d: {  	v6 =	vld [tilespmem:s19+$0x2900];
	[tilespmem:s18+$0x5140] =	vst v2  }
0x7e: {  	v2 =	vld [tilespmem:s19+$0x110];
	v4 =	vadd.f32 v9, v4;
	v3 =	vmax.f32 v3, $0.0e+00  }
0x7f: {  	v9 =	vld [tilespmem:s19+$0x2910];
	[tilespmem:s18+$0x5150] =	vst v3;
	s18 =	smov.u32 s19  }
0x80: {  	v3 =	vadd.f32 v5, v8;
	v8 =	vld [tilespmem:s18+$0x120];
	v4 =	vmax.f32 v4, $0.0e+00  }
0x81: {  	v10 =	vld [tilespmem:s18+$0x2920];
	[tilespmem:s18+$0x5160] =	vst v4  }
0x82: {  	v3 =	vmax.f32 v3, $0.0e+00;
	v4 =	vadd.f32 v6, v7;
	v7 =	vld [tilespmem:s18+$0x130]  }
0x83: {  	[tilespmem:s18+$0x50F0] =	vst v3;
	v11 =	vld [tilespmem:s18+$0x2930]  }
.Ltmp3:
0x84: {  	v3 =	vmax.f32 v4, $0.0e+00;
	v4 =	vadd.f32 v9, v2;
	v2 =	vld [tilespmem:s18+$0x140];
	(pc) =	sbr.rel @p1 .LBB2_5-.Ltmp3, $4  }
0x85: {  	[tilespmem:s18+$0x5100] =	vst v3;
	v5 =	vld [tilespmem:s18+$0x2940]  }
0x86: {  	v4 =	vmax.f32 v4, $0.0e+00;
	v8 =	vadd.f32 v10, v8;
	v3 =	vld [tilespmem:s18+$0x150]  }
0x87: {  	s19 =	sshra.s32 s17, $0x2;
	[tilespmem:s18+$0x5110] =	vst v4;
	v6 =	vld [tilespmem:s18+$0x2950]  }
0x88: {  	s17 =	sadd.s32 $0x200, s17;
	v4 =	vld [tilespmem:s19+$0x160];
	v8 =	vmax.f32 v8, $0.0e+00;
	v7 =	vadd.f32 v11, v7  }
0x89: {  	v9 =	vld [tilespmem:s19+$0x2960];
	[tilespmem:s18+$0x5120] =	vst v8  }
0x8a: {  	v8 =	vld [tilespmem:s19+$0xF0];
	v7 =	vmax.f32 v7, $0.0e+00;
	v2 =	vadd.f32 v5, v2  }
0x8b: {  	v10 =	vld [tilespmem:s19+$0x28F0];
	[tilespmem:s18+$0x5130] =	vst v7  }
0x8c: {  	v5 =	vld [tilespmem:s19+$0x100];
	v2 =	vmax.f32 v2, $0.0e+00;
	v3 =	vadd.f32 v6, v3  }
0x8d: {  	v7 =	vld [tilespmem:s19+$0x2900];
	[tilespmem:s18+$0x5140] =	vst v2  }
0x8e: {  	v2 =	vld [tilespmem:s19+$0x110];
	v3 =	vmax.f32 v3, $0.0e+00  }
0x8f: {  	v6 =	vld [tilespmem:s19+$0x2910];
	v4 =	vadd.f32 v9, v4;
	[tilespmem:s18+$0x5150] =	vst v3  }
0x90: {  	v8 =	vadd.f32 v10, v8;
	v3 =	vld [tilespmem:s19+$0x120]  }
0x91: {  	v4 =	vmax.f32 v4, $0.0e+00;
	v9 =	vld [tilespmem:s19+$0x2920]  }
0x92: {  	[tilespmem:s19+$0x5160] =	vst v4;
	v4 =	vmax.f32 v8, $0.0e+00;
	v8 =	vld [tilespmem:s19+$0x130]  }
0x93: {  	v5 =	vadd.f32 v7, v5;
	v7 =	vld [tilespmem:s19+$0x140]  }
0x94: {  	[tilespmem:s19+$0x50F0] =	vst v4;
	v4 =	vld [tilespmem:s19+$0x2930];
	v2 =	vadd.f32 v6, v2  }
0x95: {  	v5 =	vmax.f32 v5, $0.0e+00;
	v6 =	vld [tilespmem:s19+$0x150]  }
0x96: {  	[tilespmem:s19+$0x5100] =	vst v5;
	v5 =	vld [tilespmem:s19+$0x2940];
	v2 =	vmax.f32 v2, $0.0e+00  }
0x97: {  	[tilespmem:s19+$0x5110] =	vst v2;
	v2 =	vld [tilespmem:s19+$0x2950];
	_ =	sdelay $0x1  }
0x98: {  	v3 =	vadd.f32 v9, v3  }
0x99: {  	v4 =	vadd.f32 v4, v8  }
0x9a: {  	v3 =	vmax.f32 v3, $0.0e+00;
	v5 =	vadd.f32 v5, v7  }
0x9b: {  	[tilespmem:s19+$0x5120] =	vst v3;
	v3 =	vmax.f32 v4, $0.0e+00;
	v2 =	vadd.f32 v2, v6  }
0x9c: {  	[tilespmem:s19+$0x5130] =	vst v3;
	v3 =	vmax.f32 v5, $0.0e+00  }
0x9d: {  	[tilespmem:s19+$0x5140] =	vst v3;
	v2 =	vmax.f32 v2, $0.0e+00  }
0x9e: {  	[tilespmem:s19+$0x5150] =	vst v2  }
0x9f: {  	v2 =	vld [tilespmem:$0x50];
	_ =	sdelay $0x7  }
0xa0: {  	[tilespmem:v2+s21+$0x0] =	vst.idx.add.f32.msk $0xffff, v1  }
0xa1: {  	v2 =	vld [tilespmem:$0x60];
	_ =	sdelay $0x7  }
0xa2: {  	[tilespmem:v2+s21+$0x0] =	vst.idx.add.f32.msk $0xffff, v1  }
0xa3: {  	v2 =	vld [tilespmem:$0x68];
	_ =	sdelay $0x7  }
0xa4: {  	[tilespmem:v2+s21+$0x0] =	vst.idx.add.f32.msk vm0, v1  }
0xa5: {  	v2 =	vld [tilespmem:$0x50]  }
0xa6: {  	v3 =	vld [tilespmem:$0x60]  }
0xa7: {  	v4 =	vld [tilespmem:$0x68]  }
0xa8: {  	p1 =	seq.s32 s14, $0x2C  }
0xa9: {  	s17 =	smul.u32 @!p1 $0x28, s24  }
0xaa: {  	[tilespmem:$0xA0] =	vst v2  }
0xab: {  	s18 =	sadd.s32 @!p1 s8, s17;
	[tilespmem:$0xB0] =	vst v3  }
0xac: {  	s19 =	sshrl.u32 @!p1 s18, $0x3;
	[tilespmem:$0xB8] =	vst v4  }
0xad: {  	[spmem:s2] =	stream.indirect.scatter.add.f32 [tilespmem:s26], [sflag:$0x7], $0x80, s25, s22, $0xb8;
	[tilespmem:$0x1D970] =	vst v63  }
0xae: {  	p2 =	seq.s32 @!p1 s14, $0x0;
	s17 =	simm.s32 @!p1 $0x0;
	s24 =	sadd.s32 @!p1 s6, s19  }
0xaf: {  	[tilespmem:s17], [sflag:$0x1] =	stream.linear.gather @!p1 [hbm4b:s24+s17], $0x28, $0x38;
	[tilespmem:$0x1D970] =	vst v63  }
0xb0: {  	p2 =	por p1, !p2;
	s19 =	sadd.s32 @!p1 s7, s19;
	s24 =	simm.s32 @!p1 $0x50  }
0xb1: {  	[tilespmem:s24], [sflag:$0x1] =	stream.linear.gather @!p1 [hbm4b:s19+s17], $0x28, $0x38;
	[tilespmem:$0x1D970] =	vst v63  }
0xb2: {  	_ =	swait.ge @p2 [sflag:s13], $0x1400  }
0xb3: {  	[sflag:s13] =	ssyncset.done @p2 $0x0  }
0xb4: {  	[sflag:s13] =	ssyncadd.s32 @p2 $0xFFFFEC00  }
0xb5: {  	_ =	swait.ge [sflag:s3], $0x1400  }
0xb6: {  	[sflag:s3] =	ssyncset.done $0x0  }
0xb7: {  	[sflag:s3] =	ssyncadd.s32 $0xFFFFEC00  }
0xb8: {  	_ =	swait.ge [sflag:s9], $0x1400  }
0xb9: {  	[sflag:s9] =	ssyncset.done $0x0  }
0xba: {  	s19 =	simm.s32 @!p1 $0x1;
	[sflag:s9] =	ssyncadd.s32 $0xFFFFEC00  }
0xbb: {  	_ =	swait.ge @!p1 [sflag:s19], $0x28  }
0xbc: {  	[sflag:s19] =	ssyncset.done @!p1 $0x0  }
0xbd: {  	[sflag:s19] =	ssyncadd.s32 @!p1 $0xFFFFFFD8  }
0xbe: {  	s18 =	sshll.u32 @!p1 s18, $0x4;
	_ =	swait.ge @!p1 [sflag:s19], $0x28  }
0xbf: {  	s18 =	sand.u32 @!p1 $0x1FFFFF00, s18;
	[sflag:s19] =	ssyncset.done @!p1 $0x0  }
0xc0: {  	s24 =	simm.s32 @!p1 $0xF0;
	[sflag:s19] =	ssyncadd.s32 @!p1 $0xFFFFFFD8;
	s19 =	simm.s32 @!p1 $0x28  }
0xc1: {  	[tilespmem:s24], [sflag:$0x3] =	stream.indirect.gather @!p1 [hbm4b:s1+s19], $0x80, s17, s19, $0xb8;
	[tilespmem:$0x1D970] =	vst v63  }
0xc2: {  	s18 =	sadd.s32 @!p1 s5, s18;
	s19 =	simm.s32 @!p1 $0x28F0  }
0xc3: {  	[tilespmem:s19], [sflag:$0x5] =	stream.linear.gather @!p1 [hbm4b:s18+s17], $0x1400, $0x38;
	[tilespmem:$0x1D970] =	vst v63  }
0xc4: {  	s18 =	simm.s32 $0x0  }
0xc5: {  	v2 =	vld [tilespmem:s18+$0x1560]  }
0xc6: {  	v3 =	vld [tilespmem:s18+$0x3D60]  }
0xc7: {  	v4 =	vld [tilespmem:s18+$0x14F0]  }
0xc8: {  	v5 =	vld [tilespmem:s18+$0x3CF0]  }
0xc9: {  	v6 =	vld [tilespmem:s18+$0x1500]  }
0xca: {  	v7 =	vld [tilespmem:s18+$0x3D00]  }
0xcb: {  	v8 =	vld [tilespmem:s18+$0x1510]  }
0xcc: {  	v2 =	vadd.f32 v3, v2;
	v3 =	vld [tilespmem:s18+$0x3D10]  }
0xcd: {  	v9 =	vld [tilespmem:s18+$0x1520]  }
0xce: {  	v10 =	vld [tilespmem:s18+$0x3D20];
	v4 =	vadd.f32 v5, v4  }
0xcf: {  	v11 =	vld [tilespmem:s18+$0x1530];
	v2 =	vmax.f32 v2, $0.0e+00  }
0xd0: {  	[tilespmem:s18+$0x6560] =	vst v2;
	v2 =	vmax.f32 v4, $0.0e+00;
	v4 =	vadd.f32 v7, v6;
	v7 =	vld [tilespmem:s18+$0x3D30]  }
0xd1: {  	v5 =	vld [tilespmem:s18+$0x3D40];
	v3 =	vadd.f32 v3, v8  }
0xd2: {  	[tilespmem:s18+$0x64F0] =	vst v2;
	v2 =	vld [tilespmem:s18+$0x1540];
	v4 =	vmax.f32 v4, $0.0e+00  }
0xd3: {  	v6 =	vld [tilespmem:s18+$0x3D50];
	v8 =	vadd.f32 v10, v9;
	[tilespmem:s18+$0x6500] =	vst v4;
	v4 =	vmax.f32 v3, $0.0e+00  }
0xd4: {  	s19 =	simm.s32 $0x80;
	v3 =	vld [tilespmem:s18+$0x1550];
	[tilespmem:s18+$0x6510] =	vst v4  }
0xd5: {  	s17 =	simm.s32 $0x400;
	v8 =	vmax.f32 v8, $0.0e+00;
	v7 =	vadd.f32 v7, v11;
	v4 =	vld [tilespmem:s19+$0x1560]  }
.LBB2_7:
0xd6: {  	p2 =	sne.s32 s17, $0x4E00;
	v9 =	vld [tilespmem:s19+$0x3D60];
	[tilespmem:s18+$0x6520] =	vst v8  }
0xd7: {  	v8 =	vld [tilespmem:s19+$0x14F0];
	v7 =	vmax.f32 v7, $0.0e+00;
	v2 =	vadd.f32 v5, v2  }
0xd8: {  	v5 =	vld [tilespmem:s19+$0x3CF0];
	[tilespmem:s18+$0x6530] =	vst v7  }
0xd9: {  	v7 =	vld [tilespmem:s19+$0x1500];
	v2 =	vmax.f32 v2, $0.0e+00;
	v3 =	vadd.f32 v6, v3  }
0xda: {  	v6 =	vld [tilespmem:s19+$0x3D00];
	[tilespmem:s18+$0x6540] =	vst v2  }
0xdb: {  	v2 =	vld [tilespmem:s19+$0x1510];
	v4 =	vadd.f32 v9, v4;
	v3 =	vmax.f32 v3, $0.0e+00  }
0xdc: {  	v9 =	vld [tilespmem:s19+$0x3D10];
	[tilespmem:s18+$0x6550] =	vst v3;
	s18 =	smov.u32 s19  }
0xdd: {  	v3 =	vadd.f32 v5, v8;
	v8 =	vld [tilespmem:s18+$0x1520];
	v4 =	vmax.f32 v4, $0.0e+00  }
0xde: {  	v10 =	vld [tilespmem:s18+$0x3D20];
	[tilespmem:s18+$0x6560] =	vst v4  }
0xdf: {  	v3 =	vmax.f32 v3, $0.0e+00;
	v4 =	vadd.f32 v6, v7;
	v7 =	vld [tilespmem:s18+$0x1530]  }
0xe0: {  	[tilespmem:s18+$0x64F0] =	vst v3;
	v11 =	vld [tilespmem:s18+$0x3D30]  }
.Ltmp4:
0xe1: {  	v3 =	vmax.f32 v4, $0.0e+00;
	v4 =	vadd.f32 v9, v2;
	v2 =	vld [tilespmem:s18+$0x1540];
	(pc) =	sbr.rel @p2 .LBB2_7-.Ltmp4, $4  }
0xe2: {  	[tilespmem:s18+$0x6500] =	vst v3;
	v5 =	vld [tilespmem:s18+$0x3D40]  }
0xe3: {  	v4 =	vmax.f32 v4, $0.0e+00;
	v8 =	vadd.f32 v10, v8;
	v3 =	vld [tilespmem:s18+$0x1550]  }
0xe4: {  	s19 =	sshra.s32 s17, $0x2;
	[tilespmem:s18+$0x6510] =	vst v4;
	v6 =	vld [tilespmem:s18+$0x3D50]  }
0xe5: {  	s17 =	sadd.s32 $0x200, s17;
	v4 =	vld [tilespmem:s19+$0x1560];
	v8 =	vmax.f32 v8, $0.0e+00;
	v7 =	vadd.f32 v11, v7  }
0xe6: {  	v9 =	vld [tilespmem:s19+$0x3D60];
	[tilespmem:s18+$0x6520] =	vst v8  }
0xe7: {  	v8 =	vld [tilespmem:s19+$0x14F0];
	v7 =	vmax.f32 v7, $0.0e+00;
	v2 =	vadd.f32 v5, v2  }
0xe8: {  	v10 =	vld [tilespmem:s19+$0x3CF0];
	[tilespmem:s18+$0x6530] =	vst v7  }
0xe9: {  	v54 =	vld [tilespmem:s19+$0x1500];
	v2 =	vmax.f32 v2, $0.0e+00;
	v3 =	vadd.f32 v6, v3  }
0xea: {  	v7 =	vld [tilespmem:s19+$0x3D00];
	[tilespmem:s18+$0x6540] =	vst v2  }
0xeb: {  	v2 =	vld [tilespmem:s19+$0x1510];
	v3 =	vmax.f32 v3, $0.0e+00  }
0xec: {  	v55 =	vld [tilespmem:s19+$0x3D10];
	[tilespmem:s18+$0x6550] =	vst v3  }
0xed: {  	v3 =	vld [tilespmem:s19+$0x1520]  }
0xee: {  	v56 =	vld [tilespmem:s19+$0x3D20]  }
0xef: {  	v58 =	vld [tilespmem:s19+$0x1530]  }
0xf0: {  	v59 =	vld [tilespmem:s19+$0x3D30]  }
0xf1: {  	v60 =	vld [tilespmem:s19+$0x1540];
	v2 =	vadd.f32 v55, v2  }
0xf2: {  	v61 =	vld [tilespmem:s19+$0x3D40]  }
0xf3: {  	v4 =	vadd.f32 v9, v4;
	v62 =	vld [tilespmem:s19+$0x1550];
	v2 =	vmax.f32 v2, $0.0e+00  }
0xf4: {  	v8 =	vadd.f32 v10, v8;
	[tilespmem:s19+$0x6510] =	vst v2;
	v2 =	vld [tilespmem:s19+$0x3D50]  }
0xf5: {  	v4 =	vmax.f32 v4, $0.0e+00;
	v5 =	vadd.f32 v7, v54  }
0xf6: {  	[tilespmem:s19+$0x6560] =	vst v4;
	v57 =	vmax.f32 v8, $0.0e+00;
	v3 =	vadd.f32 v56, v3  }
0xf7: {  	[tilespmem:s19+$0x64F0] =	vst v57;
	v5 =	vmax.f32 v5, $0.0e+00;
	v4 =	vadd.f32 v59, v58  }
0xf8: {  	[tilespmem:s19+$0x6500] =	vst v5;
	v5 =	vadd.f32 v61, v60;
	v3 =	vmax.f32 v3, $0.0e+00  }
0xf9: {  	[tilespmem:s19+$0x6520] =	vst v3;
	v3 =	vmax.f32 v4, $0.0e+00;
	v2 =	vadd.f32 v2, v62  }
0xfa: {  	[tilespmem:s19+$0x6530] =	vst v3;
	v3 =	vmax.f32 v5, $0.0e+00  }
0xfb: {  	[tilespmem:s19+$0x6540] =	vst v3;
	v2 =	vmax.f32 v2, $0.0e+00  }
0xfc: {  	[tilespmem:s19+$0x6550] =	vst v2  }
0xfd: {  	v2 =	vld [tilespmem:$0x78];
	_ =	sdelay $0x7  }
0xfe: {  	[tilespmem:v2+s21+$0x0] =	vst.idx.add.f32.msk $0xffff, v1  }
0xff: {  	v2 =	vld [tilespmem:$0x88];
	_ =	sdelay $0x7  }
0x100: {  	[tilespmem:v2+s21+$0x0] =	vst.idx.add.f32.msk $0xffff, v1  }
0x101: {  	v2 =	vld [tilespmem:$0x90];
	_ =	sdelay $0x7  }
0x102: {  	[tilespmem:v2+s21+$0x0] =	vst.idx.add.f32.msk vm0, v1  }
0x103: {  	v2 =	vld [tilespmem:$0x78]  }
0x104: {  	v3 =	vld [tilespmem:$0x88]  }
0x105: {  	v63 =	vld [tilespmem:$0x90];
	_ =	sdelay $0x1  }
.Ltmp5:
0x106: {  	_ = 	snop;
	(pc) =	sbr.rel @p1 .LBB2_10-.Ltmp5, $4  }
0x107: {  	[tilespmem:$0xC8] =	vst v2  }
0x108: {  	[tilespmem:$0xD8] =	vst v3  }
0x109: {  	[tilespmem:$0xE0] =	vst v63  }
0x10a: {  	[spmem:s2] =	stream.indirect.scatter.add.f32 [tilespmem:s11], [sflag:$0x8], $0x80, s10, s22, $0xb8;
	[tilespmem:$0x1D970] =	vst v63  }
0x10b: {  	s15 =	sadd.s32 s15, s16  }
.Ltmp6:
0x10c: {  	s15 =	sshrl.u32 s15, $0x3;
	(pc) =	sbr.rel .LBB2_4-.Ltmp6, $4  }
0x10d: {  	s17 =	sadd.s32 s6, s15  }
0x10e: {  	[tilespmem:s22], [sflag:$0x2] =	stream.linear.gather [hbm4b:s17+s4], $0x28, $0x38;
	[tilespmem:$0x1D970] =	vst v63  }
0x10f: {  	s14 =	sadd.s32 $0x1, s14;
	s15 =	sadd.s32 s7, s15  }
0x110: {  	[tilespmem:s23], [sflag:$0x2] =	stream.linear.gather [hbm4b:s15+s4], $0x28, $0x38;
	[tilespmem:$0x1D970] =	vst v63  }
.LBB2_11:
0x111: {  	_ =	sfence.sel $0x180000  }
0x112: {  	[bflag:$0x0] =	sbarrier.arrive $0xFFFF  }
0x113: {  	_ =	strace $0x90000047  }
0x114: {  	s0 =	stileid.u32;
	[bflag:$0x2] =	sbarrier.arrive $0xFFFF  }
0x115: {  	p0 =	sne.s32 s0, $0x0;
	s0 =	rddreg [dreg:$0x3]  }
0x116: {  	s0 =	sadd.s32 @!p0 $0x100000, s0  }
0x117: {  	[sflag:s0] =	ssyncadd.tile.s32 @!p0 $0x1;
	_ =	shalt  }
.Lfunc_end2:
_tile_overlayer_lowered:
.L_overlay_start_2:
0x118: {  	(tag) =	ssettag $0x2  }
0x119: {  	s0 =	rddreg [dreg:$0x0];
	s2 =	stileid.u32  }
0x11a: {  	s1 =	rddreg [dreg:$0x1];
	p0 =	sne.s32 s2, $0x0  }
0x11b: {  	s3 =	rddreg [dreg:$0x2];
	[bflag:$0x3] =	sbarrier.arrive $0xFFFF;
	s2 =	simm.s32 @!p0 $0x1C09  }
0x11c: {  	[timem:s3], [sflag:s2] =	dma.local @!p0 [hbm:s0], s1  }
0x11d: {  	s0 =	simm.s32 @!p0 $0x9  }
0x11e: {  	_ =	swait.ge @!p0 [sflag:s0], s1  }
0x11f: {  	s1 =	ssub.s32 @!p0 $0x0, s1;
	[sflag:s0] =	ssyncset.done @!p0 $0x0  }
0x120: {  	[sflag:s0] =	ssyncadd.s32 @!p0 s1  }
0x121: {  	[bflag:$0x3] =	sbarrier.arrive $0xFFFF  }
0x122: {  	_ =	shalt  }

</sc_bundles>
